<compile_context>
chip_gen: v7x
topology: tpu7x:2x2x1
jax: 0.10.2.dev20260603
libtpu: 0.0.44.dev20260713+nightly
codegen_flags: <defaults>
</compile_context>

<pallas_src>
import functools

import jax
import jax.numpy as jnp
from jax import lax
from jax.experimental import pallas as pl
from jax.experimental.pallas import tpu as pltpu
from jax.experimental.pallas import tpu_sc as plsc

NUM_CORES = 2
NUM_SUBCORES = 16
NUM_WORKERS = NUM_CORES * NUM_SUBCORES
NBUF = 16
T_PAD = 32
D_PAD = 128


@functools.lru_cache(maxsize=None)
def _make_gather(S, T, D, dtype_name):
    dtype = jnp.dtype(dtype_name)
    rows_per_w = S // NUM_WORKERS
    n_chunks = rows_per_w
    n_outer = n_chunks // NBUF
    assert rows_per_w * NUM_WORKERS == S
    assert n_outer * NBUF == n_chunks
    assert T <= T_PAD and D <= D_PAD

    mesh = plsc.VectorSubcoreMesh(core_axis_name="c", subcore_axis_name="s")

    @functools.partial(
        pl.kernel,
        mesh=mesh,
        out_type=jax.ShapeDtypeStruct((S, T_PAD, D_PAD), dtype),
        scratch_types=(
            [pltpu.VMEM((rows_per_w, T), jnp.int32)]
            + [pltpu.VMEM((T, D), dtype) for _ in range(NBUF)]
            + [pltpu.SemaphoreType.DMA for _ in range(NBUF)]
        ),
        compiler_params=pltpu.CompilerParams(use_tc_tiling_on_sc=False,
                                             needs_layout_passes=False),
    )
    def gather(table_hbm, idx_hbm, out_hbm, idx_v, *rest):
        bufs = rest[:NBUF]
        sems = rest[NBUF:]
        wid = lax.axis_index("s") * NUM_CORES + lax.axis_index("c")
        row0 = wid * rows_per_w

        pltpu.sync_copy(idx_hbm.at[pl.ds(row0, rows_per_w)], idx_v)

        def fire(j, b):
            pltpu.async_copy(table_hbm.at[idx_v.at[j]], bufs[b], sems[b])

        def drain(j, b):
            pltpu.make_async_copy(table_hbm.at[idx_v.at[j]], bufs[b],
                                  sems[b]).wait()
            pltpu.sync_copy(bufs[b],
                            out_hbm.at[row0 + j, pl.ds(0, T), pl.ds(0, D)])

        for b in range(NBUF):
            fire(b, b)

        def outer(g, carry):
            for b in range(NBUF):
                j = g * NBUF + b
                drain(j, b)
                fire(j + NBUF, b)
            return carry

        if n_outer > 1:
            lax.fori_loop(0, n_outer - 1, outer, 0)

        for j in range((n_outer - 1) * NBUF, n_chunks):
            drain(j, j % NBUF)

    return gather


def kernel(weight, indices):
    S, T = indices.shape
    D = weight.shape[1]
    outp = _make_gather(S, T, D, str(weight.dtype))(
        weight, indices.astype(jnp.int32))
    return outp[:, :T, :D]

# --- scband reference (transcript-rebuilt; emitter-appended) ---
"""Pipeline reference for scband-custom-embedding-80272938762596 (READ-ONLY COPY).

The authoritative reference and input builder live on the scoring server;
editing this copy changes nothing except your own understanding.
"""

import jax, jax.numpy as jnp
import numpy as np

NUM_EMBEDDINGS = 1000000
EMBEDDING_DIM = 64

def setup_inputs(seed: int = 0) -> dict:
    key = jax.random.key(seed)
    k_w, k_idx = jax.random.split(key)
    weight = jax.random.normal(k_w, (NUM_EMBEDDINGS, EMBEDDING_DIM), dtype=jnp.float32)
    indices = jax.random.randint(k_idx, (16384, 26), 0, NUM_EMBEDDINGS, dtype=jnp.int64)
    return {"weight": weight, "indices": indices}

def reference(weight, indices):
    # torch.ops.qaisw.embedding.default(weight, indices) == embedding lookup: weight[indices]
    return jnp.take(weight, indices, axis=0)

if __name__ == "__main__":
    import jax
    _d = setup_inputs()
    print(jax.jit(kernel)(*tuple(_d.values())))

</pallas_src>

<mosaic_0001>
#map = affine_map<(d0, d1) -> (0, 0)>
#map1 = affine_map<(d0, d1) -> (0, 0, 0)>
module attributes {stable_mosaic.version = 14 : i64} {
  func.func @gather(%arg0: i32, %arg1: i32, %arg2: memref<1000000x64xf32, #tpu.memory_space<hbm>>, %arg3: memref<16384x26xi32, #tpu.memory_space<hbm>>, %arg4: memref<16384x32x128xf32, #tpu.memory_space<hbm>>, %arg5: memref<512x26xi32, #tpu.memory_space<vmem>>, %arg6: memref<26x64xf32, #tpu.memory_space<vmem>>, %arg7: memref<26x64xf32, #tpu.memory_space<vmem>>, %arg8: memref<26x64xf32, #tpu.memory_space<vmem>>, %arg9: memref<26x64xf32, #tpu.memory_space<vmem>>, %arg10: memref<26x64xf32, #tpu.memory_space<vmem>>, %arg11: memref<26x64xf32, #tpu.memory_space<vmem>>, %arg12: memref<26x64xf32, #tpu.memory_space<vmem>>, %arg13: memref<26x64xf32, #tpu.memory_space<vmem>>, %arg14: memref<26x64xf32, #tpu.memory_space<vmem>>, %arg15: memref<26x64xf32, #tpu.memory_space<vmem>>, %arg16: memref<26x64xf32, #tpu.memory_space<vmem>>, %arg17: memref<26x64xf32, #tpu.memory_space<vmem>>, %arg18: memref<26x64xf32, #tpu.memory_space<vmem>>, %arg19: memref<26x64xf32, #tpu.memory_space<vmem>>, %arg20: memref<26x64xf32, #tpu.memory_space<vmem>>, %arg21: memref<26x64xf32, #tpu.memory_space<vmem>>, %arg22: memref<!tpu.dma_semaphore, #tpu.memory_space<semaphore_mem>>, %arg23: memref<!tpu.dma_semaphore, #tpu.memory_space<semaphore_mem>>, %arg24: memref<!tpu.dma_semaphore, #tpu.memory_space<semaphore_mem>>, %arg25: memref<!tpu.dma_semaphore, #tpu.memory_space<semaphore_mem>>, %arg26: memref<!tpu.dma_semaphore, #tpu.memory_space<semaphore_mem>>, %arg27: memref<!tpu.dma_semaphore, #tpu.memory_space<semaphore_mem>>, %arg28: memref<!tpu.dma_semaphore, #tpu.memory_space<semaphore_mem>>, %arg29: memref<!tpu.dma_semaphore, #tpu.memory_space<semaphore_mem>>, %arg30: memref<!tpu.dma_semaphore, #tpu.memory_space<semaphore_mem>>, %arg31: memref<!tpu.dma_semaphore, #tpu.memory_space<semaphore_mem>>, %arg32: memref<!tpu.dma_semaphore, #tpu.memory_space<semaphore_mem>>, %arg33: memref<!tpu.dma_semaphore, #tpu.memory_space<semaphore_mem>>, %arg34: memref<!tpu.dma_semaphore, #tpu.memory_space<semaphore_mem>>, %arg35: memref<!tpu.dma_semaphore, #tpu.memory_space<semaphore_mem>>, %arg36: memref<!tpu.dma_semaphore, #tpu.memory_space<semaphore_mem>>, %arg37: memref<!tpu.dma_semaphore, #tpu.memory_space<semaphore_mem>>) attributes {dimension_semantics = [#tpu.dimension_semantics<core_parallel>, #tpu.dimension_semantics<subcore_parallel>], iteration_bounds = array<i64: 2, 16>, scalar_prefetch = 0 : i64, scratch_operands = 33 : i64, tpu.core_type = #tpu.core_type<sc_vector_subcore>, window_params = [{transform_indices = #map}, {transform_indices = #map}, {transform_indices = #map1}]} {
    %mul3A = arith.constant 2 : i32
    %mul3A_0 = arith.muli %arg1, %mul3A : i32
    %add3A = arith.addi %mul3A_0, %arg0 : i32
    %mul3A_1 = arith.constant 512 : i32
    %mul3A_2 = arith.muli %add3A, %mul3A_1 : i32
    "tpu.region"() ({
      %run_scoped3A = tpu.sem_alloc : memref<!tpu.dma_semaphore, #tpu.memory_space<semaphore_mem>>
      %dma_start3A_262 = arith.constant 0 : i32
      %dma_start3A_263 = tpu.memref_slice %arg3[%mul3A_2, %dma_start3A_262] : memref<16384x26xi32, #tpu.memory_space<hbm>> -> memref<512x26xi32, #tpu.memory_space<hbm>>
      %dma_start3A_264 = arith.constant 0 : i32
      %dma_start3A_265 = tpu.memref_slice %arg3[%mul3A_2, %dma_start3A_264] : memref<16384x26xi32, #tpu.memory_space<hbm>> -> memref<512x26xi32, #tpu.memory_space<hbm>>
      tpu.enqueue_dma source(%dma_start3A_265 : memref<512x26xi32, #tpu.memory_space<hbm>>) target(%arg5 : memref<512x26xi32, #tpu.memory_space<vmem>>) target_semaphore(%run_scoped3A : memref<!tpu.dma_semaphore, #tpu.memory_space<semaphore_mem>>)
      %dma_wait3A_266 = arith.constant 0 : i32
      %dma_wait3A_267 = tpu.memref_slice %arg3[%mul3A_2, %dma_wait3A_266] : memref<16384x26xi32, #tpu.memory_space<hbm>> -> memref<512x26xi32, #tpu.memory_space<hbm>>
      %dma_wait3A_268 = arith.constant 0 : i32
      %dma_wait3A_269 = tpu.memref_slice %arg3[%mul3A_2, %dma_wait3A_268] : memref<16384x26xi32, #tpu.memory_space<hbm>> -> memref<512x26xi32, #tpu.memory_space<hbm>>
      tpu.wait_dma2 semaphore(%run_scoped3A : memref<!tpu.dma_semaphore, #tpu.memory_space<semaphore_mem>>) src(%dma_wait3A_269 : memref<512x26xi32, #tpu.memory_space<hbm>>) dst(%arg5 : memref<512x26xi32, #tpu.memory_space<vmem>>)
      tpu.yield
    }) : () -> ()
    %dma_start3A = arith.constant 0 : i32
    %dma_start3A_3 = arith.constant 0 : i32
    %dma_start3A_4 = tpu.memref_slice %arg5[%dma_start3A, %dma_start3A_3] : memref<512x26xi32, #tpu.memory_space<vmem>> -> memref<1x26xi32, #tpu.memory_space<vmem>>
    %dma_start3A_5 = tpu.memref_squeeze %dma_start3A_4 : memref<1x26xi32, #tpu.memory_space<vmem>> -> memref<26xi32, #tpu.memory_space<vmem>>
    %dma_start3A_6 = arith.constant 0 : i32
    %dma_start3A_7 = arith.constant 0 : i32
    %dma_start3A_8 = tpu.memref_slice %arg2[%dma_start3A_6, %dma_start3A_7] : memref<1000000x64xf32, #tpu.memory_space<hbm>> -> memref<1000000x64xf32, #tpu.memory_space<hbm>>
    tpu.enqueue_indirect_dma source(%dma_start3A_8 : memref<1000000x64xf32, #tpu.memory_space<hbm>>) target(%arg6 : memref<26x64xf32, #tpu.memory_space<vmem>>) offsets(%dma_start3A_5 : memref<26xi32, #tpu.memory_space<vmem>>) semaphore(%arg22 : memref<!tpu.dma_semaphore, #tpu.memory_space<semaphore_mem>>)
    %dma_start3A_9 = arith.constant 1 : i32
    %dma_start3A_10 = arith.constant 0 : i32
    %dma_start3A_11 = tpu.memref_slice %arg5[%dma_start3A_9, %dma_start3A_10] : memref<512x26xi32, #tpu.memory_space<vmem>> -> memref<1x26xi32, #tpu.memory_space<vmem>>
    %dma_start3A_12 = tpu.memref_squeeze %dma_start3A_11 : memref<1x26xi32, #tpu.memory_space<vmem>> -> memref<26xi32, #tpu.memory_space<vmem>>
    %dma_start3A_13 = arith.constant 0 : i32
    %dma_start3A_14 = arith.constant 0 : i32
    %dma_start3A_15 = tpu.memref_slice %arg2[%dma_start3A_13, %dma_start3A_14] : memref<1000000x64xf32, #tpu.memory_space<hbm>> -> memref<1000000x64xf32, #tpu.memory_space<hbm>>
    tpu.enqueue_indirect_dma source(%dma_start3A_15 : memref<1000000x64xf32, #tpu.memory_space<hbm>>) target(%arg7 : memref<26x64xf32, #tpu.memory_space<vmem>>) offsets(%dma_start3A_12 : memref<26xi32, #tpu.memory_space<vmem>>) semaphore(%arg23 : memref<!tpu.dma_semaphore, #tpu.memory_space<semaphore_mem>>)
    %dma_start3A_16 = arith.constant 2 : i32
    %dma_start3A_17 = arith.constant 0 : i32
    %dma_start3A_18 = tpu.memref_slice %arg5[%dma_start3A_16, %dma_start3A_17] : memref<512x26xi32, #tpu.memory_space<vmem>> -> memref<1x26xi32, #tpu.memory_space<vmem>>
    %dma_start3A_19 = tpu.memref_squeeze %dma_start3A_18 : memref<1x26xi32, #tpu.memory_space<vmem>> -> memref<26xi32, #tpu.memory_space<vmem>>
    %dma_start3A_20 = arith.constant 0 : i32
    %dma_start3A_21 = arith.constant 0 : i32
    %dma_start3A_22 = tpu.memref_slice %arg2[%dma_start3A_20, %dma_start3A_21] : memref<1000000x64xf32, #tpu.memory_space<hbm>> -> memref<1000000x64xf32, #tpu.memory_space<hbm>>
    tpu.enqueue_indirect_dma source(%dma_start3A_22 : memref<1000000x64xf32, #tpu.memory_space<hbm>>) target(%arg8 : memref<26x64xf32, #tpu.memory_space<vmem>>) offsets(%dma_start3A_19 : memref<26xi32, #tpu.memory_space<vmem>>) semaphore(%arg24 : memref<!tpu.dma_semaphore, #tpu.memory_space<semaphore_mem>>)
    %dma_start3A_23 = arith.constant 3 : i32
    %dma_start3A_24 = arith.constant 0 : i32
    %dma_start3A_25 = tpu.memref_slice %arg5[%dma_start3A_23, %dma_start3A_24] : memref<512x26xi32, #tpu.memory_space<vmem>> -> memref<1x26xi32, #tpu.memory_space<vmem>>
    %dma_start3A_26 = tpu.memref_squeeze %dma_start3A_25 : memref<1x26xi32, #tpu.memory_space<vmem>> -> memref<26xi32, #tpu.memory_space<vmem>>
    %dma_start3A_27 = arith.constant 0 : i32
    %dma_start3A_28 = arith.constant 0 : i32
    %dma_start3A_29 = tpu.memref_slice %arg2[%dma_start3A_27, %dma_start3A_28] : memref<1000000x64xf32, #tpu.memory_space<hbm>> -> memref<1000000x64xf32, #tpu.memory_space<hbm>>
    tpu.enqueue_indirect_dma source(%dma_start3A_29 : memref<1000000x64xf32, #tpu.memory_space<hbm>>) target(%arg9 : memref<26x64xf32, #tpu.memory_space<vmem>>) offsets(%dma_start3A_26 : memref<26xi32, #tpu.memory_space<vmem>>) semaphore(%arg25 : memref<!tpu.dma_semaphore, #tpu.memory_space<semaphore_mem>>)
    %dma_start3A_30 = arith.constant 4 : i32
    %dma_start3A_31 = arith.constant 0 : i32
    %dma_start3A_32 = tpu.memref_slice %arg5[%dma_start3A_30, %dma_start3A_31] : memref<512x26xi32, #tpu.memory_space<vmem>> -> memref<1x26xi32, #tpu.memory_space<vmem>>
    %dma_start3A_33 = tpu.memref_squeeze %dma_start3A_32 : memref<1x26xi32, #tpu.memory_space<vmem>> -> memref<26xi32, #tpu.memory_space<vmem>>
    %dma_start3A_34 = arith.constant 0 : i32
    %dma_start3A_35 = arith.constant 0 : i32
    %dma_start3A_36 = tpu.memref_slice %arg2[%dma_start3A_34, %dma_start3A_35] : memref<1000000x64xf32, #tpu.memory_space<hbm>> -> memref<1000000x64xf32, #tpu.memory_space<hbm>>
    tpu.enqueue_indirect_dma source(%dma_start3A_36 : memref<1000000x64xf32, #tpu.memory_space<hbm>>) target(%arg10 : memref<26x64xf32, #tpu.memory_space<vmem>>) offsets(%dma_start3A_33 : memref<26xi32, #tpu.memory_space<vmem>>) semaphore(%arg26 : memref<!tpu.dma_semaphore, #tpu.memory_space<semaphore_mem>>)
    %dma_start3A_37 = arith.constant 5 : i32
    %dma_start3A_38 = arith.constant 0 : i32
    %dma_start3A_39 = tpu.memref_slice %arg5[%dma_start3A_37, %dma_start3A_38] : memref<512x26xi32, #tpu.memory_space<vmem>> -> memref<1x26xi32, #tpu.memory_space<vmem>>
    %dma_start3A_40 = tpu.memref_squeeze %dma_start3A_39 : memref<1x26xi32, #tpu.memory_space<vmem>> -> memref<26xi32, #tpu.memory_space<vmem>>
    %dma_start3A_41 = arith.constant 0 : i32
    %dma_start3A_42 = arith.constant 0 : i32
    %dma_start3A_43 = tpu.memref_slice %arg2[%dma_start3A_41, %dma_start3A_42] : memref<1000000x64xf32, #tpu.memory_space<hbm>> -> memref<1000000x64xf32, #tpu.memory_space<hbm>>
    tpu.enqueue_indirect_dma source(%dma_start3A_43 : memref<1000000x64xf32, #tpu.memory_space<hbm>>) target(%arg11 : memref<26x64xf32, #tpu.memory_space<vmem>>) offsets(%dma_start3A_40 : memref<26xi32, #tpu.memory_space<vmem>>) semaphore(%arg27 : memref<!tpu.dma_semaphore, #tpu.memory_space<semaphore_mem>>)
    %dma_start3A_44 = arith.constant 6 : i32
    %dma_start3A_45 = arith.constant 0 : i32
    %dma_start3A_46 = tpu.memref_slice %arg5[%dma_start3A_44, %dma_start3A_45] : memref<512x26xi32, #tpu.memory_space<vmem>> -> memref<1x26xi32, #tpu.memory_space<vmem>>
    %dma_start3A_47 = tpu.memref_squeeze %dma_start3A_46 : memref<1x26xi32, #tpu.memory_space<vmem>> -> memref<26xi32, #tpu.memory_space<vmem>>
    %dma_start3A_48 = arith.constant 0 : i32
    %dma_start3A_49 = arith.constant 0 : i32
    %dma_start3A_50 = tpu.memref_slice %arg2[%dma_start3A_48, %dma_start3A_49] : memref<1000000x64xf32, #tpu.memory_space<hbm>> -> memref<1000000x64xf32, #tpu.memory_space<hbm>>
    tpu.enqueue_indirect_dma source(%dma_start3A_50 : memref<1000000x64xf32, #tpu.memory_space<hbm>>) target(%arg12 : memref<26x64xf32, #tpu.memory_space<vmem>>) offsets(%dma_start3A_47 : memref<26xi32, #tpu.memory_space<vmem>>) semaphore(%arg28 : memref<!tpu.dma_semaphore, #tpu.memory_space<semaphore_mem>>)
    %dma_start3A_51 = arith.constant 7 : i32
    %dma_start3A_52 = arith.constant 0 : i32
    %dma_start3A_53 = tpu.memref_slice %arg5[%dma_start3A_51, %dma_start3A_52] : memref<512x26xi32, #tpu.memory_space<vmem>> -> memref<1x26xi32, #tpu.memory_space<vmem>>
    %dma_start3A_54 = tpu.memref_squeeze %dma_start3A_53 : memref<1x26xi32, #tpu.memory_space<vmem>> -> memref<26xi32, #tpu.memory_space<vmem>>
    %dma_start3A_55 = arith.constant 0 : i32
    %dma_start3A_56 = arith.constant 0 : i32
    %dma_start3A_57 = tpu.memref_slice %arg2[%dma_start3A_55, %dma_start3A_56] : memref<1000000x64xf32, #tpu.memory_space<hbm>> -> memref<1000000x64xf32, #tpu.memory_space<hbm>>
    tpu.enqueue_indirect_dma source(%dma_start3A_57 : memref<1000000x64xf32, #tpu.memory_space<hbm>>) target(%arg13 : memref<26x64xf32, #tpu.memory_space<vmem>>) offsets(%dma_start3A_54 : memref<26xi32, #tpu.memory_space<vmem>>) semaphore(%arg29 : memref<!tpu.dma_semaphore, #tpu.memory_space<semaphore_mem>>)
    %dma_start3A_58 = arith.constant 8 : i32
    %dma_start3A_59 = arith.constant 0 : i32
    %dma_start3A_60 = tpu.memref_slice %arg5[%dma_start3A_58, %dma_start3A_59] : memref<512x26xi32, #tpu.memory_space<vmem>> -> memref<1x26xi32, #tpu.memory_space<vmem>>
    %dma_start3A_61 = tpu.memref_squeeze %dma_start3A_60 : memref<1x26xi32, #tpu.memory_space<vmem>> -> memref<26xi32, #tpu.memory_space<vmem>>
    %dma_start3A_62 = arith.constant 0 : i32
    %dma_start3A_63 = arith.constant 0 : i32
    %dma_start3A_64 = tpu.memref_slice %arg2[%dma_start3A_62, %dma_start3A_63] : memref<1000000x64xf32, #tpu.memory_space<hbm>> -> memref<1000000x64xf32, #tpu.memory_space<hbm>>
    tpu.enqueue_indirect_dma source(%dma_start3A_64 : memref<1000000x64xf32, #tpu.memory_space<hbm>>) target(%arg14 : memref<26x64xf32, #tpu.memory_space<vmem>>) offsets(%dma_start3A_61 : memref<26xi32, #tpu.memory_space<vmem>>) semaphore(%arg30 : memref<!tpu.dma_semaphore, #tpu.memory_space<semaphore_mem>>)
    %dma_start3A_65 = arith.constant 9 : i32
    %dma_start3A_66 = arith.constant 0 : i32
    %dma_start3A_67 = tpu.memref_slice %arg5[%dma_start3A_65, %dma_start3A_66] : memref<512x26xi32, #tpu.memory_space<vmem>> -> memref<1x26xi32, #tpu.memory_space<vmem>>
    %dma_start3A_68 = tpu.memref_squeeze %dma_start3A_67 : memref<1x26xi32, #tpu.memory_space<vmem>> -> memref<26xi32, #tpu.memory_space<vmem>>
    %dma_start3A_69 = arith.constant 0 : i32
    %dma_start3A_70 = arith.constant 0 : i32
    %dma_start3A_71 = tpu.memref_slice %arg2[%dma_start3A_69, %dma_start3A_70] : memref<1000000x64xf32, #tpu.memory_space<hbm>> -> memref<1000000x64xf32, #tpu.memory_space<hbm>>
    tpu.enqueue_indirect_dma source(%dma_start3A_71 : memref<1000000x64xf32, #tpu.memory_space<hbm>>) target(%arg15 : memref<26x64xf32, #tpu.memory_space<vmem>>) offsets(%dma_start3A_68 : memref<26xi32, #tpu.memory_space<vmem>>) semaphore(%arg31 : memref<!tpu.dma_semaphore, #tpu.memory_space<semaphore_mem>>)
    %dma_start3A_72 = arith.constant 10 : i32
    %dma_start3A_73 = arith.constant 0 : i32
    %dma_start3A_74 = tpu.memref_slice %arg5[%dma_start3A_72, %dma_start3A_73] : memref<512x26xi32, #tpu.memory_space<vmem>> -> memref<1x26xi32, #tpu.memory_space<vmem>>
    %dma_start3A_75 = tpu.memref_squeeze %dma_start3A_74 : memref<1x26xi32, #tpu.memory_space<vmem>> -> memref<26xi32, #tpu.memory_space<vmem>>
    %dma_start3A_76 = arith.constant 0 : i32
    %dma_start3A_77 = arith.constant 0 : i32
    %dma_start3A_78 = tpu.memref_slice %arg2[%dma_start3A_76, %dma_start3A_77] : memref<1000000x64xf32, #tpu.memory_space<hbm>> -> memref<1000000x64xf32, #tpu.memory_space<hbm>>
    tpu.enqueue_indirect_dma source(%dma_start3A_78 : memref<1000000x64xf32, #tpu.memory_space<hbm>>) target(%arg16 : memref<26x64xf32, #tpu.memory_space<vmem>>) offsets(%dma_start3A_75 : memref<26xi32, #tpu.memory_space<vmem>>) semaphore(%arg32 : memref<!tpu.dma_semaphore, #tpu.memory_space<semaphore_mem>>)
    %dma_start3A_79 = arith.constant 11 : i32
    %dma_start3A_80 = arith.constant 0 : i32
    %dma_start3A_81 = tpu.memref_slice %arg5[%dma_start3A_79, %dma_start3A_80] : memref<512x26xi32, #tpu.memory_space<vmem>> -> memref<1x26xi32, #tpu.memory_space<vmem>>
    %dma_start3A_82 = tpu.memref_squeeze %dma_start3A_81 : memref<1x26xi32, #tpu.memory_space<vmem>> -> memref<26xi32, #tpu.memory_space<vmem>>
    %dma_start3A_83 = arith.constant 0 : i32
    %dma_start3A_84 = arith.constant 0 : i32
    %dma_start3A_85 = tpu.memref_slice %arg2[%dma_start3A_83, %dma_start3A_84] : memref<1000000x64xf32, #tpu.memory_space<hbm>> -> memref<1000000x64xf32, #tpu.memory_space<hbm>>
    tpu.enqueue_indirect_dma source(%dma_start3A_85 : memref<1000000x64xf32, #tpu.memory_space<hbm>>) target(%arg17 : memref<26x64xf32, #tpu.memory_space<vmem>>) offsets(%dma_start3A_82 : memref<26xi32, #tpu.memory_space<vmem>>) semaphore(%arg33 : memref<!tpu.dma_semaphore, #tpu.memory_space<semaphore_mem>>)
    %dma_start3A_86 = arith.constant 12 : i32
    %dma_start3A_87 = arith.constant 0 : i32
    %dma_start3A_88 = tpu.memref_slice %arg5[%dma_start3A_86, %dma_start3A_87] : memref<512x26xi32, #tpu.memory_space<vmem>> -> memref<1x26xi32, #tpu.memory_space<vmem>>
    %dma_start3A_89 = tpu.memref_squeeze %dma_start3A_88 : memref<1x26xi32, #tpu.memory_space<vmem>> -> memref<26xi32, #tpu.memory_space<vmem>>
    %dma_start3A_90 = arith.constant 0 : i32
    %dma_start3A_91 = arith.constant 0 : i32
    %dma_start3A_92 = tpu.memref_slice %arg2[%dma_start3A_90, %dma_start3A_91] : memref<1000000x64xf32, #tpu.memory_space<hbm>> -> memref<1000000x64xf32, #tpu.memory_space<hbm>>
    tpu.enqueue_indirect_dma source(%dma_start3A_92 : memref<1000000x64xf32, #tpu.memory_space<hbm>>) target(%arg18 : memref<26x64xf32, #tpu.memory_space<vmem>>) offsets(%dma_start3A_89 : memref<26xi32, #tpu.memory_space<vmem>>) semaphore(%arg34 : memref<!tpu.dma_semaphore, #tpu.memory_space<semaphore_mem>>)
    %dma_start3A_93 = arith.constant 13 : i32
    %dma_start3A_94 = arith.constant 0 : i32
    %dma_start3A_95 = tpu.memref_slice %arg5[%dma_start3A_93, %dma_start3A_94] : memref<512x26xi32, #tpu.memory_space<vmem>> -> memref<1x26xi32, #tpu.memory_space<vmem>>
    %dma_start3A_96 = tpu.memref_squeeze %dma_start3A_95 : memref<1x26xi32, #tpu.memory_space<vmem>> -> memref<26xi32, #tpu.memory_space<vmem>>
    %dma_start3A_97 = arith.constant 0 : i32
    %dma_start3A_98 = arith.constant 0 : i32
    %dma_start3A_99 = tpu.memref_slice %arg2[%dma_start3A_97, %dma_start3A_98] : memref<1000000x64xf32, #tpu.memory_space<hbm>> -> memref<1000000x64xf32, #tpu.memory_space<hbm>>
    tpu.enqueue_indirect_dma source(%dma_start3A_99 : memref<1000000x64xf32, #tpu.memory_space<hbm>>) target(%arg19 : memref<26x64xf32, #tpu.memory_space<vmem>>) offsets(%dma_start3A_96 : memref<26xi32, #tpu.memory_space<vmem>>) semaphore(%arg35 : memref<!tpu.dma_semaphore, #tpu.memory_space<semaphore_mem>>)
    %dma_start3A_100 = arith.constant 14 : i32
    %dma_start3A_101 = arith.constant 0 : i32
    %dma_start3A_102 = tpu.memref_slice %arg5[%dma_start3A_100, %dma_start3A_101] : memref<512x26xi32, #tpu.memory_space<vmem>> -> memref<1x26xi32, #tpu.memory_space<vmem>>
    %dma_start3A_103 = tpu.memref_squeeze %dma_start3A_102 : memref<1x26xi32, #tpu.memory_space<vmem>> -> memref<26xi32, #tpu.memory_space<vmem>>
    %dma_start3A_104 = arith.constant 0 : i32
    %dma_start3A_105 = arith.constant 0 : i32
    %dma_start3A_106 = tpu.memref_slice %arg2[%dma_start3A_104, %dma_start3A_105] : memref<1000000x64xf32, #tpu.memory_space<hbm>> -> memref<1000000x64xf32, #tpu.memory_space<hbm>>
    tpu.enqueue_indirect_dma source(%dma_start3A_106 : memref<1000000x64xf32, #tpu.memory_space<hbm>>) target(%arg20 : memref<26x64xf32, #tpu.memory_space<vmem>>) offsets(%dma_start3A_103 : memref<26xi32, #tpu.memory_space<vmem>>) semaphore(%arg36 : memref<!tpu.dma_semaphore, #tpu.memory_space<semaphore_mem>>)
    %dma_start3A_107 = arith.constant 15 : i32
    %dma_start3A_108 = arith.constant 0 : i32
    %dma_start3A_109 = tpu.memref_slice %arg5[%dma_start3A_107, %dma_start3A_108] : memref<512x26xi32, #tpu.memory_space<vmem>> -> memref<1x26xi32, #tpu.memory_space<vmem>>
    %dma_start3A_110 = tpu.memref_squeeze %dma_start3A_109 : memref<1x26xi32, #tpu.memory_space<vmem>> -> memref<26xi32, #tpu.memory_space<vmem>>
    %dma_start3A_111 = arith.constant 0 : i32
    %dma_start3A_112 = arith.constant 0 : i32
    %dma_start3A_113 = tpu.memref_slice %arg2[%dma_start3A_111, %dma_start3A_112] : memref<1000000x64xf32, #tpu.memory_space<hbm>> -> memref<1000000x64xf32, #tpu.memory_space<hbm>>
    tpu.enqueue_indirect_dma source(%dma_start3A_113 : memref<1000000x64xf32, #tpu.memory_space<hbm>>) target(%arg21 : memref<26x64xf32, #tpu.memory_space<vmem>>) offsets(%dma_start3A_110 : memref<26xi32, #tpu.memory_space<vmem>>) semaphore(%arg37 : memref<!tpu.dma_semaphore, #tpu.memory_space<semaphore_mem>>)
    %scan3A = arith.constant 0 : i32
    %scan3A_114 = arith.constant 0 : i32
    %scan3A_115 = arith.constant 31 : i32
    %scan3A_116 = arith.addi %scan3A_114, %scan3A_115 : i32
    %scan3A_117 = arith.constant 1 : i32
    scf.for %scan3A_262 = %scan3A_114 to %scan3A_116 step %scan3A_117  : i32 {
      %mul3A_263 = arith.constant 16 : i32
      %mul3A_264 = arith.muli %scan3A_262, %mul3A_263 : i32
      %add3A_265 = arith.constant 0 : i32
      %add3A_266 = arith.addi %mul3A_264, %add3A_265 : i32
      %dma_wait3A_267 = arith.constant 0 : i32
      %dma_wait3A_268 = tpu.memref_slice %arg5[%add3A_266, %dma_wait3A_267] : memref<512x26xi32, #tpu.memory_space<vmem>> -> memref<1x26xi32, #tpu.memory_space<vmem>>
      %dma_wait3A_269 = tpu.memref_squeeze %dma_wait3A_268 : memref<1x26xi32, #tpu.memory_space<vmem>> -> memref<26xi32, #tpu.memory_space<vmem>>
      %dma_wait3A_270 = arith.constant 0 : i32
      %dma_wait3A_271 = arith.constant 0 : i32
      %dma_wait3A_272 = tpu.memref_slice %arg2[%dma_wait3A_270, %dma_wait3A_271] : memref<1000000x64xf32, #tpu.memory_space<hbm>> -> memref<1000000x64xf32, #tpu.memory_space<hbm>>
      tpu.wait_indirect_dma semaphore(%arg22 : memref<!tpu.dma_semaphore, #tpu.memory_space<semaphore_mem>>) src(%dma_wait3A_272 : memref<1000000x64xf32, #tpu.memory_space<hbm>>) dst(%arg6 : memref<26x64xf32, #tpu.memory_space<vmem>>)
      %add3A_273 = arith.addi %mul3A_2, %add3A_266 : i32
      "tpu.region"() ({
        %run_scoped3A = tpu.sem_alloc : memref<!tpu.dma_semaphore, #tpu.memory_space<semaphore_mem>>
        %dma_start3A_567 = arith.constant 0 : i32
        %dma_start3A_568 = arith.constant 0 : i32
        %dma_start3A_569 = tpu.memref_slice %arg4[%add3A_273, %dma_start3A_567, %dma_start3A_568] : memref<16384x32x128xf32, #tpu.memory_space<hbm>> -> memref<1x26x64xf32, #tpu.memory_space<hbm>>
        %dma_start3A_570 = tpu.memref_squeeze %dma_start3A_569 : memref<1x26x64xf32, #tpu.memory_space<hbm>> -> memref<26x64xf32, #tpu.memory_space<hbm>>
        %dma_start3A_571 = arith.constant 0 : i32
        %dma_start3A_572 = arith.constant 0 : i32
        %dma_start3A_573 = tpu.memref_slice %arg4[%add3A_273, %dma_start3A_571, %dma_start3A_572] : memref<16384x32x128xf32, #tpu.memory_space<hbm>> -> memref<1x26x64xf32, #tpu.memory_space<hbm>>
        %dma_start3A_574 = tpu.memref_squeeze %dma_start3A_573 : memref<1x26x64xf32, #tpu.memory_space<hbm>> -> memref<26x64xf32, #tpu.memory_space<hbm>>
        tpu.enqueue_dma source(%arg6 : memref<26x64xf32, #tpu.memory_space<vmem>>) target(%dma_start3A_574 : memref<26x64xf32, #tpu.memory_space<hbm>>) target_semaphore(%run_scoped3A : memref<!tpu.dma_semaphore, #tpu.memory_space<semaphore_mem>>)
        %dma_wait3A_575 = arith.constant 0 : i32
        %dma_wait3A_576 = arith.constant 0 : i32
        %dma_wait3A_577 = tpu.memref_slice %arg4[%add3A_273, %dma_wait3A_575, %dma_wait3A_576] : memref<16384x32x128xf32, #tpu.memory_space<hbm>> -> memref<1x26x64xf32, #tpu.memory_space<hbm>>
        %dma_wait3A_578 = tpu.memref_squeeze %dma_wait3A_577 : memref<1x26x64xf32, #tpu.memory_space<hbm>> -> memref<26x64xf32, #tpu.memory_space<hbm>>
        %dma_wait3A_579 = arith.constant 0 : i32
        %dma_wait3A_580 = arith.constant 0 : i32
        %dma_wait3A_581 = tpu.memref_slice %arg4[%add3A_273, %dma_wait3A_579, %dma_wait3A_580] : memref<16384x32x128xf32, #tpu.memory_space<hbm>> -> memref<1x26x64xf32, #tpu.memory_space<hbm>>
        %dma_wait3A_582 = tpu.memref_squeeze %dma_wait3A_581 : memref<1x26x64xf32, #tpu.memory_space<hbm>> -> memref<26x64xf32, #tpu.memory_space<hbm>>
        tpu.wait_dma2 semaphore(%run_scoped3A : memref<!tpu.dma_semaphore, #tpu.memory_space<semaphore_mem>>) src(%arg6 : memref<26x64xf32, #tpu.memory_space<vmem>>) dst(%dma_wait3A_582 : memref<26x64xf32, #tpu.memory_space<hbm>>)
        tpu.yield
      }) : () -> ()
      %add3A_274 = arith.constant 16 : i32
      %add3A_275 = arith.addi %add3A_266, %add3A_274 : i32
      %dma_start3A_276 = arith.constant 0 : i32
      %dma_start3A_277 = tpu.memref_slice %arg5[%add3A_275, %dma_start3A_276] : memref<512x26xi32, #tpu.memory_space<vmem>> -> memref<1x26xi32, #tpu.memory_space<vmem>>
      %dma_start3A_278 = tpu.memref_squeeze %dma_start3A_277 : memref<1x26xi32, #tpu.memory_space<vmem>> -> memref<26xi32, #tpu.memory_space<vmem>>
      %dma_start3A_279 = arith.constant 0 : i32
      %dma_start3A_280 = arith.constant 0 : i32
      %dma_start3A_281 = tpu.memref_slice %arg2[%dma_start3A_279, %dma_start3A_280] : memref<1000000x64xf32, #tpu.memory_space<hbm>> -> memref<1000000x64xf32, #tpu.memory_space<hbm>>
      tpu.enqueue_indirect_dma source(%dma_start3A_281 : memref<1000000x64xf32, #tpu.memory_space<hbm>>) target(%arg6 : memref<26x64xf32, #tpu.memory_space<vmem>>) offsets(%dma_start3A_278 : memref<26xi32, #tpu.memory_space<vmem>>) semaphore(%arg22 : memref<!tpu.dma_semaphore, #tpu.memory_space<semaphore_mem>>)
      %mul3A_282 = arith.constant 16 : i32
      %mul3A_283 = arith.muli %scan3A_262, %mul3A_282 : i32
      %add3A_284 = arith.constant 1 : i32
      %add3A_285 = arith.addi %mul3A_283, %add3A_284 : i32
      %dma_wait3A_286 = arith.constant 0 : i32
      %dma_wait3A_287 = tpu.memref_slice %arg5[%add3A_285, %dma_wait3A_286] : memref<512x26xi32, #tpu.memory_space<vmem>> -> memref<1x26xi32, #tpu.memory_space<vmem>>
      %dma_wait3A_288 = tpu.memref_squeeze %dma_wait3A_287 : memref<1x26xi32, #tpu.memory_space<vmem>> -> memref<26xi32, #tpu.memory_space<vmem>>
      %dma_wait3A_289 = arith.constant 0 : i32
      %dma_wait3A_290 = arith.constant 0 : i32
      %dma_wait3A_291 = tpu.memref_slice %arg2[%dma_wait3A_289, %dma_wait3A_290] : memref<1000000x64xf32, #tpu.memory_space<hbm>> -> memref<1000000x64xf32, #tpu.memory_space<hbm>>
      tpu.wait_indirect_dma semaphore(%arg23 : memref<!tpu.dma_semaphore, #tpu.memory_space<semaphore_mem>>) src(%dma_wait3A_291 : memref<1000000x64xf32, #tpu.memory_space<hbm>>) dst(%arg7 : memref<26x64xf32, #tpu.memory_space<vmem>>)
      %add3A_292 = arith.addi %mul3A_2, %add3A_285 : i32
      "tpu.region"() ({
        %run_scoped3A = tpu.sem_alloc : memref<!tpu.dma_semaphore, #tpu.memory_space<semaphore_mem>>
        %dma_start3A_567 = arith.constant 0 : i32
        %dma_start3A_568 = arith.constant 0 : i32
        %dma_start3A_569 = tpu.memref_slice %arg4[%add3A_292, %dma_start3A_567, %dma_start3A_568] : memref<16384x32x128xf32, #tpu.memory_space<hbm>> -> memref<1x26x64xf32, #tpu.memory_space<hbm>>
        %dma_start3A_570 = tpu.memref_squeeze %dma_start3A_569 : memref<1x26x64xf32, #tpu.memory_space<hbm>> -> memref<26x64xf32, #tpu.memory_space<hbm>>
        %dma_start3A_571 = arith.constant 0 : i32
        %dma_start3A_572 = arith.constant 0 : i32
        %dma_start3A_573 = tpu.memref_slice %arg4[%add3A_292, %dma_start3A_571, %dma_start3A_572] : memref<16384x32x128xf32, #tpu.memory_space<hbm>> -> memref<1x26x64xf32, #tpu.memory_space<hbm>>
        %dma_start3A_574 = tpu.memref_squeeze %dma_start3A_573 : memref<1x26x64xf32, #tpu.memory_space<hbm>> -> memref<26x64xf32, #tpu.memory_space<hbm>>
        tpu.enqueue_dma source(%arg7 : memref<26x64xf32, #tpu.memory_space<vmem>>) target(%dma_start3A_574 : memref<26x64xf32, #tpu.memory_space<hbm>>) target_semaphore(%run_scoped3A : memref<!tpu.dma_semaphore, #tpu.memory_space<semaphore_mem>>)
        %dma_wait3A_575 = arith.constant 0 : i32
        %dma_wait3A_576 = arith.constant 0 : i32
        %dma_wait3A_577 = tpu.memref_slice %arg4[%add3A_292, %dma_wait3A_575, %dma_wait3A_576] : memref<16384x32x128xf32, #tpu.memory_space<hbm>> -> memref<1x26x64xf32, #tpu.memory_space<hbm>>
        %dma_wait3A_578 = tpu.memref_squeeze %dma_wait3A_577 : memref<1x26x64xf32, #tpu.memory_space<hbm>> -> memref<26x64xf32, #tpu.memory_space<hbm>>
        %dma_wait3A_579 = arith.constant 0 : i32
        %dma_wait3A_580 = arith.constant 0 : i32
        %dma_wait3A_581 = tpu.memref_slice %arg4[%add3A_292, %dma_wait3A_579, %dma_wait3A_580] : memref<16384x32x128xf32, #tpu.memory_space<hbm>> -> memref<1x26x64xf32, #tpu.memory_space<hbm>>
        %dma_wait3A_582 = tpu.memref_squeeze %dma_wait3A_581 : memref<1x26x64xf32, #tpu.memory_space<hbm>> -> memref<26x64xf32, #tpu.memory_space<hbm>>
        tpu.wait_dma2 semaphore(%run_scoped3A : memref<!tpu.dma_semaphore, #tpu.memory_space<semaphore_mem>>) src(%arg7 : memref<26x64xf32, #tpu.memory_space<vmem>>) dst(%dma_wait3A_582 : memref<26x64xf32, #tpu.memory_space<hbm>>)
        tpu.yield
      }) : () -> ()
      %add3A_293 = arith.constant 16 : i32
      %add3A_294 = arith.addi %add3A_285, %add3A_293 : i32
      %dma_start3A_295 = arith.constant 0 : i32
      %dma_start3A_296 = tpu.memref_slice %arg5[%add3A_294, %dma_start3A_295] : memref<512x26xi32, #tpu.memory_space<vmem>> -> memref<1x26xi32, #tpu.memory_space<vmem>>
      %dma_start3A_297 = tpu.memref_squeeze %dma_start3A_296 : memref<1x26xi32, #tpu.memory_space<vmem>> -> memref<26xi32, #tpu.memory_space<vmem>>
      %dma_start3A_298 = arith.constant 0 : i32
      %dma_start3A_299 = arith.constant 0 : i32
      %dma_start3A_300 = tpu.memref_slice %arg2[%dma_start3A_298, %dma_start3A_299] : memref<1000000x64xf32, #tpu.memory_space<hbm>> -> memref<1000000x64xf32, #tpu.memory_space<hbm>>
      tpu.enqueue_indirect_dma source(%dma_start3A_300 : memref<1000000x64xf32, #tpu.memory_space<hbm>>) target(%arg7 : memref<26x64xf32, #tpu.memory_space<vmem>>) offsets(%dma_start3A_297 : memref<26xi32, #tpu.memory_space<vmem>>) semaphore(%arg23 : memref<!tpu.dma_semaphore, #tpu.memory_space<semaphore_mem>>)
      %mul3A_301 = arith.constant 16 : i32
      %mul3A_302 = arith.muli %scan3A_262, %mul3A_301 : i32
      %add3A_303 = arith.constant 2 : i32
      %add3A_304 = arith.addi %mul3A_302, %add3A_303 : i32
      %dma_wait3A_305 = arith.constant 0 : i32
      %dma_wait3A_306 = tpu.memref_slice %arg5[%add3A_304, %dma_wait3A_305] : memref<512x26xi32, #tpu.memory_space<vmem>> -> memref<1x26xi32, #tpu.memory_space<vmem>>
      %dma_wait3A_307 = tpu.memref_squeeze %dma_wait3A_306 : memref<1x26xi32, #tpu.memory_space<vmem>> -> memref<26xi32, #tpu.memory_space<vmem>>
      %dma_wait3A_308 = arith.constant 0 : i32
      %dma_wait3A_309 = arith.constant 0 : i32
      %dma_wait3A_310 = tpu.memref_slice %arg2[%dma_wait3A_308, %dma_wait3A_309] : memref<1000000x64xf32, #tpu.memory_space<hbm>> -> memref<1000000x64xf32, #tpu.memory_space<hbm>>
      tpu.wait_indirect_dma semaphore(%arg24 : memref<!tpu.dma_semaphore, #tpu.memory_space<semaphore_mem>>) src(%dma_wait3A_310 : memref<1000000x64xf32, #tpu.memory_space<hbm>>) dst(%arg8 : memref<26x64xf32, #tpu.memory_space<vmem>>)
      %add3A_311 = arith.addi %mul3A_2, %add3A_304 : i32
      "tpu.region"() ({
        %run_scoped3A = tpu.sem_alloc : memref<!tpu.dma_semaphore, #tpu.memory_space<semaphore_mem>>
        %dma_start3A_567 = arith.constant 0 : i32
        %dma_start3A_568 = arith.constant 0 : i32
        %dma_start3A_569 = tpu.memref_slice %arg4[%add3A_311, %dma_start3A_567, %dma_start3A_568] : memref<16384x32x128xf32, #tpu.memory_space<hbm>> -> memref<1x26x64xf32, #tpu.memory_space<hbm>>
        %dma_start3A_570 = tpu.memref_squeeze %dma_start3A_569 : memref<1x26x64xf32, #tpu.memory_space<hbm>> -> memref<26x64xf32, #tpu.memory_space<hbm>>
        %dma_start3A_571 = arith.constant 0 : i32
        %dma_start3A_572 = arith.constant 0 : i32
        %dma_start3A_573 = tpu.memref_slice %arg4[%add3A_311, %dma_start3A_571, %dma_start3A_572] : memref<16384x32x128xf32, #tpu.memory_space<hbm>> -> memref<1x26x64xf32, #tpu.memory_space<hbm>>
        %dma_start3A_574 = tpu.memref_squeeze %dma_start3A_573 : memref<1x26x64xf32, #tpu.memory_space<hbm>> -> memref<26x64xf32, #tpu.memory_space<hbm>>
        tpu.enqueue_dma source(%arg8 : memref<26x64xf32, #tpu.memory_space<vmem>>) target(%dma_start3A_574 : memref<26x64xf32, #tpu.memory_space<hbm>>) target_semaphore(%run_scoped3A : memref<!tpu.dma_semaphore, #tpu.memory_space<semaphore_mem>>)
        %dma_wait3A_575 = arith.constant 0 : i32
        %dma_wait3A_576 = arith.constant 0 : i32
        %dma_wait3A_577 = tpu.memref_slice %arg4[%add3A_311, %dma_wait3A_575, %dma_wait3A_576] : memref<16384x32x128xf32, #tpu.memory_space<hbm>> -> memref<1x26x64xf32, #tpu.memory_space<hbm>>
        %dma_wait3A_578 = tpu.memref_squeeze %dma_wait3A_577 : memref<1x26x64xf32, #tpu.memory_space<hbm>> -> memref<26x64xf32, #tpu.memory_space<hbm>>
        %dma_wait3A_579 = arith.constant 0 : i32
        %dma_wait3A_580 = arith.constant 0 : i32
        %dma_wait3A_581 = tpu.memref_slice %arg4[%add3A_311, %dma_wait3A_579, %dma_wait3A_580] : memref<16384x32x128xf32, #tpu.memory_space<hbm>> -> memref<1x26x64xf32, #tpu.memory_space<hbm>>
        %dma_wait3A_582 = tpu.memref_squeeze %dma_wait3A_581 : memref<1x26x64xf32, #tpu.memory_space<hbm>> -> memref<26x64xf32, #tpu.memory_space<hbm>>
        tpu.wait_dma2 semaphore(%run_scoped3A : memref<!tpu.dma_semaphore, #tpu.memory_space<semaphore_mem>>) src(%arg8 : memref<26x64xf32, #tpu.memory_space<vmem>>) dst(%dma_wait3A_582 : memref<26x64xf32, #tpu.memory_space<hbm>>)
        tpu.yield
      }) : () -> ()
      %add3A_312 = arith.constant 16 : i32
      %add3A_313 = arith.addi %add3A_304, %add3A_312 : i32
      %dma_start3A_314 = arith.constant 0 : i32
      %dma_start3A_315 = tpu.memref_slice %arg5[%add3A_313, %dma_start3A_314] : memref<512x26xi32, #tpu.memory_space<vmem>> -> memref<1x26xi32, #tpu.memory_space<vmem>>
      %dma_start3A_316 = tpu.memref_squeeze %dma_start3A_315 : memref<1x26xi32, #tpu.memory_space<vmem>> -> memref<26xi32, #tpu.memory_space<vmem>>
      %dma_start3A_317 = arith.constant 0 : i32
      %dma_start3A_318 = arith.constant 0 : i32
      %dma_start3A_319 = tpu.memref_slice %arg2[%dma_start3A_317, %dma_start3A_318] : memref<1000000x64xf32, #tpu.memory_space<hbm>> -> memref<1000000x64xf32, #tpu.memory_space<hbm>>
      tpu.enqueue_indirect_dma source(%dma_start3A_319 : memref<1000000x64xf32, #tpu.memory_space<hbm>>) target(%arg8 : memref<26x64xf32, #tpu.memory_space<vmem>>) offsets(%dma_start3A_316 : memref<26xi32, #tpu.memory_space<vmem>>) semaphore(%arg24 : memref<!tpu.dma_semaphore, #tpu.memory_space<semaphore_mem>>)
      %mul3A_320 = arith.constant 16 : i32
      %mul3A_321 = arith.muli %scan3A_262, %mul3A_320 : i32
      %add3A_322 = arith.constant 3 : i32
      %add3A_323 = arith.addi %mul3A_321, %add3A_322 : i32
      %dma_wait3A_324 = arith.constant 0 : i32
      %dma_wait3A_325 = tpu.memref_slice %arg5[%add3A_323, %dma_wait3A_324] : memref<512x26xi32, #tpu.memory_space<vmem>> -> memref<1x26xi32, #tpu.memory_space<vmem>>
      %dma_wait3A_326 = tpu.memref_squeeze %dma_wait3A_325 : memref<1x26xi32, #tpu.memory_space<vmem>> -> memref<26xi32, #tpu.memory_space<vmem>>
      %dma_wait3A_327 = arith.constant 0 : i32
      %dma_wait3A_328 = arith.constant 0 : i32
      %dma_wait3A_329 = tpu.memref_slice %arg2[%dma_wait3A_327, %dma_wait3A_328] : memref<1000000x64xf32, #tpu.memory_space<hbm>> -> memref<1000000x64xf32, #tpu.memory_space<hbm>>
      tpu.wait_indirect_dma semaphore(%arg25 : memref<!tpu.dma_semaphore, #tpu.memory_space<semaphore_mem>>) src(%dma_wait3A_329 : memref<1000000x64xf32, #tpu.memory_space<hbm>>) dst(%arg9 : memref<26x64xf32, #tpu.memory_space<vmem>>)
      %add3A_330 = arith.addi %mul3A_2, %add3A_323 : i32
      "tpu.region"() ({
        %run_scoped3A = tpu.sem_alloc : memref<!tpu.dma_semaphore, #tpu.memory_space<semaphore_mem>>
        %dma_start3A_567 = arith.constant 0 : i32
        %dma_start3A_568 = arith.constant 0 : i32
        %dma_start3A_569 = tpu.memref_slice %arg4[%add3A_330, %dma_start3A_567, %dma_start3A_568] : memref<16384x32x128xf32, #tpu.memory_space<hbm>> -> memref<1x26x64xf32, #tpu.memory_space<hbm>>
        %dma_start3A_570 = tpu.memref_squeeze %dma_start3A_569 : memref<1x26x64xf32, #tpu.memory_space<hbm>> -> memref<26x64xf32, #tpu.memory_space<hbm>>
        %dma_start3A_571 = arith.constant 0 : i32
        %dma_start3A_572 = arith.constant 0 : i32
        %dma_start3A_573 = tpu.memref_slice %arg4[%add3A_330, %dma_start3A_571, %dma_start3A_572] : memref<16384x32x128xf32, #tpu.memory_space<hbm>> -> memref<1x26x64xf32, #tpu.memory_space<hbm>>
        %dma_start3A_574 = tpu.memref_squeeze %dma_start3A_573 : memref<1x26x64xf32, #tpu.memory_space<hbm>> -> memref<26x64xf32, #tpu.memory_space<hbm>>
        tpu.enqueue_dma source(%arg9 : memref<26x64xf32, #tpu.memory_space<vmem>>) target(%dma_start3A_574 : memref<26x64xf32, #tpu.memory_space<hbm>>) target_semaphore(%run_scoped3A : memref<!tpu.dma_semaphore, #tpu.memory_space<semaphore_mem>>)
        %dma_wait3A_575 = arith.constant 0 : i32
        %dma_wait3A_576 = arith.constant 0 : i32
        %dma_wait3A_577 = tpu.memref_slice %arg4[%add3A_330, %dma_wait3A_575, %dma_wait3A_576] : memref<16384x32x128xf32, #tpu.memory_space<hbm>> -> memref<1x26x64xf32, #tpu.memory_space<hbm>>
        %dma_wait3A_578 = tpu.memref_squeeze %dma_wait3A_577 : memref<1x26x64xf32, #tpu.memory_space<hbm>> -> memref<26x64xf32, #tpu.memory_space<hbm>>
        %dma_wait3A_579 = arith.constant 0 : i32
        %dma_wait3A_580 = arith.constant 0 : i32
        %dma_wait3A_581 = tpu.memref_slice %arg4[%add3A_330, %dma_wait3A_579, %dma_wait3A_580] : memref<16384x32x128xf32, #tpu.memory_space<hbm>> -> memref<1x26x64xf32, #tpu.memory_space<hbm>>
        %dma_wait3A_582 = tpu.memref_squeeze %dma_wait3A_581 : memref<1x26x64xf32, #tpu.memory_space<hbm>> -> memref<26x64xf32, #tpu.memory_space<hbm>>
        tpu.wait_dma2 semaphore(%run_scoped3A : memref<!tpu.dma_semaphore, #tpu.memory_space<semaphore_mem>>) src(%arg9 : memref<26x64xf32, #tpu.memory_space<vmem>>) dst(%dma_wait3A_582 : memref<26x64xf32, #tpu.memory_space<hbm>>)
        tpu.yield
      }) : () -> ()
      %add3A_331 = arith.constant 16 : i32
      %add3A_332 = arith.addi %add3A_323, %add3A_331 : i32
      %dma_start3A_333 = arith.constant 0 : i32
      %dma_start3A_334 = tpu.memref_slice %arg5[%add3A_332, %dma_start3A_333] : memref<512x26xi32, #tpu.memory_space<vmem>> -> memref<1x26xi32, #tpu.memory_space<vmem>>
      %dma_start3A_335 = tpu.memref_squeeze %dma_start3A_334 : memref<1x26xi32, #tpu.memory_space<vmem>> -> memref<26xi32, #tpu.memory_space<vmem>>
      %dma_start3A_336 = arith.constant 0 : i32
      %dma_start3A_337 = arith.constant 0 : i32
      %dma_start3A_338 = tpu.memref_slice %arg2[%dma_start3A_336, %dma_start3A_337] : memref<1000000x64xf32, #tpu.memory_space<hbm>> -> memref<1000000x64xf32, #tpu.memory_space<hbm>>
      tpu.enqueue_indirect_dma source(%dma_start3A_338 : memref<1000000x64xf32, #tpu.memory_space<hbm>>) target(%arg9 : memref<26x64xf32, #tpu.memory_space<vmem>>) offsets(%dma_start3A_335 : memref<26xi32, #tpu.memory_space<vmem>>) semaphore(%arg25 : memref<!tpu.dma_semaphore, #tpu.memory_space<semaphore_mem>>)
      %mul3A_339 = arith.constant 16 : i32
      %mul3A_340 = arith.muli %scan3A_262, %mul3A_339 : i32
      %add3A_341 = arith.constant 4 : i32
      %add3A_342 = arith.addi %mul3A_340, %add3A_341 : i32
      %dma_wait3A_343 = arith.constant 0 : i32
      %dma_wait3A_344 = tpu.memref_slice %arg5[%add3A_342, %dma_wait3A_343] : memref<512x26xi32, #tpu.memory_space<vmem>> -> memref<1x26xi32, #tpu.memory_space<vmem>>
      %dma_wait3A_345 = tpu.memref_squeeze %dma_wait3A_344 : memref<1x26xi32, #tpu.memory_space<vmem>> -> memref<26xi32, #tpu.memory_space<vmem>>
      %dma_wait3A_346 = arith.constant 0 : i32
      %dma_wait3A_347 = arith.constant 0 : i32
      %dma_wait3A_348 = tpu.memref_slice %arg2[%dma_wait3A_346, %dma_wait3A_347] : memref<1000000x64xf32, #tpu.memory_space<hbm>> -> memref<1000000x64xf32, #tpu.memory_space<hbm>>
      tpu.wait_indirect_dma semaphore(%arg26 : memref<!tpu.dma_semaphore, #tpu.memory_space<semaphore_mem>>) src(%dma_wait3A_348 : memref<1000000x64xf32, #tpu.memory_space<hbm>>) dst(%arg10 : memref<26x64xf32, #tpu.memory_space<vmem>>)
      %add3A_349 = arith.addi %mul3A_2, %add3A_342 : i32
      "tpu.region"() ({
        %run_scoped3A = tpu.sem_alloc : memref<!tpu.dma_semaphore, #tpu.memory_space<semaphore_mem>>
        %dma_start3A_567 = arith.constant 0 : i32
        %dma_start3A_568 = arith.constant 0 : i32
        %dma_start3A_569 = tpu.memref_slice %arg4[%add3A_349, %dma_start3A_567, %dma_start3A_568] : memref<16384x32x128xf32, #tpu.memory_space<hbm>> -> memref<1x26x64xf32, #tpu.memory_space<hbm>>
        %dma_start3A_570 = tpu.memref_squeeze %dma_start3A_569 : memref<1x26x64xf32, #tpu.memory_space<hbm>> -> memref<26x64xf32, #tpu.memory_space<hbm>>
        %dma_start3A_571 = arith.constant 0 : i32
        %dma_start3A_572 = arith.constant 0 : i32
        %dma_start3A_573 = tpu.memref_slice %arg4[%add3A_349, %dma_start3A_571, %dma_start3A_572] : memref<16384x32x128xf32, #tpu.memory_space<hbm>> -> memref<1x26x64xf32, #tpu.memory_space<hbm>>
        %dma_start3A_574 = tpu.memref_squeeze %dma_start3A_573 : memref<1x26x64xf32, #tpu.memory_space<hbm>> -> memref<26x64xf32, #tpu.memory_space<hbm>>
        tpu.enqueue_dma source(%arg10 : memref<26x64xf32, #tpu.memory_space<vmem>>) target(%dma_start3A_574 : memref<26x64xf32, #tpu.memory_space<hbm>>) target_semaphore(%run_scoped3A : memref<!tpu.dma_semaphore, #tpu.memory_space<semaphore_mem>>)
        %dma_wait3A_575 = arith.constant 0 : i32
        %dma_wait3A_576 = arith.constant 0 : i32
        %dma_wait3A_577 = tpu.memref_slice %arg4[%add3A_349, %dma_wait3A_575, %dma_wait3A_576] : memref<16384x32x128xf32, #tpu.memory_space<hbm>> -> memref<1x26x64xf32, #tpu.memory_space<hbm>>
        %dma_wait3A_578 = tpu.memref_squeeze %dma_wait3A_577 : memref<1x26x64xf32, #tpu.memory_space<hbm>> -> memref<26x64xf32, #tpu.memory_space<hbm>>
        %dma_wait3A_579 = arith.constant 0 : i32
        %dma_wait3A_580 = arith.constant 0 : i32
        %dma_wait3A_581 = tpu.memref_slice %arg4[%add3A_349, %dma_wait3A_579, %dma_wait3A_580] : memref<16384x32x128xf32, #tpu.memory_space<hbm>> -> memref<1x26x64xf32, #tpu.memory_space<hbm>>
        %dma_wait3A_582 = tpu.memref_squeeze %dma_wait3A_581 : memref<1x26x64xf32, #tpu.memory_space<hbm>> -> memref<26x64xf32, #tpu.memory_space<hbm>>
        tpu.wait_dma2 semaphore(%run_scoped3A : memref<!tpu.dma_semaphore, #tpu.memory_space<semaphore_mem>>) src(%arg10 : memref<26x64xf32, #tpu.memory_space<vmem>>) dst(%dma_wait3A_582 : memref<26x64xf32, #tpu.memory_space<hbm>>)
        tpu.yield
      }) : () -> ()
      %add3A_350 = arith.constant 16 : i32
      %add3A_351 = arith.addi %add3A_342, %add3A_350 : i32
      %dma_start3A_352 = arith.constant 0 : i32
      %dma_start3A_353 = tpu.memref_slice %arg5[%add3A_351, %dma_start3A_352] : memref<512x26xi32, #tpu.memory_space<vmem>> -> memref<1x26xi32, #tpu.memory_space<vmem>>
      %dma_start3A_354 = tpu.memref_squeeze %dma_start3A_353 : memref<1x26xi32, #tpu.memory_space<vmem>> -> memref<26xi32, #tpu.memory_space<vmem>>
      %dma_start3A_355 = arith.constant 0 : i32
      %dma_start3A_356 = arith.constant 0 : i32
      %dma_start3A_357 = tpu.memref_slice %arg2[%dma_start3A_355, %dma_start3A_356] : memref<1000000x64xf32, #tpu.memory_space<hbm>> -> memref<1000000x64xf32, #tpu.memory_space<hbm>>
      tpu.enqueue_indirect_dma source(%dma_start3A_357 : memref<1000000x64xf32, #tpu.memory_space<hbm>>) target(%arg10 : memref<26x64xf32, #tpu.memory_space<vmem>>) offsets(%dma_start3A_354 : memref<26xi32, #tpu.memory_space<vmem>>) semaphore(%arg26 : memref<!tpu.dma_semaphore, #tpu.memory_space<semaphore_mem>>)
      %mul3A_358 = arith.constant 16 : i32
      %mul3A_359 = arith.muli %scan3A_262, %mul3A_358 : i32
      %add3A_360 = arith.constant 5 : i32
      %add3A_361 = arith.addi %mul3A_359, %add3A_360 : i32
      %dma_wait3A_362 = arith.constant 0 : i32
      %dma_wait3A_363 = tpu.memref_slice %arg5[%add3A_361, %dma_wait3A_362] : memref<512x26xi32, #tpu.memory_space<vmem>> -> memref<1x26xi32, #tpu.memory_space<vmem>>
      %dma_wait3A_364 = tpu.memref_squeeze %dma_wait3A_363 : memref<1x26xi32, #tpu.memory_space<vmem>> -> memref<26xi32, #tpu.memory_space<vmem>>
      %dma_wait3A_365 = arith.constant 0 : i32
      %dma_wait3A_366 = arith.constant 0 : i32
      %dma_wait3A_367 = tpu.memref_slice %arg2[%dma_wait3A_365, %dma_wait3A_366] : memref<1000000x64xf32, #tpu.memory_space<hbm>> -> memref<1000000x64xf32, #tpu.memory_space<hbm>>
      tpu.wait_indirect_dma semaphore(%arg27 : memref<!tpu.dma_semaphore, #tpu.memory_space<semaphore_mem>>) src(%dma_wait3A_367 : memref<1000000x64xf32, #tpu.memory_space<hbm>>) dst(%arg11 : memref<26x64xf32, #tpu.memory_space<vmem>>)
      %add3A_368 = arith.addi %mul3A_2, %add3A_361 : i32
      "tpu.region"() ({
        %run_scoped3A = tpu.sem_alloc : memref<!tpu.dma_semaphore, #tpu.memory_space<semaphore_mem>>
        %dma_start3A_567 = arith.constant 0 : i32
        %dma_start3A_568 = arith.constant 0 : i32
        %dma_start3A_569 = tpu.memref_slice %arg4[%add3A_368, %dma_start3A_567, %dma_start3A_568] : memref<16384x32x128xf32, #tpu.memory_space<hbm>> -> memref<1x26x64xf32, #tpu.memory_space<hbm>>
        %dma_start3A_570 = tpu.memref_squeeze %dma_start3A_569 : memref<1x26x64xf32, #tpu.memory_space<hbm>> -> memref<26x64xf32, #tpu.memory_space<hbm>>
        %dma_start3A_571 = arith.constant 0 : i32
        %dma_start3A_572 = arith.constant 0 : i32
        %dma_start3A_573 = tpu.memref_slice %arg4[%add3A_368, %dma_start3A_571, %dma_start3A_572] : memref<16384x32x128xf32, #tpu.memory_space<hbm>> -> memref<1x26x64xf32, #tpu.memory_space<hbm>>
        %dma_start3A_574 = tpu.memref_squeeze %dma_start3A_573 : memref<1x26x64xf32, #tpu.memory_space<hbm>> -> memref<26x64xf32, #tpu.memory_space<hbm>>
        tpu.enqueue_dma source(%arg11 : memref<26x64xf32, #tpu.memory_space<vmem>>) target(%dma_start3A_574 : memref<26x64xf32, #tpu.memory_space<hbm>>) target_semaphore(%run_scoped3A : memref<!tpu.dma_semaphore, #tpu.memory_space<semaphore_mem>>)
        %dma_wait3A_575 = arith.constant 0 : i32
        %dma_wait3A_576 = arith.constant 0 : i32
        %dma_wait3A_577 = tpu.memref_slice %arg4[%add3A_368, %dma_wait3A_575, %dma_wait3A_576] : memref<16384x32x128xf32, #tpu.memory_space<hbm>> -> memref<1x26x64xf32, #tpu.memory_space<hbm>>
        %dma_wait3A_578 = tpu.memref_squeeze %dma_wait3A_577 : memref<1x26x64xf32, #tpu.memory_space<hbm>> -> memref<26x64xf32, #tpu.memory_space<hbm>>
        %dma_wait3A_579 = arith.constant 0 : i32
        %dma_wait3A_580 = arith.constant 0 : i32
        %dma_wait3A_581 = tpu.memref_slice %arg4[%add3A_368, %dma_wait3A_579, %dma_wait3A_580] : memref<16384x32x128xf32, #tpu.memory_space<hbm>> -> memref<1x26x64xf32, #tpu.memory_space<hbm>>
        %dma_wait3A_582 = tpu.memref_squeeze %dma_wait3A_581 : memref<1x26x64xf32, #tpu.memory_space<hbm>> -> memref<26x64xf32, #tpu.memory_space<hbm>>
        tpu.wait_dma2 semaphore(%run_scoped3A : memref<!tpu.dma_semaphore, #tpu.memory_space<semaphore_mem>>) src(%arg11 : memref<26x64xf32, #tpu.memory_space<vmem>>) dst(%dma_wait3A_582 : memref<26x64xf32, #tpu.memory_space<hbm>>)
        tpu.yield
      }) : () -> ()
      %add3A_369 = arith.constant 16 : i32
      %add3A_370 = arith.addi %add3A_361, %add3A_369 : i32
      %dma_start3A_371 = arith.constant 0 : i32
      %dma_start3A_372 = tpu.memref_slice %arg5[%add3A_370, %dma_start3A_371] : memref<512x26xi32, #tpu.memory_space<vmem>> -> memref<1x26xi32, #tpu.memory_space<vmem>>
      %dma_start3A_373 = tpu.memref_squeeze %dma_start3A_372 : memref<1x26xi32, #tpu.memory_space<vmem>> -> memref<26xi32, #tpu.memory_space<vmem>>
      %dma_start3A_374 = arith.constant 0 : i32
      %dma_start3A_375 = arith.constant 0 : i32
      %dma_start3A_376 = tpu.memref_slice %arg2[%dma_start3A_374, %dma_start3A_375] : memref<1000000x64xf32, #tpu.memory_space<hbm>> -> memref<1000000x64xf32, #tpu.memory_space<hbm>>
      tpu.enqueue_indirect_dma source(%dma_start3A_376 : memref<1000000x64xf32, #tpu.memory_space<hbm>>) target(%arg11 : memref<26x64xf32, #tpu.memory_space<vmem>>) offsets(%dma_start3A_373 : memref<26xi32, #tpu.memory_space<vmem>>) semaphore(%arg27 : memref<!tpu.dma_semaphore, #tpu.memory_space<semaphore_mem>>)
      %mul3A_377 = arith.constant 16 : i32
      %mul3A_378 = arith.muli %scan3A_262, %mul3A_377 : i32
      %add3A_379 = arith.constant 6 : i32
      %add3A_380 = arith.addi %mul3A_378, %add3A_379 : i32
      %dma_wait3A_381 = arith.constant 0 : i32
      %dma_wait3A_382 = tpu.memref_slice %arg5[%add3A_380, %dma_wait3A_381] : memref<512x26xi32, #tpu.memory_space<vmem>> -> memref<1x26xi32, #tpu.memory_space<vmem>>
      %dma_wait3A_383 = tpu.memref_squeeze %dma_wait3A_382 : memref<1x26xi32, #tpu.memory_space<vmem>> -> memref<26xi32, #tpu.memory_space<vmem>>
      %dma_wait3A_384 = arith.constant 0 : i32
      %dma_wait3A_385 = arith.constant 0 : i32
      %dma_wait3A_386 = tpu.memref_slice %arg2[%dma_wait3A_384, %dma_wait3A_385] : memref<1000000x64xf32, #tpu.memory_space<hbm>> -> memref<1000000x64xf32, #tpu.memory_space<hbm>>
      tpu.wait_indirect_dma semaphore(%arg28 : memref<!tpu.dma_semaphore, #tpu.memory_space<semaphore_mem>>) src(%dma_wait3A_386 : memref<1000000x64xf32, #tpu.memory_space<hbm>>) dst(%arg12 : memref<26x64xf32, #tpu.memory_space<vmem>>)
      %add3A_387 = arith.addi %mul3A_2, %add3A_380 : i32
      "tpu.region"() ({
        %run_scoped3A = tpu.sem_alloc : memref<!tpu.dma_semaphore, #tpu.memory_space<semaphore_mem>>
        %dma_start3A_567 = arith.constant 0 : i32
        %dma_start3A_568 = arith.constant 0 : i32
        %dma_start3A_569 = tpu.memref_slice %arg4[%add3A_387, %dma_start3A_567, %dma_start3A_568] : memref<16384x32x128xf32, #tpu.memory_space<hbm>> -> memref<1x26x64xf32, #tpu.memory_space<hbm>>
        %dma_start3A_570 = tpu.memref_squeeze %dma_start3A_569 : memref<1x26x64xf32, #tpu.memory_space<hbm>> -> memref<26x64xf32, #tpu.memory_space<hbm>>
        %dma_start3A_571 = arith.constant 0 : i32
        %dma_start3A_572 = arith.constant 0 : i32
        %dma_start3A_573 = tpu.memref_slice %arg4[%add3A_387, %dma_start3A_571, %dma_start3A_572] : memref<16384x32x128xf32, #tpu.memory_space<hbm>> -> memref<1x26x64xf32, #tpu.memory_space<hbm>>
        %dma_start3A_574 = tpu.memref_squeeze %dma_start3A_573 : memref<1x26x64xf32, #tpu.memory_space<hbm>> -> memref<26x64xf32, #tpu.memory_space<hbm>>
        tpu.enqueue_dma source(%arg12 : memref<26x64xf32, #tpu.memory_space<vmem>>) target(%dma_start3A_574 : memref<26x64xf32, #tpu.memory_space<hbm>>) target_semaphore(%run_scoped3A : memref<!tpu.dma_semaphore, #tpu.memory_space<semaphore_mem>>)
        %dma_wait3A_575 = arith.constant 0 : i32
        %dma_wait3A_576 = arith.constant 0 : i32
        %dma_wait3A_577 = tpu.memref_slice %arg4[%add3A_387, %dma_wait3A_575, %dma_wait3A_576] : memref<16384x32x128xf32, #tpu.memory_space<hbm>> -> memref<1x26x64xf32, #tpu.memory_space<hbm>>
        %dma_wait3A_578 = tpu.memref_squeeze %dma_wait3A_577 : memref<1x26x64xf32, #tpu.memory_space<hbm>> -> memref<26x64xf32, #tpu.memory_space<hbm>>
        %dma_wait3A_579 = arith.constant 0 : i32
        %dma_wait3A_580 = arith.constant 0 : i32
        %dma_wait3A_581 = tpu.memref_slice %arg4[%add3A_387, %dma_wait3A_579, %dma_wait3A_580] : memref<16384x32x128xf32, #tpu.memory_space<hbm>> -> memref<1x26x64xf32, #tpu.memory_space<hbm>>
        %dma_wait3A_582 = tpu.memref_squeeze %dma_wait3A_581 : memref<1x26x64xf32, #tpu.memory_space<hbm>> -> memref<26x64xf32, #tpu.memory_space<hbm>>
        tpu.wait_dma2 semaphore(%run_scoped3A : memref<!tpu.dma_semaphore, #tpu.memory_space<semaphore_mem>>) src(%arg12 : memref<26x64xf32, #tpu.memory_space<vmem>>) dst(%dma_wait3A_582 : memref<26x64xf32, #tpu.memory_space<hbm>>)
        tpu.yield
      }) : () -> ()
      %add3A_388 = arith.constant 16 : i32
      %add3A_389 = arith.addi %add3A_380, %add3A_388 : i32
      %dma_start3A_390 = arith.constant 0 : i32
      %dma_start3A_391 = tpu.memref_slice %arg5[%add3A_389, %dma_start3A_390] : memref<512x26xi32, #tpu.memory_space<vmem>> -> memref<1x26xi32, #tpu.memory_space<vmem>>
      %dma_start3A_392 = tpu.memref_squeeze %dma_start3A_391 : memref<1x26xi32, #tpu.memory_space<vmem>> -> memref<26xi32, #tpu.memory_space<vmem>>
      %dma_start3A_393 = arith.constant 0 : i32
      %dma_start3A_394 = arith.constant 0 : i32
      %dma_start3A_395 = tpu.memref_slice %arg2[%dma_start3A_393, %dma_start3A_394] : memref<1000000x64xf32, #tpu.memory_space<hbm>> -> memref<1000000x64xf32, #tpu.memory_space<hbm>>
      tpu.enqueue_indirect_dma source(%dma_start3A_395 : memref<1000000x64xf32, #tpu.memory_space<hbm>>) target(%arg12 : memref<26x64xf32, #tpu.memory_space<vmem>>) offsets(%dma_start3A_392 : memref<26xi32, #tpu.memory_space<vmem>>) semaphore(%arg28 : memref<!tpu.dma_semaphore, #tpu.memory_space<semaphore_mem>>)
      %mul3A_396 = arith.constant 16 : i32
      %mul3A_397 = arith.muli %scan3A_262, %mul3A_396 : i32
      %add3A_398 = arith.constant 7 : i32
      %add3A_399 = arith.addi %mul3A_397, %add3A_398 : i32
      %dma_wait3A_400 = arith.constant 0 : i32
      %dma_wait3A_401 = tpu.memref_slice %arg5[%add3A_399, %dma_wait3A_400] : memref<512x26xi32, #tpu.memory_space<vmem>> -> memref<1x26xi32, #tpu.memory_space<vmem>>
      %dma_wait3A_402 = tpu.memref_squeeze %dma_wait3A_401 : memref<1x26xi32, #tpu.memory_space<vmem>> -> memref<26xi32, #tpu.memory_space<vmem>>
      %dma_wait3A_403 = arith.constant 0 : i32
      %dma_wait3A_404 = arith.constant 0 : i32
      %dma_wait3A_405 = tpu.memref_slice %arg2[%dma_wait3A_403, %dma_wait3A_404] : memref<1000000x64xf32, #tpu.memory_space<hbm>> -> memref<1000000x64xf32, #tpu.memory_space<hbm>>
      tpu.wait_indirect_dma semaphore(%arg29 : memref<!tpu.dma_semaphore, #tpu.memory_space<semaphore_mem>>) src(%dma_wait3A_405 : memref<1000000x64xf32, #tpu.memory_space<hbm>>) dst(%arg13 : memref<26x64xf32, #tpu.memory_space<vmem>>)
      %add3A_406 = arith.addi %mul3A_2, %add3A_399 : i32
      "tpu.region"() ({
        %run_scoped3A = tpu.sem_alloc : memref<!tpu.dma_semaphore, #tpu.memory_space<semaphore_mem>>
        %dma_start3A_567 = arith.constant 0 : i32
        %dma_start3A_568 = arith.constant 0 : i32
        %dma_start3A_569 = tpu.memref_slice %arg4[%add3A_406, %dma_start3A_567, %dma_start3A_568] : memref<16384x32x128xf32, #tpu.memory_space<hbm>> -> memref<1x26x64xf32, #tpu.memory_space<hbm>>
        %dma_start3A_570 = tpu.memref_squeeze %dma_start3A_569 : memref<1x26x64xf32, #tpu.memory_space<hbm>> -> memref<26x64xf32, #tpu.memory_space<hbm>>
        %dma_start3A_571 = arith.constant 0 : i32
        %dma_start3A_572 = arith.constant 0 : i32
        %dma_start3A_573 = tpu.memref_slice %arg4[%add3A_406, %dma_start3A_571, %dma_start3A_572] : memref<16384x32x128xf32, #tpu.memory_space<hbm>> -> memref<1x26x64xf32, #tpu.memory_space<hbm>>
        %dma_start3A_574 = tpu.memref_squeeze %dma_start3A_573 : memref<1x26x64xf32, #tpu.memory_space<hbm>> -> memref<26x64xf32, #tpu.memory_space<hbm>>
        tpu.enqueue_dma source(%arg13 : memref<26x64xf32, #tpu.memory_space<vmem>>) target(%dma_start3A_574 : memref<26x64xf32, #tpu.memory_space<hbm>>) target_semaphore(%run_scoped3A : memref<!tpu.dma_semaphore, #tpu.memory_space<semaphore_mem>>)
        %dma_wait3A_575 = arith.constant 0 : i32
        %dma_wait3A_576 = arith.constant 0 : i32
        %dma_wait3A_577 = tpu.memref_slice %arg4[%add3A_406, %dma_wait3A_575, %dma_wait3A_576] : memref<16384x32x128xf32, #tpu.memory_space<hbm>> -> memref<1x26x64xf32, #tpu.memory_space<hbm>>
        %dma_wait3A_578 = tpu.memref_squeeze %dma_wait3A_577 : memref<1x26x64xf32, #tpu.memory_space<hbm>> -> memref<26x64xf32, #tpu.memory_space<hbm>>
        %dma_wait3A_579 = arith.constant 0 : i32
        %dma_wait3A_580 = arith.constant 0 : i32
        %dma_wait3A_581 = tpu.memref_slice %arg4[%add3A_406, %dma_wait3A_579, %dma_wait3A_580] : memref<16384x32x128xf32, #tpu.memory_space<hbm>> -> memref<1x26x64xf32, #tpu.memory_space<hbm>>
        %dma_wait3A_582 = tpu.memref_squeeze %dma_wait3A_581 : memref<1x26x64xf32, #tpu.memory_space<hbm>> -> memref<26x64xf32, #tpu.memory_space<hbm>>
        tpu.wait_dma2 semaphore(%run_scoped3A : memref<!tpu.dma_semaphore, #tpu.memory_space<semaphore_mem>>) src(%arg13 : memref<26x64xf32, #tpu.memory_space<vmem>>) dst(%dma_wait3A_582 : memref<26x64xf32, #tpu.memory_space<hbm>>)
        tpu.yield
      }) : () -> ()
      %add3A_407 = arith.constant 16 : i32
      %add3A_408 = arith.addi %add3A_399, %add3A_407 : i32
      %dma_start3A_409 = arith.constant 0 : i32
      %dma_start3A_410 = tpu.memref_slice %arg5[%add3A_408, %dma_start3A_409] : memref<512x26xi32, #tpu.memory_space<vmem>> -> memref<1x26xi32, #tpu.memory_space<vmem>>
      %dma_start3A_411 = tpu.memref_squeeze %dma_start3A_410 : memref<1x26xi32, #tpu.memory_space<vmem>> -> memref<26xi32, #tpu.memory_space<vmem>>
      %dma_start3A_412 = arith.constant 0 : i32
      %dma_start3A_413 = arith.constant 0 : i32
      %dma_start3A_414 = tpu.memref_slice %arg2[%dma_start3A_412, %dma_start3A_413] : memref<1000000x64xf32, #tpu.memory_space<hbm>> -> memref<1000000x64xf32, #tpu.memory_space<hbm>>
      tpu.enqueue_indirect_dma source(%dma_start3A_414 : memref<1000000x64xf32, #tpu.memory_space<hbm>>) target(%arg13 : memref<26x64xf32, #tpu.memory_space<vmem>>) offsets(%dma_start3A_411 : memref<26xi32, #tpu.memory_space<vmem>>) semaphore(%arg29 : memref<!tpu.dma_semaphore, #tpu.memory_space<semaphore_mem>>)
      %mul3A_415 = arith.constant 16 : i32
      %mul3A_416 = arith.muli %scan3A_262, %mul3A_415 : i32
      %add3A_417 = arith.constant 8 : i32
      %add3A_418 = arith.addi %mul3A_416, %add3A_417 : i32
      %dma_wait3A_419 = arith.constant 0 : i32
      %dma_wait3A_420 = tpu.memref_slice %arg5[%add3A_418, %dma_wait3A_419] : memref<512x26xi32, #tpu.memory_space<vmem>> -> memref<1x26xi32, #tpu.memory_space<vmem>>
      %dma_wait3A_421 = tpu.memref_squeeze %dma_wait3A_420 : memref<1x26xi32, #tpu.memory_space<vmem>> -> memref<26xi32, #tpu.memory_space<vmem>>
      %dma_wait3A_422 = arith.constant 0 : i32
      %dma_wait3A_423 = arith.constant 0 : i32
      %dma_wait3A_424 = tpu.memref_slice %arg2[%dma_wait3A_422, %dma_wait3A_423] : memref<1000000x64xf32, #tpu.memory_space<hbm>> -> memref<1000000x64xf32, #tpu.memory_space<hbm>>
      tpu.wait_indirect_dma semaphore(%arg30 : memref<!tpu.dma_semaphore, #tpu.memory_space<semaphore_mem>>) src(%dma_wait3A_424 : memref<1000000x64xf32, #tpu.memory_space<hbm>>) dst(%arg14 : memref<26x64xf32, #tpu.memory_space<vmem>>)
      %add3A_425 = arith.addi %mul3A_2, %add3A_418 : i32
      "tpu.region"() ({
        %run_scoped3A = tpu.sem_alloc : memref<!tpu.dma_semaphore, #tpu.memory_space<semaphore_mem>>
        %dma_start3A_567 = arith.constant 0 : i32
        %dma_start3A_568 = arith.constant 0 : i32
        %dma_start3A_569 = tpu.memref_slice %arg4[%add3A_425, %dma_start3A_567, %dma_start3A_568] : memref<16384x32x128xf32, #tpu.memory_space<hbm>> -> memref<1x26x64xf32, #tpu.memory_space<hbm>>
        %dma_start3A_570 = tpu.memref_squeeze %dma_start3A_569 : memref<1x26x64xf32, #tpu.memory_space<hbm>> -> memref<26x64xf32, #tpu.memory_space<hbm>>
        %dma_start3A_571 = arith.constant 0 : i32
        %dma_start3A_572 = arith.constant 0 : i32
        %dma_start3A_573 = tpu.memref_slice %arg4[%add3A_425, %dma_start3A_571, %dma_start3A_572] : memref<16384x32x128xf32, #tpu.memory_space<hbm>> -> memref<1x26x64xf32, #tpu.memory_space<hbm>>
        %dma_start3A_574 = tpu.memref_squeeze %dma_start3A_573 : memref<1x26x64xf32, #tpu.memory_space<hbm>> -> memref<26x64xf32, #tpu.memory_space<hbm>>
        tpu.enqueue_dma source(%arg14 : memref<26x64xf32, #tpu.memory_space<vmem>>) target(%dma_start3A_574 : memref<26x64xf32, #tpu.memory_space<hbm>>) target_semaphore(%run_scoped3A : memref<!tpu.dma_semaphore, #tpu.memory_space<semaphore_mem>>)
        %dma_wait3A_575 = arith.constant 0 : i32
        %dma_wait3A_576 = arith.constant 0 : i32
        %dma_wait3A_577 = tpu.memref_slice %arg4[%add3A_425, %dma_wait3A_575, %dma_wait3A_576] : memref<16384x32x128xf32, #tpu.memory_space<hbm>> -> memref<1x26x64xf32, #tpu.memory_space<hbm>>
        %dma_wait3A_578 = tpu.memref_squeeze %dma_wait3A_577 : memref<1x26x64xf32, #tpu.memory_space<hbm>> -> memref<26x64xf32, #tpu.memory_space<hbm>>
        %dma_wait3A_579 = arith.constant 0 : i32
        %dma_wait3A_580 = arith.constant 0 : i32
        %dma_wait3A_581 = tpu.memref_slice %arg4[%add3A_425, %dma_wait3A_579, %dma_wait3A_580] : memref<16384x32x128xf32, #tpu.memory_space<hbm>> -> memref<1x26x64xf32, #tpu.memory_space<hbm>>
        %dma_wait3A_582 = tpu.memref_squeeze %dma_wait3A_581 : memref<1x26x64xf32, #tpu.memory_space<hbm>> -> memref<26x64xf32, #tpu.memory_space<hbm>>
        tpu.wait_dma2 semaphore(%run_scoped3A : memref<!tpu.dma_semaphore, #tpu.memory_space<semaphore_mem>>) src(%arg14 : memref<26x64xf32, #tpu.memory_space<vmem>>) dst(%dma_wait3A_582 : memref<26x64xf32, #tpu.memory_space<hbm>>)
        tpu.yield
      }) : () -> ()
      %add3A_426 = arith.constant 16 : i32
      %add3A_427 = arith.addi %add3A_418, %add3A_426 : i32
      %dma_start3A_428 = arith.constant 0 : i32
      %dma_start3A_429 = tpu.memref_slice %arg5[%add3A_427, %dma_start3A_428] : memref<512x26xi32, #tpu.memory_space<vmem>> -> memref<1x26xi32, #tpu.memory_space<vmem>>
      %dma_start3A_430 = tpu.memref_squeeze %dma_start3A_429 : memref<1x26xi32, #tpu.memory_space<vmem>> -> memref<26xi32, #tpu.memory_space<vmem>>
      %dma_start3A_431 = arith.constant 0 : i32
      %dma_start3A_432 = arith.constant 0 : i32
      %dma_start3A_433 = tpu.memref_slice %arg2[%dma_start3A_431, %dma_start3A_432] : memref<1000000x64xf32, #tpu.memory_space<hbm>> -> memref<1000000x64xf32, #tpu.memory_space<hbm>>
      tpu.enqueue_indirect_dma source(%dma_start3A_433 : memref<1000000x64xf32, #tpu.memory_space<hbm>>) target(%arg14 : memref<26x64xf32, #tpu.memory_space<vmem>>) offsets(%dma_start3A_430 : memref<26xi32, #tpu.memory_space<vmem>>) semaphore(%arg30 : memref<!tpu.dma_semaphore, #tpu.memory_space<semaphore_mem>>)
      %mul3A_434 = arith.constant 16 : i32
      %mul3A_435 = arith.muli %scan3A_262, %mul3A_434 : i32
      %add3A_436 = arith.constant 9 : i32
      %add3A_437 = arith.addi %mul3A_435, %add3A_436 : i32
      %dma_wait3A_438 = arith.constant 0 : i32
      %dma_wait3A_439 = tpu.memref_slice %arg5[%add3A_437, %dma_wait3A_438] : memref<512x26xi32, #tpu.memory_space<vmem>> -> memref<1x26xi32, #tpu.memory_space<vmem>>
      %dma_wait3A_440 = tpu.memref_squeeze %dma_wait3A_439 : memref<1x26xi32, #tpu.memory_space<vmem>> -> memref<26xi32, #tpu.memory_space<vmem>>
      %dma_wait3A_441 = arith.constant 0 : i32
      %dma_wait3A_442 = arith.constant 0 : i32
      %dma_wait3A_443 = tpu.memref_slice %arg2[%dma_wait3A_441, %dma_wait3A_442] : memref<1000000x64xf32, #tpu.memory_space<hbm>> -> memref<1000000x64xf32, #tpu.memory_space<hbm>>
      tpu.wait_indirect_dma semaphore(%arg31 : memref<!tpu.dma_semaphore, #tpu.memory_space<semaphore_mem>>) src(%dma_wait3A_443 : memref<1000000x64xf32, #tpu.memory_space<hbm>>) dst(%arg15 : memref<26x64xf32, #tpu.memory_space<vmem>>)
      %add3A_444 = arith.addi %mul3A_2, %add3A_437 : i32
      "tpu.region"() ({
        %run_scoped3A = tpu.sem_alloc : memref<!tpu.dma_semaphore, #tpu.memory_space<semaphore_mem>>
        %dma_start3A_567 = arith.constant 0 : i32
        %dma_start3A_568 = arith.constant 0 : i32
        %dma_start3A_569 = tpu.memref_slice %arg4[%add3A_444, %dma_start3A_567, %dma_start3A_568] : memref<16384x32x128xf32, #tpu.memory_space<hbm>> -> memref<1x26x64xf32, #tpu.memory_space<hbm>>
        %dma_start3A_570 = tpu.memref_squeeze %dma_start3A_569 : memref<1x26x64xf32, #tpu.memory_space<hbm>> -> memref<26x64xf32, #tpu.memory_space<hbm>>
        %dma_start3A_571 = arith.constant 0 : i32
        %dma_start3A_572 = arith.constant 0 : i32
        %dma_start3A_573 = tpu.memref_slice %arg4[%add3A_444, %dma_start3A_571, %dma_start3A_572] : memref<16384x32x128xf32, #tpu.memory_space<hbm>> -> memref<1x26x64xf32, #tpu.memory_space<hbm>>
        %dma_start3A_574 = tpu.memref_squeeze %dma_start3A_573 : memref<1x26x64xf32, #tpu.memory_space<hbm>> -> memref<26x64xf32, #tpu.memory_space<hbm>>
        tpu.enqueue_dma source(%arg15 : memref<26x64xf32, #tpu.memory_space<vmem>>) target(%dma_start3A_574 : memref<26x64xf32, #tpu.memory_space<hbm>>) target_semaphore(%run_scoped3A : memref<!tpu.dma_semaphore, #tpu.memory_space<semaphore_mem>>)
        %dma_wait3A_575 = arith.constant 0 : i32
        %dma_wait3A_576 = arith.constant 0 : i32
        %dma_wait3A_577 = tpu.memref_slice %arg4[%add3A_444, %dma_wait3A_575, %dma_wait3A_576] : memref<16384x32x128xf32, #tpu.memory_space<hbm>> -> memref<1x26x64xf32, #tpu.memory_space<hbm>>
        %dma_wait3A_578 = tpu.memref_squeeze %dma_wait3A_577 : memref<1x26x64xf32, #tpu.memory_space<hbm>> -> memref<26x64xf32, #tpu.memory_space<hbm>>
        %dma_wait3A_579 = arith.constant 0 : i32
        %dma_wait3A_580 = arith.constant 0 : i32
        %dma_wait3A_581 = tpu.memref_slice %arg4[%add3A_444, %dma_wait3A_579, %dma_wait3A_580] : memref<16384x32x128xf32, #tpu.memory_space<hbm>> -> memref<1x26x64xf32, #tpu.memory_space<hbm>>
        %dma_wait3A_582 = tpu.memref_squeeze %dma_wait3A_581 : memref<1x26x64xf32, #tpu.memory_space<hbm>> -> memref<26x64xf32, #tpu.memory_space<hbm>>
        tpu.wait_dma2 semaphore(%run_scoped3A : memref<!tpu.dma_semaphore, #tpu.memory_space<semaphore_mem>>) src(%arg15 : memref<26x64xf32, #tpu.memory_space<vmem>>) dst(%dma_wait3A_582 : memref<26x64xf32, #tpu.memory_space<hbm>>)
        tpu.yield
      }) : () -> ()
      %add3A_445 = arith.constant 16 : i32
      %add3A_446 = arith.addi %add3A_437, %add3A_445 : i32
      %dma_start3A_447 = arith.constant 0 : i32
      %dma_start3A_448 = tpu.memref_slice %arg5[%add3A_446, %dma_start3A_447] : memref<512x26xi32, #tpu.memory_space<vmem>> -> memref<1x26xi32, #tpu.memory_space<vmem>>
      %dma_start3A_449 = tpu.memref_squeeze %dma_start3A_448 : memref<1x26xi32, #tpu.memory_space<vmem>> -> memref<26xi32, #tpu.memory_space<vmem>>
      %dma_start3A_450 = arith.constant 0 : i32
      %dma_start3A_451 = arith.constant 0 : i32
      %dma_start3A_452 = tpu.memref_slice %arg2[%dma_start3A_450, %dma_start3A_451] : memref<1000000x64xf32, #tpu.memory_space<hbm>> -> memref<1000000x64xf32, #tpu.memory_space<hbm>>
      tpu.enqueue_indirect_dma source(%dma_start3A_452 : memref<1000000x64xf32, #tpu.memory_space<hbm>>) target(%arg15 : memref<26x64xf32, #tpu.memory_space<vmem>>) offsets(%dma_start3A_449 : memref<26xi32, #tpu.memory_space<vmem>>) semaphore(%arg31 : memref<!tpu.dma_semaphore, #tpu.memory_space<semaphore_mem>>)
      %mul3A_453 = arith.constant 16 : i32
      %mul3A_454 = arith.muli %scan3A_262, %mul3A_453 : i32
      %add3A_455 = arith.constant 10 : i32
      %add3A_456 = arith.addi %mul3A_454, %add3A_455 : i32
      %dma_wait3A_457 = arith.constant 0 : i32
      %dma_wait3A_458 = tpu.memref_slice %arg5[%add3A_456, %dma_wait3A_457] : memref<512x26xi32, #tpu.memory_space<vmem>> -> memref<1x26xi32, #tpu.memory_space<vmem>>
      %dma_wait3A_459 = tpu.memref_squeeze %dma_wait3A_458 : memref<1x26xi32, #tpu.memory_space<vmem>> -> memref<26xi32, #tpu.memory_space<vmem>>
      %dma_wait3A_460 = arith.constant 0 : i32
      %dma_wait3A_461 = arith.constant 0 : i32
      %dma_wait3A_462 = tpu.memref_slice %arg2[%dma_wait3A_460, %dma_wait3A_461] : memref<1000000x64xf32, #tpu.memory_space<hbm>> -> memref<1000000x64xf32, #tpu.memory_space<hbm>>
      tpu.wait_indirect_dma semaphore(%arg32 : memref<!tpu.dma_semaphore, #tpu.memory_space<semaphore_mem>>) src(%dma_wait3A_462 : memref<1000000x64xf32, #tpu.memory_space<hbm>>) dst(%arg16 : memref<26x64xf32, #tpu.memory_space<vmem>>)
      %add3A_463 = arith.addi %mul3A_2, %add3A_456 : i32
      "tpu.region"() ({
        %run_scoped3A = tpu.sem_alloc : memref<!tpu.dma_semaphore, #tpu.memory_space<semaphore_mem>>
        %dma_start3A_567 = arith.constant 0 : i32
        %dma_start3A_568 = arith.constant 0 : i32
        %dma_start3A_569 = tpu.memref_slice %arg4[%add3A_463, %dma_start3A_567, %dma_start3A_568] : memref<16384x32x128xf32, #tpu.memory_space<hbm>> -> memref<1x26x64xf32, #tpu.memory_space<hbm>>
        %dma_start3A_570 = tpu.memref_squeeze %dma_start3A_569 : memref<1x26x64xf32, #tpu.memory_space<hbm>> -> memref<26x64xf32, #tpu.memory_space<hbm>>
        %dma_start3A_571 = arith.constant 0 : i32
        %dma_start3A_572 = arith.constant 0 : i32
        %dma_start3A_573 = tpu.memref_slice %arg4[%add3A_463, %dma_start3A_571, %dma_start3A_572] : memref<16384x32x128xf32, #tpu.memory_space<hbm>> -> memref<1x26x64xf32, #tpu.memory_space<hbm>>
        %dma_start3A_574 = tpu.memref_squeeze %dma_start3A_573 : memref<1x26x64xf32, #tpu.memory_space<hbm>> -> memref<26x64xf32, #tpu.memory_space<hbm>>
        tpu.enqueue_dma source(%arg16 : memref<26x64xf32, #tpu.memory_space<vmem>>) target(%dma_start3A_574 : memref<26x64xf32, #tpu.memory_space<hbm>>) target_semaphore(%run_scoped3A : memref<!tpu.dma_semaphore, #tpu.memory_space<semaphore_mem>>)
        %dma_wait3A_575 = arith.constant 0 : i32
        %dma_wait3A_576 = arith.constant 0 : i32
        %dma_wait3A_577 = tpu.memref_slice %arg4[%add3A_463, %dma_wait3A_575, %dma_wait3A_576] : memref<16384x32x128xf32, #tpu.memory_space<hbm>> -> memref<1x26x64xf32, #tpu.memory_space<hbm>>
        %dma_wait3A_578 = tpu.memref_squeeze %dma_wait3A_577 : memref<1x26x64xf32, #tpu.memory_space<hbm>> -> memref<26x64xf32, #tpu.memory_space<hbm>>
        %dma_wait3A_579 = arith.constant 0 : i32
        %dma_wait3A_580 = arith.constant 0 : i32
        %dma_wait3A_581 = tpu.memref_slice %arg4[%add3A_463, %dma_wait3A_579, %dma_wait3A_580] : memref<16384x32x128xf32, #tpu.memory_space<hbm>> -> memref<1x26x64xf32, #tpu.memory_space<hbm>>
        %dma_wait3A_582 = tpu.memref_squeeze %dma_wait3A_581 : memref<1x26x64xf32, #tpu.memory_space<hbm>> -> memref<26x64xf32, #tpu.memory_space<hbm>>
        tpu.wait_dma2 semaphore(%run_scoped3A : memref<!tpu.dma_semaphore, #tpu.memory_space<semaphore_mem>>) src(%arg16 : memref<26x64xf32, #tpu.memory_space<vmem>>) dst(%dma_wait3A_582 : memref<26x64xf32, #tpu.memory_space<hbm>>)
        tpu.yield
      }) : () -> ()
      %add3A_464 = arith.constant 16 : i32
      %add3A_465 = arith.addi %add3A_456, %add3A_464 : i32
      %dma_start3A_466 = arith.constant 0 : i32
      %dma_start3A_467 = tpu.memref_slice %arg5[%add3A_465, %dma_start3A_466] : memref<512x26xi32, #tpu.memory_space<vmem>> -> memref<1x26xi32, #tpu.memory_space<vmem>>
      %dma_start3A_468 = tpu.memref_squeeze %dma_start3A_467 : memref<1x26xi32, #tpu.memory_space<vmem>> -> memref<26xi32, #tpu.memory_space<vmem>>
      %dma_start3A_469 = arith.constant 0 : i32
      %dma_start3A_470 = arith.constant 0 : i32
      %dma_start3A_471 = tpu.memref_slice %arg2[%dma_start3A_469, %dma_start3A_470] : memref<1000000x64xf32, #tpu.memory_space<hbm>> -> memref<1000000x64xf32, #tpu.memory_space<hbm>>
      tpu.enqueue_indirect_dma source(%dma_start3A_471 : memref<1000000x64xf32, #tpu.memory_space<hbm>>) target(%arg16 : memref<26x64xf32, #tpu.memory_space<vmem>>) offsets(%dma_start3A_468 : memref<26xi32, #tpu.memory_space<vmem>>) semaphore(%arg32 : memref<!tpu.dma_semaphore, #tpu.memory_space<semaphore_mem>>)
      %mul3A_472 = arith.constant 16 : i32
      %mul3A_473 = arith.muli %scan3A_262, %mul3A_472 : i32
      %add3A_474 = arith.constant 11 : i32
      %add3A_475 = arith.addi %mul3A_473, %add3A_474 : i32
      %dma_wait3A_476 = arith.constant 0 : i32
      %dma_wait3A_477 = tpu.memref_slice %arg5[%add3A_475, %dma_wait3A_476] : memref<512x26xi32, #tpu.memory_space<vmem>> -> memref<1x26xi32, #tpu.memory_space<vmem>>
      %dma_wait3A_478 = tpu.memref_squeeze %dma_wait3A_477 : memref<1x26xi32, #tpu.memory_space<vmem>> -> memref<26xi32, #tpu.memory_space<vmem>>
      %dma_wait3A_479 = arith.constant 0 : i32
      %dma_wait3A_480 = arith.constant 0 : i32
      %dma_wait3A_481 = tpu.memref_slice %arg2[%dma_wait3A_479, %dma_wait3A_480] : memref<1000000x64xf32, #tpu.memory_space<hbm>> -> memref<1000000x64xf32, #tpu.memory_space<hbm>>
      tpu.wait_indirect_dma semaphore(%arg33 : memref<!tpu.dma_semaphore, #tpu.memory_space<semaphore_mem>>) src(%dma_wait3A_481 : memref<1000000x64xf32, #tpu.memory_space<hbm>>) dst(%arg17 : memref<26x64xf32, #tpu.memory_space<vmem>>)
      %add3A_482 = arith.addi %mul3A_2, %add3A_475 : i32
      "tpu.region"() ({
        %run_scoped3A = tpu.sem_alloc : memref<!tpu.dma_semaphore, #tpu.memory_space<semaphore_mem>>
        %dma_start3A_567 = arith.constant 0 : i32
        %dma_start3A_568 = arith.constant 0 : i32
        %dma_start3A_569 = tpu.memref_slice %arg4[%add3A_482, %dma_start3A_567, %dma_start3A_568] : memref<16384x32x128xf32, #tpu.memory_space<hbm>> -> memref<1x26x64xf32, #tpu.memory_space<hbm>>
        %dma_start3A_570 = tpu.memref_squeeze %dma_start3A_569 : memref<1x26x64xf32, #tpu.memory_space<hbm>> -> memref<26x64xf32, #tpu.memory_space<hbm>>
        %dma_start3A_571 = arith.constant 0 : i32
        %dma_start3A_572 = arith.constant 0 : i32
        %dma_start3A_573 = tpu.memref_slice %arg4[%add3A_482, %dma_start3A_571, %dma_start3A_572] : memref<16384x32x128xf32, #tpu.memory_space<hbm>> -> memref<1x26x64xf32, #tpu.memory_space<hbm>>
        %dma_start3A_574 = tpu.memref_squeeze %dma_start3A_573 : memref<1x26x64xf32, #tpu.memory_space<hbm>> -> memref<26x64xf32, #tpu.memory_space<hbm>>
        tpu.enqueue_dma source(%arg17 : memref<26x64xf32, #tpu.memory_space<vmem>>) target(%dma_start3A_574 : memref<26x64xf32, #tpu.memory_space<hbm>>) target_semaphore(%run_scoped3A : memref<!tpu.dma_semaphore, #tpu.memory_space<semaphore_mem>>)
        %dma_wait3A_575 = arith.constant 0 : i32
        %dma_wait3A_576 = arith.constant 0 : i32
        %dma_wait3A_577 = tpu.memref_slice %arg4[%add3A_482, %dma_wait3A_575, %dma_wait3A_576] : memref<16384x32x128xf32, #tpu.memory_space<hbm>> -> memref<1x26x64xf32, #tpu.memory_space<hbm>>
        %dma_wait3A_578 = tpu.memref_squeeze %dma_wait3A_577 : memref<1x26x64xf32, #tpu.memory_space<hbm>> -> memref<26x64xf32, #tpu.memory_space<hbm>>
        %dma_wait3A_579 = arith.constant 0 : i32
        %dma_wait3A_580 = arith.constant 0 : i32
        %dma_wait3A_581 = tpu.memref_slice %arg4[%add3A_482, %dma_wait3A_579, %dma_wait3A_580] : memref<16384x32x128xf32, #tpu.memory_space<hbm>> -> memref<1x26x64xf32, #tpu.memory_space<hbm>>
        %dma_wait3A_582 = tpu.memref_squeeze %dma_wait3A_581 : memref<1x26x64xf32, #tpu.memory_space<hbm>> -> memref<26x64xf32, #tpu.memory_space<hbm>>
        tpu.wait_dma2 semaphore(%run_scoped3A : memref<!tpu.dma_semaphore, #tpu.memory_space<semaphore_mem>>) src(%arg17 : memref<26x64xf32, #tpu.memory_space<vmem>>) dst(%dma_wait3A_582 : memref<26x64xf32, #tpu.memory_space<hbm>>)
        tpu.yield
      }) : () -> ()
      %add3A_483 = arith.constant 16 : i32
      %add3A_484 = arith.addi %add3A_475, %add3A_483 : i32
      %dma_start3A_485 = arith.constant 0 : i32
      %dma_start3A_486 = tpu.memref_slice %arg5[%add3A_484, %dma_start3A_485] : memref<512x26xi32, #tpu.memory_space<vmem>> -> memref<1x26xi32, #tpu.memory_space<vmem>>
      %dma_start3A_487 = tpu.memref_squeeze %dma_start3A_486 : memref<1x26xi32, #tpu.memory_space<vmem>> -> memref<26xi32, #tpu.memory_space<vmem>>
      %dma_start3A_488 = arith.constant 0 : i32
      %dma_start3A_489 = arith.constant 0 : i32
      %dma_start3A_490 = tpu.memref_slice %arg2[%dma_start3A_488, %dma_start3A_489] : memref<1000000x64xf32, #tpu.memory_space<hbm>> -> memref<1000000x64xf32, #tpu.memory_space<hbm>>
      tpu.enqueue_indirect_dma source(%dma_start3A_490 : memref<1000000x64xf32, #tpu.memory_space<hbm>>) target(%arg17 : memref<26x64xf32, #tpu.memory_space<vmem>>) offsets(%dma_start3A_487 : memref<26xi32, #tpu.memory_space<vmem>>) semaphore(%arg33 : memref<!tpu.dma_semaphore, #tpu.memory_space<semaphore_mem>>)
      %mul3A_491 = arith.constant 16 : i32
      %mul3A_492 = arith.muli %scan3A_262, %mul3A_491 : i32
      %add3A_493 = arith.constant 12 : i32
      %add3A_494 = arith.addi %mul3A_492, %add3A_493 : i32
      %dma_wait3A_495 = arith.constant 0 : i32
      %dma_wait3A_496 = tpu.memref_slice %arg5[%add3A_494, %dma_wait3A_495] : memref<512x26xi32, #tpu.memory_space<vmem>> -> memref<1x26xi32, #tpu.memory_space<vmem>>
      %dma_wait3A_497 = tpu.memref_squeeze %dma_wait3A_496 : memref<1x26xi32, #tpu.memory_space<vmem>> -> memref<26xi32, #tpu.memory_space<vmem>>
      %dma_wait3A_498 = arith.constant 0 : i32
      %dma_wait3A_499 = arith.constant 0 : i32
      %dma_wait3A_500 = tpu.memref_slice %arg2[%dma_wait3A_498, %dma_wait3A_499] : memref<1000000x64xf32, #tpu.memory_space<hbm>> -> memref<1000000x64xf32, #tpu.memory_space<hbm>>
      tpu.wait_indirect_dma semaphore(%arg34 : memref<!tpu.dma_semaphore, #tpu.memory_space<semaphore_mem>>) src(%dma_wait3A_500 : memref<1000000x64xf32, #tpu.memory_space<hbm>>) dst(%arg18 : memref<26x64xf32, #tpu.memory_space<vmem>>)
      %add3A_501 = arith.addi %mul3A_2, %add3A_494 : i32
      "tpu.region"() ({
        %run_scoped3A = tpu.sem_alloc : memref<!tpu.dma_semaphore, #tpu.memory_space<semaphore_mem>>
        %dma_start3A_567 = arith.constant 0 : i32
        %dma_start3A_568 = arith.constant 0 : i32
        %dma_start3A_569 = tpu.memref_slice %arg4[%add3A_501, %dma_start3A_567, %dma_start3A_568] : memref<16384x32x128xf32, #tpu.memory_space<hbm>> -> memref<1x26x64xf32, #tpu.memory_space<hbm>>
        %dma_start3A_570 = tpu.memref_squeeze %dma_start3A_569 : memref<1x26x64xf32, #tpu.memory_space<hbm>> -> memref<26x64xf32, #tpu.memory_space<hbm>>
        %dma_start3A_571 = arith.constant 0 : i32
        %dma_start3A_572 = arith.constant 0 : i32
        %dma_start3A_573 = tpu.memref_slice %arg4[%add3A_501, %dma_start3A_571, %dma_start3A_572] : memref<16384x32x128xf32, #tpu.memory_space<hbm>> -> memref<1x26x64xf32, #tpu.memory_space<hbm>>
        %dma_start3A_574 = tpu.memref_squeeze %dma_start3A_573 : memref<1x26x64xf32, #tpu.memory_space<hbm>> -> memref<26x64xf32, #tpu.memory_space<hbm>>
        tpu.enqueue_dma source(%arg18 : memref<26x64xf32, #tpu.memory_space<vmem>>) target(%dma_start3A_574 : memref<26x64xf32, #tpu.memory_space<hbm>>) target_semaphore(%run_scoped3A : memref<!tpu.dma_semaphore, #tpu.memory_space<semaphore_mem>>)
        %dma_wait3A_575 = arith.constant 0 : i32
        %dma_wait3A_576 = arith.constant 0 : i32
        %dma_wait3A_577 = tpu.memref_slice %arg4[%add3A_501, %dma_wait3A_575, %dma_wait3A_576] : memref<16384x32x128xf32, #tpu.memory_space<hbm>> -> memref<1x26x64xf32, #tpu.memory_space<hbm>>
        %dma_wait3A_578 = tpu.memref_squeeze %dma_wait3A_577 : memref<1x26x64xf32, #tpu.memory_space<hbm>> -> memref<26x64xf32, #tpu.memory_space<hbm>>
        %dma_wait3A_579 = arith.constant 0 : i32
        %dma_wait3A_580 = arith.constant 0 : i32
        %dma_wait3A_581 = tpu.memref_slice %arg4[%add3A_501, %dma_wait3A_579, %dma_wait3A_580] : memref<16384x32x128xf32, #tpu.memory_space<hbm>> -> memref<1x26x64xf32, #tpu.memory_space<hbm>>
        %dma_wait3A_582 = tpu.memref_squeeze %dma_wait3A_581 : memref<1x26x64xf32, #tpu.memory_space<hbm>> -> memref<26x64xf32, #tpu.memory_space<hbm>>
        tpu.wait_dma2 semaphore(%run_scoped3A : memref<!tpu.dma_semaphore, #tpu.memory_space<semaphore_mem>>) src(%arg18 : memref<26x64xf32, #tpu.memory_space<vmem>>) dst(%dma_wait3A_582 : memref<26x64xf32, #tpu.memory_space<hbm>>)
        tpu.yield
      }) : () -> ()
      %add3A_502 = arith.constant 16 : i32
      %add3A_503 = arith.addi %add3A_494, %add3A_502 : i32
      %dma_start3A_504 = arith.constant 0 : i32
      %dma_start3A_505 = tpu.memref_slice %arg5[%add3A_503, %dma_start3A_504] : memref<512x26xi32, #tpu.memory_space<vmem>> -> memref<1x26xi32, #tpu.memory_space<vmem>>
      %dma_start3A_506 = tpu.memref_squeeze %dma_start3A_505 : memref<1x26xi32, #tpu.memory_space<vmem>> -> memref<26xi32, #tpu.memory_space<vmem>>
      %dma_start3A_507 = arith.constant 0 : i32
      %dma_start3A_508 = arith.constant 0 : i32
      %dma_start3A_509 = tpu.memref_slice %arg2[%dma_start3A_507, %dma_start3A_508] : memref<1000000x64xf32, #tpu.memory_space<hbm>> -> memref<1000000x64xf32, #tpu.memory_space<hbm>>
      tpu.enqueue_indirect_dma source(%dma_start3A_509 : memref<1000000x64xf32, #tpu.memory_space<hbm>>) target(%arg18 : memref<26x64xf32, #tpu.memory_space<vmem>>) offsets(%dma_start3A_506 : memref<26xi32, #tpu.memory_space<vmem>>) semaphore(%arg34 : memref<!tpu.dma_semaphore, #tpu.memory_space<semaphore_mem>>)
      %mul3A_510 = arith.constant 16 : i32
      %mul3A_511 = arith.muli %scan3A_262, %mul3A_510 : i32
      %add3A_512 = arith.constant 13 : i32
      %add3A_513 = arith.addi %mul3A_511, %add3A_512 : i32
      %dma_wait3A_514 = arith.constant 0 : i32
      %dma_wait3A_515 = tpu.memref_slice %arg5[%add3A_513, %dma_wait3A_514] : memref<512x26xi32, #tpu.memory_space<vmem>> -> memref<1x26xi32, #tpu.memory_space<vmem>>
      %dma_wait3A_516 = tpu.memref_squeeze %dma_wait3A_515 : memref<1x26xi32, #tpu.memory_space<vmem>> -> memref<26xi32, #tpu.memory_space<vmem>>
      %dma_wait3A_517 = arith.constant 0 : i32
      %dma_wait3A_518 = arith.constant 0 : i32
      %dma_wait3A_519 = tpu.memref_slice %arg2[%dma_wait3A_517, %dma_wait3A_518] : memref<1000000x64xf32, #tpu.memory_space<hbm>> -> memref<1000000x64xf32, #tpu.memory_space<hbm>>
      tpu.wait_indirect_dma semaphore(%arg35 : memref<!tpu.dma_semaphore, #tpu.memory_space<semaphore_mem>>) src(%dma_wait3A_519 : memref<1000000x64xf32, #tpu.memory_space<hbm>>) dst(%arg19 : memref<26x64xf32, #tpu.memory_space<vmem>>)
      %add3A_520 = arith.addi %mul3A_2, %add3A_513 : i32
      "tpu.region"() ({
        %run_scoped3A = tpu.sem_alloc : memref<!tpu.dma_semaphore, #tpu.memory_space<semaphore_mem>>
        %dma_start3A_567 = arith.constant 0 : i32
        %dma_start3A_568 = arith.constant 0 : i32
        %dma_start3A_569 = tpu.memref_slice %arg4[%add3A_520, %dma_start3A_567, %dma_start3A_568] : memref<16384x32x128xf32, #tpu.memory_space<hbm>> -> memref<1x26x64xf32, #tpu.memory_space<hbm>>
        %dma_start3A_570 = tpu.memref_squeeze %dma_start3A_569 : memref<1x26x64xf32, #tpu.memory_space<hbm>> -> memref<26x64xf32, #tpu.memory_space<hbm>>
        %dma_start3A_571 = arith.constant 0 : i32
        %dma_start3A_572 = arith.constant 0 : i32
        %dma_start3A_573 = tpu.memref_slice %arg4[%add3A_520, %dma_start3A_571, %dma_start3A_572] : memref<16384x32x128xf32, #tpu.memory_space<hbm>> -> memref<1x26x64xf32, #tpu.memory_space<hbm>>
        %dma_start3A_574 = tpu.memref_squeeze %dma_start3A_573 : memref<1x26x64xf32, #tpu.memory_space<hbm>> -> memref<26x64xf32, #tpu.memory_space<hbm>>
        tpu.enqueue_dma source(%arg19 : memref<26x64xf32, #tpu.memory_space<vmem>>) target(%dma_start3A_574 : memref<26x64xf32, #tpu.memory_space<hbm>>) target_semaphore(%run_scoped3A : memref<!tpu.dma_semaphore, #tpu.memory_space<semaphore_mem>>)
        %dma_wait3A_575 = arith.constant 0 : i32
        %dma_wait3A_576 = arith.constant 0 : i32
        %dma_wait3A_577 = tpu.memref_slice %arg4[%add3A_520, %dma_wait3A_575, %dma_wait3A_576] : memref<16384x32x128xf32, #tpu.memory_space<hbm>> -> memref<1x26x64xf32, #tpu.memory_space<hbm>>
        %dma_wait3A_578 = tpu.memref_squeeze %dma_wait3A_577 : memref<1x26x64xf32, #tpu.memory_space<hbm>> -> memref<26x64xf32, #tpu.memory_space<hbm>>
        %dma_wait3A_579 = arith.constant 0 : i32
        %dma_wait3A_580 = arith.constant 0 : i32
        %dma_wait3A_581 = tpu.memref_slice %arg4[%add3A_520, %dma_wait3A_579, %dma_wait3A_580] : memref<16384x32x128xf32, #tpu.memory_space<hbm>> -> memref<1x26x64xf32, #tpu.memory_space<hbm>>
        %dma_wait3A_582 = tpu.memref_squeeze %dma_wait3A_581 : memref<1x26x64xf32, #tpu.memory_space<hbm>> -> memref<26x64xf32, #tpu.memory_space<hbm>>
        tpu.wait_dma2 semaphore(%run_scoped3A : memref<!tpu.dma_semaphore, #tpu.memory_space<semaphore_mem>>) src(%arg19 : memref<26x64xf32, #tpu.memory_space<vmem>>) dst(%dma_wait3A_582 : memref<26x64xf32, #tpu.memory_space<hbm>>)
        tpu.yield
      }) : () -> ()
      %add3A_521 = arith.constant 16 : i32
      %add3A_522 = arith.addi %add3A_513, %add3A_521 : i32
      %dma_start3A_523 = arith.constant 0 : i32
      %dma_start3A_524 = tpu.memref_slice %arg5[%add3A_522, %dma_start3A_523] : memref<512x26xi32, #tpu.memory_space<vmem>> -> memref<1x26xi32, #tpu.memory_space<vmem>>
      %dma_start3A_525 = tpu.memref_squeeze %dma_start3A_524 : memref<1x26xi32, #tpu.memory_space<vmem>> -> memref<26xi32, #tpu.memory_space<vmem>>
      %dma_start3A_526 = arith.constant 0 : i32
      %dma_start3A_527 = arith.constant 0 : i32
      %dma_start3A_528 = tpu.memref_slice %arg2[%dma_start3A_526, %dma_start3A_527] : memref<1000000x64xf32, #tpu.memory_space<hbm>> -> memref<1000000x64xf32, #tpu.memory_space<hbm>>
      tpu.enqueue_indirect_dma source(%dma_start3A_528 : memref<1000000x64xf32, #tpu.memory_space<hbm>>) target(%arg19 : memref<26x64xf32, #tpu.memory_space<vmem>>) offsets(%dma_start3A_525 : memref<26xi32, #tpu.memory_space<vmem>>) semaphore(%arg35 : memref<!tpu.dma_semaphore, #tpu.memory_space<semaphore_mem>>)
      %mul3A_529 = arith.constant 16 : i32
      %mul3A_530 = arith.muli %scan3A_262, %mul3A_529 : i32
      %add3A_531 = arith.constant 14 : i32
      %add3A_532 = arith.addi %mul3A_530, %add3A_531 : i32
      %dma_wait3A_533 = arith.constant 0 : i32
      %dma_wait3A_534 = tpu.memref_slice %arg5[%add3A_532, %dma_wait3A_533] : memref<512x26xi32, #tpu.memory_space<vmem>> -> memref<1x26xi32, #tpu.memory_space<vmem>>
      %dma_wait3A_535 = tpu.memref_squeeze %dma_wait3A_534 : memref<1x26xi32, #tpu.memory_space<vmem>> -> memref<26xi32, #tpu.memory_space<vmem>>
      %dma_wait3A_536 = arith.constant 0 : i32
      %dma_wait3A_537 = arith.constant 0 : i32
      %dma_wait3A_538 = tpu.memref_slice %arg2[%dma_wait3A_536, %dma_wait3A_537] : memref<1000000x64xf32, #tpu.memory_space<hbm>> -> memref<1000000x64xf32, #tpu.memory_space<hbm>>
      tpu.wait_indirect_dma semaphore(%arg36 : memref<!tpu.dma_semaphore, #tpu.memory_space<semaphore_mem>>) src(%dma_wait3A_538 : memref<1000000x64xf32, #tpu.memory_space<hbm>>) dst(%arg20 : memref<26x64xf32, #tpu.memory_space<vmem>>)
      %add3A_539 = arith.addi %mul3A_2, %add3A_532 : i32
      "tpu.region"() ({
        %run_scoped3A = tpu.sem_alloc : memref<!tpu.dma_semaphore, #tpu.memory_space<semaphore_mem>>
        %dma_start3A_567 = arith.constant 0 : i32
        %dma_start3A_568 = arith.constant 0 : i32
        %dma_start3A_569 = tpu.memref_slice %arg4[%add3A_539, %dma_start3A_567, %dma_start3A_568] : memref<16384x32x128xf32, #tpu.memory_space<hbm>> -> memref<1x26x64xf32, #tpu.memory_space<hbm>>
        %dma_start3A_570 = tpu.memref_squeeze %dma_start3A_569 : memref<1x26x64xf32, #tpu.memory_space<hbm>> -> memref<26x64xf32, #tpu.memory_space<hbm>>
        %dma_start3A_571 = arith.constant 0 : i32
        %dma_start3A_572 = arith.constant 0 : i32
        %dma_start3A_573 = tpu.memref_slice %arg4[%add3A_539, %dma_start3A_571, %dma_start3A_572] : memref<16384x32x128xf32, #tpu.memory_space<hbm>> -> memref<1x26x64xf32, #tpu.memory_space<hbm>>
        %dma_start3A_574 = tpu.memref_squeeze %dma_start3A_573 : memref<1x26x64xf32, #tpu.memory_space<hbm>> -> memref<26x64xf32, #tpu.memory_space<hbm>>
        tpu.enqueue_dma source(%arg20 : memref<26x64xf32, #tpu.memory_space<vmem>>) target(%dma_start3A_574 : memref<26x64xf32, #tpu.memory_space<hbm>>) target_semaphore(%run_scoped3A : memref<!tpu.dma_semaphore, #tpu.memory_space<semaphore_mem>>)
        %dma_wait3A_575 = arith.constant 0 : i32
        %dma_wait3A_576 = arith.constant 0 : i32
        %dma_wait3A_577 = tpu.memref_slice %arg4[%add3A_539, %dma_wait3A_575, %dma_wait3A_576] : memref<16384x32x128xf32, #tpu.memory_space<hbm>> -> memref<1x26x64xf32, #tpu.memory_space<hbm>>
        %dma_wait3A_578 = tpu.memref_squeeze %dma_wait3A_577 : memref<1x26x64xf32, #tpu.memory_space<hbm>> -> memref<26x64xf32, #tpu.memory_space<hbm>>
        %dma_wait3A_579 = arith.constant 0 : i32
        %dma_wait3A_580 = arith.constant 0 : i32
        %dma_wait3A_581 = tpu.memref_slice %arg4[%add3A_539, %dma_wait3A_579, %dma_wait3A_580] : memref<16384x32x128xf32, #tpu.memory_space<hbm>> -> memref<1x26x64xf32, #tpu.memory_space<hbm>>
        %dma_wait3A_582 = tpu.memref_squeeze %dma_wait3A_581 : memref<1x26x64xf32, #tpu.memory_space<hbm>> -> memref<26x64xf32, #tpu.memory_space<hbm>>
        tpu.wait_dma2 semaphore(%run_scoped3A : memref<!tpu.dma_semaphore, #tpu.memory_space<semaphore_mem>>) src(%arg20 : memref<26x64xf32, #tpu.memory_space<vmem>>) dst(%dma_wait3A_582 : memref<26x64xf32, #tpu.memory_space<hbm>>)
        tpu.yield
      }) : () -> ()
      %add3A_540 = arith.constant 16 : i32
      %add3A_541 = arith.addi %add3A_532, %add3A_540 : i32
      %dma_start3A_542 = arith.constant 0 : i32
      %dma_start3A_543 = tpu.memref_slice %arg5[%add3A_541, %dma_start3A_542] : memref<512x26xi32, #tpu.memory_space<vmem>> -> memref<1x26xi32, #tpu.memory_space<vmem>>
      %dma_start3A_544 = tpu.memref_squeeze %dma_start3A_543 : memref<1x26xi32, #tpu.memory_space<vmem>> -> memref<26xi32, #tpu.memory_space<vmem>>
      %dma_start3A_545 = arith.constant 0 : i32
      %dma_start3A_546 = arith.constant 0 : i32
      %dma_start3A_547 = tpu.memref_slice %arg2[%dma_start3A_545, %dma_start3A_546] : memref<1000000x64xf32, #tpu.memory_space<hbm>> -> memref<1000000x64xf32, #tpu.memory_space<hbm>>
      tpu.enqueue_indirect_dma source(%dma_start3A_547 : memref<1000000x64xf32, #tpu.memory_space<hbm>>) target(%arg20 : memref<26x64xf32, #tpu.memory_space<vmem>>) offsets(%dma_start3A_544 : memref<26xi32, #tpu.memory_space<vmem>>) semaphore(%arg36 : memref<!tpu.dma_semaphore, #tpu.memory_space<semaphore_mem>>)
      %mul3A_548 = arith.constant 16 : i32
      %mul3A_549 = arith.muli %scan3A_262, %mul3A_548 : i32
      %add3A_550 = arith.constant 15 : i32
      %add3A_551 = arith.addi %mul3A_549, %add3A_550 : i32
      %dma_wait3A_552 = arith.constant 0 : i32
      %dma_wait3A_553 = tpu.memref_slice %arg5[%add3A_551, %dma_wait3A_552] : memref<512x26xi32, #tpu.memory_space<vmem>> -> memref<1x26xi32, #tpu.memory_space<vmem>>
      %dma_wait3A_554 = tpu.memref_squeeze %dma_wait3A_553 : memref<1x26xi32, #tpu.memory_space<vmem>> -> memref<26xi32, #tpu.memory_space<vmem>>
      %dma_wait3A_555 = arith.constant 0 : i32
      %dma_wait3A_556 = arith.constant 0 : i32
      %dma_wait3A_557 = tpu.memref_slice %arg2[%dma_wait3A_555, %dma_wait3A_556] : memref<1000000x64xf32, #tpu.memory_space<hbm>> -> memref<1000000x64xf32, #tpu.memory_space<hbm>>
      tpu.wait_indirect_dma semaphore(%arg37 : memref<!tpu.dma_semaphore, #tpu.memory_space<semaphore_mem>>) src(%dma_wait3A_557 : memref<1000000x64xf32, #tpu.memory_space<hbm>>) dst(%arg21 : memref<26x64xf32, #tpu.memory_space<vmem>>)
      %add3A_558 = arith.addi %mul3A_2, %add3A_551 : i32
      "tpu.region"() ({
        %run_scoped3A = tpu.sem_alloc : memref<!tpu.dma_semaphore, #tpu.memory_space<semaphore_mem>>
        %dma_start3A_567 = arith.constant 0 : i32
        %dma_start3A_568 = arith.constant 0 : i32
        %dma_start3A_569 = tpu.memref_slice %arg4[%add3A_558, %dma_start3A_567, %dma_start3A_568] : memref<16384x32x128xf32, #tpu.memory_space<hbm>> -> memref<1x26x64xf32, #tpu.memory_space<hbm>>
        %dma_start3A_570 = tpu.memref_squeeze %dma_start3A_569 : memref<1x26x64xf32, #tpu.memory_space<hbm>> -> memref<26x64xf32, #tpu.memory_space<hbm>>
        %dma_start3A_571 = arith.constant 0 : i32
        %dma_start3A_572 = arith.constant 0 : i32
        %dma_start3A_573 = tpu.memref_slice %arg4[%add3A_558, %dma_start3A_571, %dma_start3A_572] : memref<16384x32x128xf32, #tpu.memory_space<hbm>> -> memref<1x26x64xf32, #tpu.memory_space<hbm>>
        %dma_start3A_574 = tpu.memref_squeeze %dma_start3A_573 : memref<1x26x64xf32, #tpu.memory_space<hbm>> -> memref<26x64xf32, #tpu.memory_space<hbm>>
        tpu.enqueue_dma source(%arg21 : memref<26x64xf32, #tpu.memory_space<vmem>>) target(%dma_start3A_574 : memref<26x64xf32, #tpu.memory_space<hbm>>) target_semaphore(%run_scoped3A : memref<!tpu.dma_semaphore, #tpu.memory_space<semaphore_mem>>)
        %dma_wait3A_575 = arith.constant 0 : i32
        %dma_wait3A_576 = arith.constant 0 : i32
        %dma_wait3A_577 = tpu.memref_slice %arg4[%add3A_558, %dma_wait3A_575, %dma_wait3A_576] : memref<16384x32x128xf32, #tpu.memory_space<hbm>> -> memref<1x26x64xf32, #tpu.memory_space<hbm>>
        %dma_wait3A_578 = tpu.memref_squeeze %dma_wait3A_577 : memref<1x26x64xf32, #tpu.memory_space<hbm>> -> memref<26x64xf32, #tpu.memory_space<hbm>>
        %dma_wait3A_579 = arith.constant 0 : i32
        %dma_wait3A_580 = arith.constant 0 : i32
        %dma_wait3A_581 = tpu.memref_slice %arg4[%add3A_558, %dma_wait3A_579, %dma_wait3A_580] : memref<16384x32x128xf32, #tpu.memory_space<hbm>> -> memref<1x26x64xf32, #tpu.memory_space<hbm>>
        %dma_wait3A_582 = tpu.memref_squeeze %dma_wait3A_581 : memref<1x26x64xf32, #tpu.memory_space<hbm>> -> memref<26x64xf32, #tpu.memory_space<hbm>>
        tpu.wait_dma2 semaphore(%run_scoped3A : memref<!tpu.dma_semaphore, #tpu.memory_space<semaphore_mem>>) src(%arg21 : memref<26x64xf32, #tpu.memory_space<vmem>>) dst(%dma_wait3A_582 : memref<26x64xf32, #tpu.memory_space<hbm>>)
        tpu.yield
      }) : () -> ()
      %add3A_559 = arith.constant 16 : i32
      %add3A_560 = arith.addi %add3A_551, %add3A_559 : i32
      %dma_start3A_561 = arith.constant 0 : i32
      %dma_start3A_562 = tpu.memref_slice %arg5[%add3A_560, %dma_start3A_561] : memref<512x26xi32, #tpu.memory_space<vmem>> -> memref<1x26xi32, #tpu.memory_space<vmem>>
      %dma_start3A_563 = tpu.memref_squeeze %dma_start3A_562 : memref<1x26xi32, #tpu.memory_space<vmem>> -> memref<26xi32, #tpu.memory_space<vmem>>
      %dma_start3A_564 = arith.constant 0 : i32
      %dma_start3A_565 = arith.constant 0 : i32
      %dma_start3A_566 = tpu.memref_slice %arg2[%dma_start3A_564, %dma_start3A_565] : memref<1000000x64xf32, #tpu.memory_space<hbm>> -> memref<1000000x64xf32, #tpu.memory_space<hbm>>
      tpu.enqueue_indirect_dma source(%dma_start3A_566 : memref<1000000x64xf32, #tpu.memory_space<hbm>>) target(%arg21 : memref<26x64xf32, #tpu.memory_space<vmem>>) offsets(%dma_start3A_563 : memref<26xi32, #tpu.memory_space<vmem>>) semaphore(%arg37 : memref<!tpu.dma_semaphore, #tpu.memory_space<semaphore_mem>>)
    }
    %scan3A_118 = arith.constant 31 : i32
    %dma_wait3A = arith.constant 496 : i32
    %dma_wait3A_119 = arith.constant 0 : i32
    %dma_wait3A_120 = tpu.memref_slice %arg5[%dma_wait3A, %dma_wait3A_119] : memref<512x26xi32, #tpu.memory_space<vmem>> -> memref<1x26xi32, #tpu.memory_space<vmem>>
    %dma_wait3A_121 = tpu.memref_squeeze %dma_wait3A_120 : memref<1x26xi32, #tpu.memory_space<vmem>> -> memref<26xi32, #tpu.memory_space<vmem>>
    %dma_wait3A_122 = arith.constant 0 : i32
    %dma_wait3A_123 = arith.constant 0 : i32
    %dma_wait3A_124 = tpu.memref_slice %arg2[%dma_wait3A_122, %dma_wait3A_123] : memref<1000000x64xf32, #tpu.memory_space<hbm>> -> memref<1000000x64xf32, #tpu.memory_space<hbm>>
    tpu.wait_indirect_dma semaphore(%arg22 : memref<!tpu.dma_semaphore, #tpu.memory_space<semaphore_mem>>) src(%dma_wait3A_124 : memref<1000000x64xf32, #tpu.memory_space<hbm>>) dst(%arg6 : memref<26x64xf32, #tpu.memory_space<vmem>>)
    %add3A_125 = arith.constant 496 : i32
    %add3A_126 = arith.addi %mul3A_2, %add3A_125 : i32
    "tpu.region"() ({
      %run_scoped3A = tpu.sem_alloc : memref<!tpu.dma_semaphore, #tpu.memory_space<semaphore_mem>>
      %dma_start3A_262 = arith.constant 0 : i32
      %dma_start3A_263 = arith.constant 0 : i32
      %dma_start3A_264 = tpu.memref_slice %arg4[%add3A_126, %dma_start3A_262, %dma_start3A_263] : memref<16384x32x128xf32, #tpu.memory_space<hbm>> -> memref<1x26x64xf32, #tpu.memory_space<hbm>>
      %dma_start3A_265 = tpu.memref_squeeze %dma_start3A_264 : memref<1x26x64xf32, #tpu.memory_space<hbm>> -> memref<26x64xf32, #tpu.memory_space<hbm>>
      %dma_start3A_266 = arith.constant 0 : i32
      %dma_start3A_267 = arith.constant 0 : i32
      %dma_start3A_268 = tpu.memref_slice %arg4[%add3A_126, %dma_start3A_266, %dma_start3A_267] : memref<16384x32x128xf32, #tpu.memory_space<hbm>> -> memref<1x26x64xf32, #tpu.memory_space<hbm>>
      %dma_start3A_269 = tpu.memref_squeeze %dma_start3A_268 : memref<1x26x64xf32, #tpu.memory_space<hbm>> -> memref<26x64xf32, #tpu.memory_space<hbm>>
      tpu.enqueue_dma source(%arg6 : memref<26x64xf32, #tpu.memory_space<vmem>>) target(%dma_start3A_269 : memref<26x64xf32, #tpu.memory_space<hbm>>) target_semaphore(%run_scoped3A : memref<!tpu.dma_semaphore, #tpu.memory_space<semaphore_mem>>)
      %dma_wait3A_270 = arith.constant 0 : i32
      %dma_wait3A_271 = arith.constant 0 : i32
      %dma_wait3A_272 = tpu.memref_slice %arg4[%add3A_126, %dma_wait3A_270, %dma_wait3A_271] : memref<16384x32x128xf32, #tpu.memory_space<hbm>> -> memref<1x26x64xf32, #tpu.memory_space<hbm>>
      %dma_wait3A_273 = tpu.memref_squeeze %dma_wait3A_272 : memref<1x26x64xf32, #tpu.memory_space<hbm>> -> memref<26x64xf32, #tpu.memory_space<hbm>>
      %dma_wait3A_274 = arith.constant 0 : i32
      %dma_wait3A_275 = arith.constant 0 : i32
      %dma_wait3A_276 = tpu.memref_slice %arg4[%add3A_126, %dma_wait3A_274, %dma_wait3A_275] : memref<16384x32x128xf32, #tpu.memory_space<hbm>> -> memref<1x26x64xf32, #tpu.memory_space<hbm>>
      %dma_wait3A_277 = tpu.memref_squeeze %dma_wait3A_276 : memref<1x26x64xf32, #tpu.memory_space<hbm>> -> memref<26x64xf32, #tpu.memory_space<hbm>>
      tpu.wait_dma2 semaphore(%run_scoped3A : memref<!tpu.dma_semaphore, #tpu.memory_space<semaphore_mem>>) src(%arg6 : memref<26x64xf32, #tpu.memory_space<vmem>>) dst(%dma_wait3A_277 : memref<26x64xf32, #tpu.memory_space<hbm>>)
      tpu.yield
    }) : () -> ()
    %dma_wait3A_127 = arith.constant 497 : i32
    %dma_wait3A_128 = arith.constant 0 : i32
    %dma_wait3A_129 = tpu.memref_slice %arg5[%dma_wait3A_127, %dma_wait3A_128] : memref<512x26xi32, #tpu.memory_space<vmem>> -> memref<1x26xi32, #tpu.memory_space<vmem>>
    %dma_wait3A_130 = tpu.memref_squeeze %dma_wait3A_129 : memref<1x26xi32, #tpu.memory_space<vmem>> -> memref<26xi32, #tpu.memory_space<vmem>>
    %dma_wait3A_131 = arith.constant 0 : i32
    %dma_wait3A_132 = arith.constant 0 : i32
    %dma_wait3A_133 = tpu.memref_slice %arg2[%dma_wait3A_131, %dma_wait3A_132] : memref<1000000x64xf32, #tpu.memory_space<hbm>> -> memref<1000000x64xf32, #tpu.memory_space<hbm>>
    tpu.wait_indirect_dma semaphore(%arg23 : memref<!tpu.dma_semaphore, #tpu.memory_space<semaphore_mem>>) src(%dma_wait3A_133 : memref<1000000x64xf32, #tpu.memory_space<hbm>>) dst(%arg7 : memref<26x64xf32, #tpu.memory_space<vmem>>)
    %add3A_134 = arith.constant 497 : i32
    %add3A_135 = arith.addi %mul3A_2, %add3A_134 : i32
    "tpu.region"() ({
      %run_scoped3A = tpu.sem_alloc : memref<!tpu.dma_semaphore, #tpu.memory_space<semaphore_mem>>
      %dma_start3A_262 = arith.constant 0 : i32
      %dma_start3A_263 = arith.constant 0 : i32
      %dma_start3A_264 = tpu.memref_slice %arg4[%add3A_135, %dma_start3A_262, %dma_start3A_263] : memref<16384x32x128xf32, #tpu.memory_space<hbm>> -> memref<1x26x64xf32, #tpu.memory_space<hbm>>
      %dma_start3A_265 = tpu.memref_squeeze %dma_start3A_264 : memref<1x26x64xf32, #tpu.memory_space<hbm>> -> memref<26x64xf32, #tpu.memory_space<hbm>>
      %dma_start3A_266 = arith.constant 0 : i32
      %dma_start3A_267 = arith.constant 0 : i32
      %dma_start3A_268 = tpu.memref_slice %arg4[%add3A_135, %dma_start3A_266, %dma_start3A_267] : memref<16384x32x128xf32, #tpu.memory_space<hbm>> -> memref<1x26x64xf32, #tpu.memory_space<hbm>>
      %dma_start3A_269 = tpu.memref_squeeze %dma_start3A_268 : memref<1x26x64xf32, #tpu.memory_space<hbm>> -> memref<26x64xf32, #tpu.memory_space<hbm>>
      tpu.enqueue_dma source(%arg7 : memref<26x64xf32, #tpu.memory_space<vmem>>) target(%dma_start3A_269 : memref<26x64xf32, #tpu.memory_space<hbm>>) target_semaphore(%run_scoped3A : memref<!tpu.dma_semaphore, #tpu.memory_space<semaphore_mem>>)
      %dma_wait3A_270 = arith.constant 0 : i32
      %dma_wait3A_271 = arith.constant 0 : i32
      %dma_wait3A_272 = tpu.memref_slice %arg4[%add3A_135, %dma_wait3A_270, %dma_wait3A_271] : memref<16384x32x128xf32, #tpu.memory_space<hbm>> -> memref<1x26x64xf32, #tpu.memory_space<hbm>>
      %dma_wait3A_273 = tpu.memref_squeeze %dma_wait3A_272 : memref<1x26x64xf32, #tpu.memory_space<hbm>> -> memref<26x64xf32, #tpu.memory_space<hbm>>
      %dma_wait3A_274 = arith.constant 0 : i32
      %dma_wait3A_275 = arith.constant 0 : i32
      %dma_wait3A_276 = tpu.memref_slice %arg4[%add3A_135, %dma_wait3A_274, %dma_wait3A_275] : memref<16384x32x128xf32, #tpu.memory_space<hbm>> -> memref<1x26x64xf32, #tpu.memory_space<hbm>>
      %dma_wait3A_277 = tpu.memref_squeeze %dma_wait3A_276 : memref<1x26x64xf32, #tpu.memory_space<hbm>> -> memref<26x64xf32, #tpu.memory_space<hbm>>
      tpu.wait_dma2 semaphore(%run_scoped3A : memref<!tpu.dma_semaphore, #tpu.memory_space<semaphore_mem>>) src(%arg7 : memref<26x64xf32, #tpu.memory_space<vmem>>) dst(%dma_wait3A_277 : memref<26x64xf32, #tpu.memory_space<hbm>>)
      tpu.yield
    }) : () -> ()
    %dma_wait3A_136 = arith.constant 498 : i32
    %dma_wait3A_137 = arith.constant 0 : i32
    %dma_wait3A_138 = tpu.memref_slice %arg5[%dma_wait3A_136, %dma_wait3A_137] : memref<512x26xi32, #tpu.memory_space<vmem>> -> memref<1x26xi32, #tpu.memory_space<vmem>>
    %dma_wait3A_139 = tpu.memref_squeeze %dma_wait3A_138 : memref<1x26xi32, #tpu.memory_space<vmem>> -> memref<26xi32, #tpu.memory_space<vmem>>
    %dma_wait3A_140 = arith.constant 0 : i32
    %dma_wait3A_141 = arith.constant 0 : i32
    %dma_wait3A_142 = tpu.memref_slice %arg2[%dma_wait3A_140, %dma_wait3A_141] : memref<1000000x64xf32, #tpu.memory_space<hbm>> -> memref<1000000x64xf32, #tpu.memory_space<hbm>>
    tpu.wait_indirect_dma semaphore(%arg24 : memref<!tpu.dma_semaphore, #tpu.memory_space<semaphore_mem>>) src(%dma_wait3A_142 : memref<1000000x64xf32, #tpu.memory_space<hbm>>) dst(%arg8 : memref<26x64xf32, #tpu.memory_space<vmem>>)
    %add3A_143 = arith.constant 498 : i32
    %add3A_144 = arith.addi %mul3A_2, %add3A_143 : i32
    "tpu.region"() ({
      %run_scoped3A = tpu.sem_alloc : memref<!tpu.dma_semaphore, #tpu.memory_space<semaphore_mem>>
      %dma_start3A_262 = arith.constant 0 : i32
      %dma_start3A_263 = arith.constant 0 : i32
      %dma_start3A_264 = tpu.memref_slice %arg4[%add3A_144, %dma_start3A_262, %dma_start3A_263] : memref<16384x32x128xf32, #tpu.memory_space<hbm>> -> memref<1x26x64xf32, #tpu.memory_space<hbm>>
      %dma_start3A_265 = tpu.memref_squeeze %dma_start3A_264 : memref<1x26x64xf32, #tpu.memory_space<hbm>> -> memref<26x64xf32, #tpu.memory_space<hbm>>
      %dma_start3A_266 = arith.constant 0 : i32
      %dma_start3A_267 = arith.constant 0 : i32
      %dma_start3A_268 = tpu.memref_slice %arg4[%add3A_144, %dma_start3A_266, %dma_start3A_267] : memref<16384x32x128xf32, #tpu.memory_space<hbm>> -> memref<1x26x64xf32, #tpu.memory_space<hbm>>
      %dma_start3A_269 = tpu.memref_squeeze %dma_start3A_268 : memref<1x26x64xf32, #tpu.memory_space<hbm>> -> memref<26x64xf32, #tpu.memory_space<hbm>>
      tpu.enqueue_dma source(%arg8 : memref<26x64xf32, #tpu.memory_space<vmem>>) target(%dma_start3A_269 : memref<26x64xf32, #tpu.memory_space<hbm>>) target_semaphore(%run_scoped3A : memref<!tpu.dma_semaphore, #tpu.memory_space<semaphore_mem>>)
      %dma_wait3A_270 = arith.constant 0 : i32
      %dma_wait3A_271 = arith.constant 0 : i32
      %dma_wait3A_272 = tpu.memref_slice %arg4[%add3A_144, %dma_wait3A_270, %dma_wait3A_271] : memref<16384x32x128xf32, #tpu.memory_space<hbm>> -> memref<1x26x64xf32, #tpu.memory_space<hbm>>
      %dma_wait3A_273 = tpu.memref_squeeze %dma_wait3A_272 : memref<1x26x64xf32, #tpu.memory_space<hbm>> -> memref<26x64xf32, #tpu.memory_space<hbm>>
      %dma_wait3A_274 = arith.constant 0 : i32
      %dma_wait3A_275 = arith.constant 0 : i32
      %dma_wait3A_276 = tpu.memref_slice %arg4[%add3A_144, %dma_wait3A_274, %dma_wait3A_275] : memref<16384x32x128xf32, #tpu.memory_space<hbm>> -> memref<1x26x64xf32, #tpu.memory_space<hbm>>
      %dma_wait3A_277 = tpu.memref_squeeze %dma_wait3A_276 : memref<1x26x64xf32, #tpu.memory_space<hbm>> -> memref<26x64xf32, #tpu.memory_space<hbm>>
      tpu.wait_dma2 semaphore(%run_scoped3A : memref<!tpu.dma_semaphore, #tpu.memory_space<semaphore_mem>>) src(%arg8 : memref<26x64xf32, #tpu.memory_space<vmem>>) dst(%dma_wait3A_277 : memref<26x64xf32, #tpu.memory_space<hbm>>)
      tpu.yield
    }) : () -> ()
    %dma_wait3A_145 = arith.constant 499 : i32
    %dma_wait3A_146 = arith.constant 0 : i32
    %dma_wait3A_147 = tpu.memref_slice %arg5[%dma_wait3A_145, %dma_wait3A_146] : memref<512x26xi32, #tpu.memory_space<vmem>> -> memref<1x26xi32, #tpu.memory_space<vmem>>
    %dma_wait3A_148 = tpu.memref_squeeze %dma_wait3A_147 : memref<1x26xi32, #tpu.memory_space<vmem>> -> memref<26xi32, #tpu.memory_space<vmem>>
    %dma_wait3A_149 = arith.constant 0 : i32
    %dma_wait3A_150 = arith.constant 0 : i32
    %dma_wait3A_151 = tpu.memref_slice %arg2[%dma_wait3A_149, %dma_wait3A_150] : memref<1000000x64xf32, #tpu.memory_space<hbm>> -> memref<1000000x64xf32, #tpu.memory_space<hbm>>
    tpu.wait_indirect_dma semaphore(%arg25 : memref<!tpu.dma_semaphore, #tpu.memory_space<semaphore_mem>>) src(%dma_wait3A_151 : memref<1000000x64xf32, #tpu.memory_space<hbm>>) dst(%arg9 : memref<26x64xf32, #tpu.memory_space<vmem>>)
    %add3A_152 = arith.constant 499 : i32
    %add3A_153 = arith.addi %mul3A_2, %add3A_152 : i32
    "tpu.region"() ({
      %run_scoped3A = tpu.sem_alloc : memref<!tpu.dma_semaphore, #tpu.memory_space<semaphore_mem>>
      %dma_start3A_262 = arith.constant 0 : i32
      %dma_start3A_263 = arith.constant 0 : i32
      %dma_start3A_264 = tpu.memref_slice %arg4[%add3A_153, %dma_start3A_262, %dma_start3A_263] : memref<16384x32x128xf32, #tpu.memory_space<hbm>> -> memref<1x26x64xf32, #tpu.memory_space<hbm>>
      %dma_start3A_265 = tpu.memref_squeeze %dma_start3A_264 : memref<1x26x64xf32, #tpu.memory_space<hbm>> -> memref<26x64xf32, #tpu.memory_space<hbm>>
      %dma_start3A_266 = arith.constant 0 : i32
      %dma_start3A_267 = arith.constant 0 : i32
      %dma_start3A_268 = tpu.memref_slice %arg4[%add3A_153, %dma_start3A_266, %dma_start3A_267] : memref<16384x32x128xf32, #tpu.memory_space<hbm>> -> memref<1x26x64xf32, #tpu.memory_space<hbm>>
      %dma_start3A_269 = tpu.memref_squeeze %dma_start3A_268 : memref<1x26x64xf32, #tpu.memory_space<hbm>> -> memref<26x64xf32, #tpu.memory_space<hbm>>
      tpu.enqueue_dma source(%arg9 : memref<26x64xf32, #tpu.memory_space<vmem>>) target(%dma_start3A_269 : memref<26x64xf32, #tpu.memory_space<hbm>>) target_semaphore(%run_scoped3A : memref<!tpu.dma_semaphore, #tpu.memory_space<semaphore_mem>>)
      %dma_wait3A_270 = arith.constant 0 : i32
      %dma_wait3A_271 = arith.constant 0 : i32
      %dma_wait3A_272 = tpu.memref_slice %arg4[%add3A_153, %dma_wait3A_270, %dma_wait3A_271] : memref<16384x32x128xf32, #tpu.memory_space<hbm>> -> memref<1x26x64xf32, #tpu.memory_space<hbm>>
      %dma_wait3A_273 = tpu.memref_squeeze %dma_wait3A_272 : memref<1x26x64xf32, #tpu.memory_space<hbm>> -> memref<26x64xf32, #tpu.memory_space<hbm>>
      %dma_wait3A_274 = arith.constant 0 : i32
      %dma_wait3A_275 = arith.constant 0 : i32
      %dma_wait3A_276 = tpu.memref_slice %arg4[%add3A_153, %dma_wait3A_274, %dma_wait3A_275] : memref<16384x32x128xf32, #tpu.memory_space<hbm>> -> memref<1x26x64xf32, #tpu.memory_space<hbm>>
      %dma_wait3A_277 = tpu.memref_squeeze %dma_wait3A_276 : memref<1x26x64xf32, #tpu.memory_space<hbm>> -> memref<26x64xf32, #tpu.memory_space<hbm>>
      tpu.wait_dma2 semaphore(%run_scoped3A : memref<!tpu.dma_semaphore, #tpu.memory_space<semaphore_mem>>) src(%arg9 : memref<26x64xf32, #tpu.memory_space<vmem>>) dst(%dma_wait3A_277 : memref<26x64xf32, #tpu.memory_space<hbm>>)
      tpu.yield
    }) : () -> ()
    %dma_wait3A_154 = arith.constant 500 : i32
    %dma_wait3A_155 = arith.constant 0 : i32
    %dma_wait3A_156 = tpu.memref_slice %arg5[%dma_wait3A_154, %dma_wait3A_155] : memref<512x26xi32, #tpu.memory_space<vmem>> -> memref<1x26xi32, #tpu.memory_space<vmem>>
    %dma_wait3A_157 = tpu.memref_squeeze %dma_wait3A_156 : memref<1x26xi32, #tpu.memory_space<vmem>> -> memref<26xi32, #tpu.memory_space<vmem>>
    %dma_wait3A_158 = arith.constant 0 : i32
    %dma_wait3A_159 = arith.constant 0 : i32
    %dma_wait3A_160 = tpu.memref_slice %arg2[%dma_wait3A_158, %dma_wait3A_159] : memref<1000000x64xf32, #tpu.memory_space<hbm>> -> memref<1000000x64xf32, #tpu.memory_space<hbm>>
    tpu.wait_indirect_dma semaphore(%arg26 : memref<!tpu.dma_semaphore, #tpu.memory_space<semaphore_mem>>) src(%dma_wait3A_160 : memref<1000000x64xf32, #tpu.memory_space<hbm>>) dst(%arg10 : memref<26x64xf32, #tpu.memory_space<vmem>>)
    %add3A_161 = arith.constant 500 : i32
    %add3A_162 = arith.addi %mul3A_2, %add3A_161 : i32
    "tpu.region"() ({
      %run_scoped3A = tpu.sem_alloc : memref<!tpu.dma_semaphore, #tpu.memory_space<semaphore_mem>>
      %dma_start3A_262 = arith.constant 0 : i32
      %dma_start3A_263 = arith.constant 0 : i32
      %dma_start3A_264 = tpu.memref_slice %arg4[%add3A_162, %dma_start3A_262, %dma_start3A_263] : memref<16384x32x128xf32, #tpu.memory_space<hbm>> -> memref<1x26x64xf32, #tpu.memory_space<hbm>>
      %dma_start3A_265 = tpu.memref_squeeze %dma_start3A_264 : memref<1x26x64xf32, #tpu.memory_space<hbm>> -> memref<26x64xf32, #tpu.memory_space<hbm>>
      %dma_start3A_266 = arith.constant 0 : i32
      %dma_start3A_267 = arith.constant 0 : i32
      %dma_start3A_268 = tpu.memref_slice %arg4[%add3A_162, %dma_start3A_266, %dma_start3A_267] : memref<16384x32x128xf32, #tpu.memory_space<hbm>> -> memref<1x26x64xf32, #tpu.memory_space<hbm>>
      %dma_start3A_269 = tpu.memref_squeeze %dma_start3A_268 : memref<1x26x64xf32, #tpu.memory_space<hbm>> -> memref<26x64xf32, #tpu.memory_space<hbm>>
      tpu.enqueue_dma source(%arg10 : memref<26x64xf32, #tpu.memory_space<vmem>>) target(%dma_start3A_269 : memref<26x64xf32, #tpu.memory_space<hbm>>) target_semaphore(%run_scoped3A : memref<!tpu.dma_semaphore, #tpu.memory_space<semaphore_mem>>)
      %dma_wait3A_270 = arith.constant 0 : i32
      %dma_wait3A_271 = arith.constant 0 : i32
      %dma_wait3A_272 = tpu.memref_slice %arg4[%add3A_162, %dma_wait3A_270, %dma_wait3A_271] : memref<16384x32x128xf32, #tpu.memory_space<hbm>> -> memref<1x26x64xf32, #tpu.memory_space<hbm>>
      %dma_wait3A_273 = tpu.memref_squeeze %dma_wait3A_272 : memref<1x26x64xf32, #tpu.memory_space<hbm>> -> memref<26x64xf32, #tpu.memory_space<hbm>>
      %dma_wait3A_274 = arith.constant 0 : i32
      %dma_wait3A_275 = arith.constant 0 : i32
      %dma_wait3A_276 = tpu.memref_slice %arg4[%add3A_162, %dma_wait3A_274, %dma_wait3A_275] : memref<16384x32x128xf32, #tpu.memory_space<hbm>> -> memref<1x26x64xf32, #tpu.memory_space<hbm>>
      %dma_wait3A_277 = tpu.memref_squeeze %dma_wait3A_276 : memref<1x26x64xf32, #tpu.memory_space<hbm>> -> memref<26x64xf32, #tpu.memory_space<hbm>>
      tpu.wait_dma2 semaphore(%run_scoped3A : memref<!tpu.dma_semaphore, #tpu.memory_space<semaphore_mem>>) src(%arg10 : memref<26x64xf32, #tpu.memory_space<vmem>>) dst(%dma_wait3A_277 : memref<26x64xf32, #tpu.memory_space<hbm>>)
      tpu.yield
    }) : () -> ()
    %dma_wait3A_163 = arith.constant 501 : i32
    %dma_wait3A_164 = arith.constant 0 : i32
    %dma_wait3A_165 = tpu.memref_slice %arg5[%dma_wait3A_163, %dma_wait3A_164] : memref<512x26xi32, #tpu.memory_space<vmem>> -> memref<1x26xi32, #tpu.memory_space<vmem>>
    %dma_wait3A_166 = tpu.memref_squeeze %dma_wait3A_165 : memref<1x26xi32, #tpu.memory_space<vmem>> -> memref<26xi32, #tpu.memory_space<vmem>>
    %dma_wait3A_167 = arith.constant 0 : i32
    %dma_wait3A_168 = arith.constant 0 : i32
    %dma_wait3A_169 = tpu.memref_slice %arg2[%dma_wait3A_167, %dma_wait3A_168] : memref<1000000x64xf32, #tpu.memory_space<hbm>> -> memref<1000000x64xf32, #tpu.memory_space<hbm>>
    tpu.wait_indirect_dma semaphore(%arg27 : memref<!tpu.dma_semaphore, #tpu.memory_space<semaphore_mem>>) src(%dma_wait3A_169 : memref<1000000x64xf32, #tpu.memory_space<hbm>>) dst(%arg11 : memref<26x64xf32, #tpu.memory_space<vmem>>)
    %add3A_170 = arith.constant 501 : i32
    %add3A_171 = arith.addi %mul3A_2, %add3A_170 : i32
    "tpu.region"() ({
      %run_scoped3A = tpu.sem_alloc : memref<!tpu.dma_semaphore, #tpu.memory_space<semaphore_mem>>
      %dma_start3A_262 = arith.constant 0 : i32
      %dma_start3A_263 = arith.constant 0 : i32
      %dma_start3A_264 = tpu.memref_slice %arg4[%add3A_171, %dma_start3A_262, %dma_start3A_263] : memref<16384x32x128xf32, #tpu.memory_space<hbm>> -> memref<1x26x64xf32, #tpu.memory_space<hbm>>
      %dma_start3A_265 = tpu.memref_squeeze %dma_start3A_264 : memref<1x26x64xf32, #tpu.memory_space<hbm>> -> memref<26x64xf32, #tpu.memory_space<hbm>>
      %dma_start3A_266 = arith.constant 0 : i32
      %dma_start3A_267 = arith.constant 0 : i32
      %dma_start3A_268 = tpu.memref_slice %arg4[%add3A_171, %dma_start3A_266, %dma_start3A_267] : memref<16384x32x128xf32, #tpu.memory_space<hbm>> -> memref<1x26x64xf32, #tpu.memory_space<hbm>>
      %dma_start3A_269 = tpu.memref_squeeze %dma_start3A_268 : memref<1x26x64xf32, #tpu.memory_space<hbm>> -> memref<26x64xf32, #tpu.memory_space<hbm>>
      tpu.enqueue_dma source(%arg11 : memref<26x64xf32, #tpu.memory_space<vmem>>) target(%dma_start3A_269 : memref<26x64xf32, #tpu.memory_space<hbm>>) target_semaphore(%run_scoped3A : memref<!tpu.dma_semaphore, #tpu.memory_space<semaphore_mem>>)
      %dma_wait3A_270 = arith.constant 0 : i32
      %dma_wait3A_271 = arith.constant 0 : i32
      %dma_wait3A_272 = tpu.memref_slice %arg4[%add3A_171, %dma_wait3A_270, %dma_wait3A_271] : memref<16384x32x128xf32, #tpu.memory_space<hbm>> -> memref<1x26x64xf32, #tpu.memory_space<hbm>>
      %dma_wait3A_273 = tpu.memref_squeeze %dma_wait3A_272 : memref<1x26x64xf32, #tpu.memory_space<hbm>> -> memref<26x64xf32, #tpu.memory_space<hbm>>
      %dma_wait3A_274 = arith.constant 0 : i32
      %dma_wait3A_275 = arith.constant 0 : i32
      %dma_wait3A_276 = tpu.memref_slice %arg4[%add3A_171, %dma_wait3A_274, %dma_wait3A_275] : memref<16384x32x128xf32, #tpu.memory_space<hbm>> -> memref<1x26x64xf32, #tpu.memory_space<hbm>>
      %dma_wait3A_277 = tpu.memref_squeeze %dma_wait3A_276 : memref<1x26x64xf32, #tpu.memory_space<hbm>> -> memref<26x64xf32, #tpu.memory_space<hbm>>
      tpu.wait_dma2 semaphore(%run_scoped3A : memref<!tpu.dma_semaphore, #tpu.memory_space<semaphore_mem>>) src(%arg11 : memref<26x64xf32, #tpu.memory_space<vmem>>) dst(%dma_wait3A_277 : memref<26x64xf32, #tpu.memory_space<hbm>>)
      tpu.yield
    }) : () -> ()
    %dma_wait3A_172 = arith.constant 502 : i32
    %dma_wait3A_173 = arith.constant 0 : i32
    %dma_wait3A_174 = tpu.memref_slice %arg5[%dma_wait3A_172, %dma_wait3A_173] : memref<512x26xi32, #tpu.memory_space<vmem>> -> memref<1x26xi32, #tpu.memory_space<vmem>>
    %dma_wait3A_175 = tpu.memref_squeeze %dma_wait3A_174 : memref<1x26xi32, #tpu.memory_space<vmem>> -> memref<26xi32, #tpu.memory_space<vmem>>
    %dma_wait3A_176 = arith.constant 0 : i32
    %dma_wait3A_177 = arith.constant 0 : i32
    %dma_wait3A_178 = tpu.memref_slice %arg2[%dma_wait3A_176, %dma_wait3A_177] : memref<1000000x64xf32, #tpu.memory_space<hbm>> -> memref<1000000x64xf32, #tpu.memory_space<hbm>>
    tpu.wait_indirect_dma semaphore(%arg28 : memref<!tpu.dma_semaphore, #tpu.memory_space<semaphore_mem>>) src(%dma_wait3A_178 : memref<1000000x64xf32, #tpu.memory_space<hbm>>) dst(%arg12 : memref<26x64xf32, #tpu.memory_space<vmem>>)
    %add3A_179 = arith.constant 502 : i32
    %add3A_180 = arith.addi %mul3A_2, %add3A_179 : i32
    "tpu.region"() ({
      %run_scoped3A = tpu.sem_alloc : memref<!tpu.dma_semaphore, #tpu.memory_space<semaphore_mem>>
      %dma_start3A_262 = arith.constant 0 : i32
      %dma_start3A_263 = arith.constant 0 : i32
      %dma_start3A_264 = tpu.memref_slice %arg4[%add3A_180, %dma_start3A_262, %dma_start3A_263] : memref<16384x32x128xf32, #tpu.memory_space<hbm>> -> memref<1x26x64xf32, #tpu.memory_space<hbm>>
      %dma_start3A_265 = tpu.memref_squeeze %dma_start3A_264 : memref<1x26x64xf32, #tpu.memory_space<hbm>> -> memref<26x64xf32, #tpu.memory_space<hbm>>
      %dma_start3A_266 = arith.constant 0 : i32
      %dma_start3A_267 = arith.constant 0 : i32
      %dma_start3A_268 = tpu.memref_slice %arg4[%add3A_180, %dma_start3A_266, %dma_start3A_267] : memref<16384x32x128xf32, #tpu.memory_space<hbm>> -> memref<1x26x64xf32, #tpu.memory_space<hbm>>
      %dma_start3A_269 = tpu.memref_squeeze %dma_start3A_268 : memref<1x26x64xf32, #tpu.memory_space<hbm>> -> memref<26x64xf32, #tpu.memory_space<hbm>>
      tpu.enqueue_dma source(%arg12 : memref<26x64xf32, #tpu.memory_space<vmem>>) target(%dma_start3A_269 : memref<26x64xf32, #tpu.memory_space<hbm>>) target_semaphore(%run_scoped3A : memref<!tpu.dma_semaphore, #tpu.memory_space<semaphore_mem>>)
      %dma_wait3A_270 = arith.constant 0 : i32
      %dma_wait3A_271 = arith.constant 0 : i32
      %dma_wait3A_272 = tpu.memref_slice %arg4[%add3A_180, %dma_wait3A_270, %dma_wait3A_271] : memref<16384x32x128xf32, #tpu.memory_space<hbm>> -> memref<1x26x64xf32, #tpu.memory_space<hbm>>
      %dma_wait3A_273 = tpu.memref_squeeze %dma_wait3A_272 : memref<1x26x64xf32, #tpu.memory_space<hbm>> -> memref<26x64xf32, #tpu.memory_space<hbm>>
      %dma_wait3A_274 = arith.constant 0 : i32
      %dma_wait3A_275 = arith.constant 0 : i32
      %dma_wait3A_276 = tpu.memref_slice %arg4[%add3A_180, %dma_wait3A_274, %dma_wait3A_275] : memref<16384x32x128xf32, #tpu.memory_space<hbm>> -> memref<1x26x64xf32, #tpu.memory_space<hbm>>
      %dma_wait3A_277 = tpu.memref_squeeze %dma_wait3A_276 : memref<1x26x64xf32, #tpu.memory_space<hbm>> -> memref<26x64xf32, #tpu.memory_space<hbm>>
      tpu.wait_dma2 semaphore(%run_scoped3A : memref<!tpu.dma_semaphore, #tpu.memory_space<semaphore_mem>>) src(%arg12 : memref<26x64xf32, #tpu.memory_space<vmem>>) dst(%dma_wait3A_277 : memref<26x64xf32, #tpu.memory_space<hbm>>)
      tpu.yield
    }) : () -> ()
    %dma_wait3A_181 = arith.constant 503 : i32
    %dma_wait3A_182 = arith.constant 0 : i32
    %dma_wait3A_183 = tpu.memref_slice %arg5[%dma_wait3A_181, %dma_wait3A_182] : memref<512x26xi32, #tpu.memory_space<vmem>> -> memref<1x26xi32, #tpu.memory_space<vmem>>
    %dma_wait3A_184 = tpu.memref_squeeze %dma_wait3A_183 : memref<1x26xi32, #tpu.memory_space<vmem>> -> memref<26xi32, #tpu.memory_space<vmem>>
    %dma_wait3A_185 = arith.constant 0 : i32
    %dma_wait3A_186 = arith.constant 0 : i32
    %dma_wait3A_187 = tpu.memref_slice %arg2[%dma_wait3A_185, %dma_wait3A_186] : memref<1000000x64xf32, #tpu.memory_space<hbm>> -> memref<1000000x64xf32, #tpu.memory_space<hbm>>
    tpu.wait_indirect_dma semaphore(%arg29 : memref<!tpu.dma_semaphore, #tpu.memory_space<semaphore_mem>>) src(%dma_wait3A_187 : memref<1000000x64xf32, #tpu.memory_space<hbm>>) dst(%arg13 : memref<26x64xf32, #tpu.memory_space<vmem>>)
    %add3A_188 = arith.constant 503 : i32
    %add3A_189 = arith.addi %mul3A_2, %add3A_188 : i32
    "tpu.region"() ({
      %run_scoped3A = tpu.sem_alloc : memref<!tpu.dma_semaphore, #tpu.memory_space<semaphore_mem>>
      %dma_start3A_262 = arith.constant 0 : i32
      %dma_start3A_263 = arith.constant 0 : i32
      %dma_start3A_264 = tpu.memref_slice %arg4[%add3A_189, %dma_start3A_262, %dma_start3A_263] : memref<16384x32x128xf32, #tpu.memory_space<hbm>> -> memref<1x26x64xf32, #tpu.memory_space<hbm>>
      %dma_start3A_265 = tpu.memref_squeeze %dma_start3A_264 : memref<1x26x64xf32, #tpu.memory_space<hbm>> -> memref<26x64xf32, #tpu.memory_space<hbm>>
      %dma_start3A_266 = arith.constant 0 : i32
      %dma_start3A_267 = arith.constant 0 : i32
      %dma_start3A_268 = tpu.memref_slice %arg4[%add3A_189, %dma_start3A_266, %dma_start3A_267] : memref<16384x32x128xf32, #tpu.memory_space<hbm>> -> memref<1x26x64xf32, #tpu.memory_space<hbm>>
      %dma_start3A_269 = tpu.memref_squeeze %dma_start3A_268 : memref<1x26x64xf32, #tpu.memory_space<hbm>> -> memref<26x64xf32, #tpu.memory_space<hbm>>
      tpu.enqueue_dma source(%arg13 : memref<26x64xf32, #tpu.memory_space<vmem>>) target(%dma_start3A_269 : memref<26x64xf32, #tpu.memory_space<hbm>>) target_semaphore(%run_scoped3A : memref<!tpu.dma_semaphore, #tpu.memory_space<semaphore_mem>>)
      %dma_wait3A_270 = arith.constant 0 : i32
      %dma_wait3A_271 = arith.constant 0 : i32
      %dma_wait3A_272 = tpu.memref_slice %arg4[%add3A_189, %dma_wait3A_270, %dma_wait3A_271] : memref<16384x32x128xf32, #tpu.memory_space<hbm>> -> memref<1x26x64xf32, #tpu.memory_space<hbm>>
      %dma_wait3A_273 = tpu.memref_squeeze %dma_wait3A_272 : memref<1x26x64xf32, #tpu.memory_space<hbm>> -> memref<26x64xf32, #tpu.memory_space<hbm>>
      %dma_wait3A_274 = arith.constant 0 : i32
      %dma_wait3A_275 = arith.constant 0 : i32
      %dma_wait3A_276 = tpu.memref_slice %arg4[%add3A_189, %dma_wait3A_274, %dma_wait3A_275] : memref<16384x32x128xf32, #tpu.memory_space<hbm>> -> memref<1x26x64xf32, #tpu.memory_space<hbm>>
      %dma_wait3A_277 = tpu.memref_squeeze %dma_wait3A_276 : memref<1x26x64xf32, #tpu.memory_space<hbm>> -> memref<26x64xf32, #tpu.memory_space<hbm>>
      tpu.wait_dma2 semaphore(%run_scoped3A : memref<!tpu.dma_semaphore, #tpu.memory_space<semaphore_mem>>) src(%arg13 : memref<26x64xf32, #tpu.memory_space<vmem>>) dst(%dma_wait3A_277 : memref<26x64xf32, #tpu.memory_space<hbm>>)
      tpu.yield
    }) : () -> ()
    %dma_wait3A_190 = arith.constant 504 : i32
    %dma_wait3A_191 = arith.constant 0 : i32
    %dma_wait3A_192 = tpu.memref_slice %arg5[%dma_wait3A_190, %dma_wait3A_191] : memref<512x26xi32, #tpu.memory_space<vmem>> -> memref<1x26xi32, #tpu.memory_space<vmem>>
    %dma_wait3A_193 = tpu.memref_squeeze %dma_wait3A_192 : memref<1x26xi32, #tpu.memory_space<vmem>> -> memref<26xi32, #tpu.memory_space<vmem>>
    %dma_wait3A_194 = arith.constant 0 : i32
    %dma_wait3A_195 = arith.constant 0 : i32
    %dma_wait3A_196 = tpu.memref_slice %arg2[%dma_wait3A_194, %dma_wait3A_195] : memref<1000000x64xf32, #tpu.memory_space<hbm>> -> memref<1000000x64xf32, #tpu.memory_space<hbm>>
    tpu.wait_indirect_dma semaphore(%arg30 : memref<!tpu.dma_semaphore, #tpu.memory_space<semaphore_mem>>) src(%dma_wait3A_196 : memref<1000000x64xf32, #tpu.memory_space<hbm>>) dst(%arg14 : memref<26x64xf32, #tpu.memory_space<vmem>>)
    %add3A_197 = arith.constant 504 : i32
    %add3A_198 = arith.addi %mul3A_2, %add3A_197 : i32
    "tpu.region"() ({
      %run_scoped3A = tpu.sem_alloc : memref<!tpu.dma_semaphore, #tpu.memory_space<semaphore_mem>>
      %dma_start3A_262 = arith.constant 0 : i32
      %dma_start3A_263 = arith.constant 0 : i32
      %dma_start3A_264 = tpu.memref_slice %arg4[%add3A_198, %dma_start3A_262, %dma_start3A_263] : memref<16384x32x128xf32, #tpu.memory_space<hbm>> -> memref<1x26x64xf32, #tpu.memory_space<hbm>>
      %dma_start3A_265 = tpu.memref_squeeze %dma_start3A_264 : memref<1x26x64xf32, #tpu.memory_space<hbm>> -> memref<26x64xf32, #tpu.memory_space<hbm>>
      %dma_start3A_266 = arith.constant 0 : i32
      %dma_start3A_267 = arith.constant 0 : i32
      %dma_start3A_268 = tpu.memref_slice %arg4[%add3A_198, %dma_start3A_266, %dma_start3A_267] : memref<16384x32x128xf32, #tpu.memory_space<hbm>> -> memref<1x26x64xf32, #tpu.memory_space<hbm>>
      %dma_start3A_269 = tpu.memref_squeeze %dma_start3A_268 : memref<1x26x64xf32, #tpu.memory_space<hbm>> -> memref<26x64xf32, #tpu.memory_space<hbm>>
      tpu.enqueue_dma source(%arg14 : memref<26x64xf32, #tpu.memory_space<vmem>>) target(%dma_start3A_269 : memref<26x64xf32, #tpu.memory_space<hbm>>) target_semaphore(%run_scoped3A : memref<!tpu.dma_semaphore, #tpu.memory_space<semaphore_mem>>)
      %dma_wait3A_270 = arith.constant 0 : i32
      %dma_wait3A_271 = arith.constant 0 : i32
      %dma_wait3A_272 = tpu.memref_slice %arg4[%add3A_198, %dma_wait3A_270, %dma_wait3A_271] : memref<16384x32x128xf32, #tpu.memory_space<hbm>> -> memref<1x26x64xf32, #tpu.memory_space<hbm>>
      %dma_wait3A_273 = tpu.memref_squeeze %dma_wait3A_272 : memref<1x26x64xf32, #tpu.memory_space<hbm>> -> memref<26x64xf32, #tpu.memory_space<hbm>>
      %dma_wait3A_274 = arith.constant 0 : i32
      %dma_wait3A_275 = arith.constant 0 : i32
      %dma_wait3A_276 = tpu.memref_slice %arg4[%add3A_198, %dma_wait3A_274, %dma_wait3A_275] : memref<16384x32x128xf32, #tpu.memory_space<hbm>> -> memref<1x26x64xf32, #tpu.memory_space<hbm>>
      %dma_wait3A_277 = tpu.memref_squeeze %dma_wait3A_276 : memref<1x26x64xf32, #tpu.memory_space<hbm>> -> memref<26x64xf32, #tpu.memory_space<hbm>>
      tpu.wait_dma2 semaphore(%run_scoped3A : memref<!tpu.dma_semaphore, #tpu.memory_space<semaphore_mem>>) src(%arg14 : memref<26x64xf32, #tpu.memory_space<vmem>>) dst(%dma_wait3A_277 : memref<26x64xf32, #tpu.memory_space<hbm>>)
      tpu.yield
    }) : () -> ()
    %dma_wait3A_199 = arith.constant 505 : i32
    %dma_wait3A_200 = arith.constant 0 : i32
    %dma_wait3A_201 = tpu.memref_slice %arg5[%dma_wait3A_199, %dma_wait3A_200] : memref<512x26xi32, #tpu.memory_space<vmem>> -> memref<1x26xi32, #tpu.memory_space<vmem>>
    %dma_wait3A_202 = tpu.memref_squeeze %dma_wait3A_201 : memref<1x26xi32, #tpu.memory_space<vmem>> -> memref<26xi32, #tpu.memory_space<vmem>>
    %dma_wait3A_203 = arith.constant 0 : i32
    %dma_wait3A_204 = arith.constant 0 : i32
    %dma_wait3A_205 = tpu.memref_slice %arg2[%dma_wait3A_203, %dma_wait3A_204] : memref<1000000x64xf32, #tpu.memory_space<hbm>> -> memref<1000000x64xf32, #tpu.memory_space<hbm>>
    tpu.wait_indirect_dma semaphore(%arg31 : memref<!tpu.dma_semaphore, #tpu.memory_space<semaphore_mem>>) src(%dma_wait3A_205 : memref<1000000x64xf32, #tpu.memory_space<hbm>>) dst(%arg15 : memref<26x64xf32, #tpu.memory_space<vmem>>)
    %add3A_206 = arith.constant 505 : i32
    %add3A_207 = arith.addi %mul3A_2, %add3A_206 : i32
    "tpu.region"() ({
      %run_scoped3A = tpu.sem_alloc : memref<!tpu.dma_semaphore, #tpu.memory_space<semaphore_mem>>
      %dma_start3A_262 = arith.constant 0 : i32
      %dma_start3A_263 = arith.constant 0 : i32
      %dma_start3A_264 = tpu.memref_slice %arg4[%add3A_207, %dma_start3A_262, %dma_start3A_263] : memref<16384x32x128xf32, #tpu.memory_space<hbm>> -> memref<1x26x64xf32, #tpu.memory_space<hbm>>
      %dma_start3A_265 = tpu.memref_squeeze %dma_start3A_264 : memref<1x26x64xf32, #tpu.memory_space<hbm>> -> memref<26x64xf32, #tpu.memory_space<hbm>>
      %dma_start3A_266 = arith.constant 0 : i32
      %dma_start3A_267 = arith.constant 0 : i32
      %dma_start3A_268 = tpu.memref_slice %arg4[%add3A_207, %dma_start3A_266, %dma_start3A_267] : memref<16384x32x128xf32, #tpu.memory_space<hbm>> -> memref<1x26x64xf32, #tpu.memory_space<hbm>>
      %dma_start3A_269 = tpu.memref_squeeze %dma_start3A_268 : memref<1x26x64xf32, #tpu.memory_space<hbm>> -> memref<26x64xf32, #tpu.memory_space<hbm>>
      tpu.enqueue_dma source(%arg15 : memref<26x64xf32, #tpu.memory_space<vmem>>) target(%dma_start3A_269 : memref<26x64xf32, #tpu.memory_space<hbm>>) target_semaphore(%run_scoped3A : memref<!tpu.dma_semaphore, #tpu.memory_space<semaphore_mem>>)
      %dma_wait3A_270 = arith.constant 0 : i32
      %dma_wait3A_271 = arith.constant 0 : i32
      %dma_wait3A_272 = tpu.memref_slice %arg4[%add3A_207, %dma_wait3A_270, %dma_wait3A_271] : memref<16384x32x128xf32, #tpu.memory_space<hbm>> -> memref<1x26x64xf32, #tpu.memory_space<hbm>>
      %dma_wait3A_273 = tpu.memref_squeeze %dma_wait3A_272 : memref<1x26x64xf32, #tpu.memory_space<hbm>> -> memref<26x64xf32, #tpu.memory_space<hbm>>
      %dma_wait3A_274 = arith.constant 0 : i32
      %dma_wait3A_275 = arith.constant 0 : i32
      %dma_wait3A_276 = tpu.memref_slice %arg4[%add3A_207, %dma_wait3A_274, %dma_wait3A_275] : memref<16384x32x128xf32, #tpu.memory_space<hbm>> -> memref<1x26x64xf32, #tpu.memory_space<hbm>>
      %dma_wait3A_277 = tpu.memref_squeeze %dma_wait3A_276 : memref<1x26x64xf32, #tpu.memory_space<hbm>> -> memref<26x64xf32, #tpu.memory_space<hbm>>
      tpu.wait_dma2 semaphore(%run_scoped3A : memref<!tpu.dma_semaphore, #tpu.memory_space<semaphore_mem>>) src(%arg15 : memref<26x64xf32, #tpu.memory_space<vmem>>) dst(%dma_wait3A_277 : memref<26x64xf32, #tpu.memory_space<hbm>>)
      tpu.yield
    }) : () -> ()
    %dma_wait3A_208 = arith.constant 506 : i32
    %dma_wait3A_209 = arith.constant 0 : i32
    %dma_wait3A_210 = tpu.memref_slice %arg5[%dma_wait3A_208, %dma_wait3A_209] : memref<512x26xi32, #tpu.memory_space<vmem>> -> memref<1x26xi32, #tpu.memory_space<vmem>>
    %dma_wait3A_211 = tpu.memref_squeeze %dma_wait3A_210 : memref<1x26xi32, #tpu.memory_space<vmem>> -> memref<26xi32, #tpu.memory_space<vmem>>
    %dma_wait3A_212 = arith.constant 0 : i32
    %dma_wait3A_213 = arith.constant 0 : i32
    %dma_wait3A_214 = tpu.memref_slice %arg2[%dma_wait3A_212, %dma_wait3A_213] : memref<1000000x64xf32, #tpu.memory_space<hbm>> -> memref<1000000x64xf32, #tpu.memory_space<hbm>>
    tpu.wait_indirect_dma semaphore(%arg32 : memref<!tpu.dma_semaphore, #tpu.memory_space<semaphore_mem>>) src(%dma_wait3A_214 : memref<1000000x64xf32, #tpu.memory_space<hbm>>) dst(%arg16 : memref<26x64xf32, #tpu.memory_space<vmem>>)
    %add3A_215 = arith.constant 506 : i32
    %add3A_216 = arith.addi %mul3A_2, %add3A_215 : i32
    "tpu.region"() ({
      %run_scoped3A = tpu.sem_alloc : memref<!tpu.dma_semaphore, #tpu.memory_space<semaphore_mem>>
      %dma_start3A_262 = arith.constant 0 : i32
      %dma_start3A_263 = arith.constant 0 : i32
      %dma_start3A_264 = tpu.memref_slice %arg4[%add3A_216, %dma_start3A_262, %dma_start3A_263] : memref<16384x32x128xf32, #tpu.memory_space<hbm>> -> memref<1x26x64xf32, #tpu.memory_space<hbm>>
      %dma_start3A_265 = tpu.memref_squeeze %dma_start3A_264 : memref<1x26x64xf32, #tpu.memory_space<hbm>> -> memref<26x64xf32, #tpu.memory_space<hbm>>
      %dma_start3A_266 = arith.constant 0 : i32
      %dma_start3A_267 = arith.constant 0 : i32
      %dma_start3A_268 = tpu.memref_slice %arg4[%add3A_216, %dma_start3A_266, %dma_start3A_267] : memref<16384x32x128xf32, #tpu.memory_space<hbm>> -> memref<1x26x64xf32, #tpu.memory_space<hbm>>
      %dma_start3A_269 = tpu.memref_squeeze %dma_start3A_268 : memref<1x26x64xf32, #tpu.memory_space<hbm>> -> memref<26x64xf32, #tpu.memory_space<hbm>>
      tpu.enqueue_dma source(%arg16 : memref<26x64xf32, #tpu.memory_space<vmem>>) target(%dma_start3A_269 : memref<26x64xf32, #tpu.memory_space<hbm>>) target_semaphore(%run_scoped3A : memref<!tpu.dma_semaphore, #tpu.memory_space<semaphore_mem>>)
      %dma_wait3A_270 = arith.constant 0 : i32
      %dma_wait3A_271 = arith.constant 0 : i32
      %dma_wait3A_272 = tpu.memref_slice %arg4[%add3A_216, %dma_wait3A_270, %dma_wait3A_271] : memref<16384x32x128xf32, #tpu.memory_space<hbm>> -> memref<1x26x64xf32, #tpu.memory_space<hbm>>
      %dma_wait3A_273 = tpu.memref_squeeze %dma_wait3A_272 : memref<1x26x64xf32, #tpu.memory_space<hbm>> -> memref<26x64xf32, #tpu.memory_space<hbm>>
      %dma_wait3A_274 = arith.constant 0 : i32
      %dma_wait3A_275 = arith.constant 0 : i32
      %dma_wait3A_276 = tpu.memref_slice %arg4[%add3A_216, %dma_wait3A_274, %dma_wait3A_275] : memref<16384x32x128xf32, #tpu.memory_space<hbm>> -> memref<1x26x64xf32, #tpu.memory_space<hbm>>
      %dma_wait3A_277 = tpu.memref_squeeze %dma_wait3A_276 : memref<1x26x64xf32, #tpu.memory_space<hbm>> -> memref<26x64xf32, #tpu.memory_space<hbm>>
      tpu.wait_dma2 semaphore(%run_scoped3A : memref<!tpu.dma_semaphore, #tpu.memory_space<semaphore_mem>>) src(%arg16 : memref<26x64xf32, #tpu.memory_space<vmem>>) dst(%dma_wait3A_277 : memref<26x64xf32, #tpu.memory_space<hbm>>)
      tpu.yield
    }) : () -> ()
    %dma_wait3A_217 = arith.constant 507 : i32
    %dma_wait3A_218 = arith.constant 0 : i32
    %dma_wait3A_219 = tpu.memref_slice %arg5[%dma_wait3A_217, %dma_wait3A_218] : memref<512x26xi32, #tpu.memory_space<vmem>> -> memref<1x26xi32, #tpu.memory_space<vmem>>
    %dma_wait3A_220 = tpu.memref_squeeze %dma_wait3A_219 : memref<1x26xi32, #tpu.memory_space<vmem>> -> memref<26xi32, #tpu.memory_space<vmem>>
    %dma_wait3A_221 = arith.constant 0 : i32
    %dma_wait3A_222 = arith.constant 0 : i32
    %dma_wait3A_223 = tpu.memref_slice %arg2[%dma_wait3A_221, %dma_wait3A_222] : memref<1000000x64xf32, #tpu.memory_space<hbm>> -> memref<1000000x64xf32, #tpu.memory_space<hbm>>
    tpu.wait_indirect_dma semaphore(%arg33 : memref<!tpu.dma_semaphore, #tpu.memory_space<semaphore_mem>>) src(%dma_wait3A_223 : memref<1000000x64xf32, #tpu.memory_space<hbm>>) dst(%arg17 : memref<26x64xf32, #tpu.memory_space<vmem>>)
    %add3A_224 = arith.constant 507 : i32
    %add3A_225 = arith.addi %mul3A_2, %add3A_224 : i32
    "tpu.region"() ({
      %run_scoped3A = tpu.sem_alloc : memref<!tpu.dma_semaphore, #tpu.memory_space<semaphore_mem>>
      %dma_start3A_262 = arith.constant 0 : i32
      %dma_start3A_263 = arith.constant 0 : i32
      %dma_start3A_264 = tpu.memref_slice %arg4[%add3A_225, %dma_start3A_262, %dma_start3A_263] : memref<16384x32x128xf32, #tpu.memory_space<hbm>> -> memref<1x26x64xf32, #tpu.memory_space<hbm>>
      %dma_start3A_265 = tpu.memref_squeeze %dma_start3A_264 : memref<1x26x64xf32, #tpu.memory_space<hbm>> -> memref<26x64xf32, #tpu.memory_space<hbm>>
      %dma_start3A_266 = arith.constant 0 : i32
      %dma_start3A_267 = arith.constant 0 : i32
      %dma_start3A_268 = tpu.memref_slice %arg4[%add3A_225, %dma_start3A_266, %dma_start3A_267] : memref<16384x32x128xf32, #tpu.memory_space<hbm>> -> memref<1x26x64xf32, #tpu.memory_space<hbm>>
      %dma_start3A_269 = tpu.memref_squeeze %dma_start3A_268 : memref<1x26x64xf32, #tpu.memory_space<hbm>> -> memref<26x64xf32, #tpu.memory_space<hbm>>
      tpu.enqueue_dma source(%arg17 : memref<26x64xf32, #tpu.memory_space<vmem>>) target(%dma_start3A_269 : memref<26x64xf32, #tpu.memory_space<hbm>>) target_semaphore(%run_scoped3A : memref<!tpu.dma_semaphore, #tpu.memory_space<semaphore_mem>>)
      %dma_wait3A_270 = arith.constant 0 : i32
      %dma_wait3A_271 = arith.constant 0 : i32
      %dma_wait3A_272 = tpu.memref_slice %arg4[%add3A_225, %dma_wait3A_270, %dma_wait3A_271] : memref<16384x32x128xf32, #tpu.memory_space<hbm>> -> memref<1x26x64xf32, #tpu.memory_space<hbm>>
      %dma_wait3A_273 = tpu.memref_squeeze %dma_wait3A_272 : memref<1x26x64xf32, #tpu.memory_space<hbm>> -> memref<26x64xf32, #tpu.memory_space<hbm>>
      %dma_wait3A_274 = arith.constant 0 : i32
      %dma_wait3A_275 = arith.constant 0 : i32
      %dma_wait3A_276 = tpu.memref_slice %arg4[%add3A_225, %dma_wait3A_274, %dma_wait3A_275] : memref<16384x32x128xf32, #tpu.memory_space<hbm>> -> memref<1x26x64xf32, #tpu.memory_space<hbm>>
      %dma_wait3A_277 = tpu.memref_squeeze %dma_wait3A_276 : memref<1x26x64xf32, #tpu.memory_space<hbm>> -> memref<26x64xf32, #tpu.memory_space<hbm>>
      tpu.wait_dma2 semaphore(%run_scoped3A : memref<!tpu.dma_semaphore, #tpu.memory_space<semaphore_mem>>) src(%arg17 : memref<26x64xf32, #tpu.memory_space<vmem>>) dst(%dma_wait3A_277 : memref<26x64xf32, #tpu.memory_space<hbm>>)
      tpu.yield
    }) : () -> ()
    %dma_wait3A_226 = arith.constant 508 : i32
    %dma_wait3A_227 = arith.constant 0 : i32
    %dma_wait3A_228 = tpu.memref_slice %arg5[%dma_wait3A_226, %dma_wait3A_227] : memref<512x26xi32, #tpu.memory_space<vmem>> -> memref<1x26xi32, #tpu.memory_space<vmem>>
    %dma_wait3A_229 = tpu.memref_squeeze %dma_wait3A_228 : memref<1x26xi32, #tpu.memory_space<vmem>> -> memref<26xi32, #tpu.memory_space<vmem>>
    %dma_wait3A_230 = arith.constant 0 : i32
    %dma_wait3A_231 = arith.constant 0 : i32
    %dma_wait3A_232 = tpu.memref_slice %arg2[%dma_wait3A_230, %dma_wait3A_231] : memref<1000000x64xf32, #tpu.memory_space<hbm>> -> memref<1000000x64xf32, #tpu.memory_space<hbm>>
    tpu.wait_indirect_dma semaphore(%arg34 : memref<!tpu.dma_semaphore, #tpu.memory_space<semaphore_mem>>) src(%dma_wait3A_232 : memref<1000000x64xf32, #tpu.memory_space<hbm>>) dst(%arg18 : memref<26x64xf32, #tpu.memory_space<vmem>>)
    %add3A_233 = arith.constant 508 : i32
    %add3A_234 = arith.addi %mul3A_2, %add3A_233 : i32
    "tpu.region"() ({
      %run_scoped3A = tpu.sem_alloc : memref<!tpu.dma_semaphore, #tpu.memory_space<semaphore_mem>>
      %dma_start3A_262 = arith.constant 0 : i32
      %dma_start3A_263 = arith.constant 0 : i32
      %dma_start3A_264 = tpu.memref_slice %arg4[%add3A_234, %dma_start3A_262, %dma_start3A_263] : memref<16384x32x128xf32, #tpu.memory_space<hbm>> -> memref<1x26x64xf32, #tpu.memory_space<hbm>>
      %dma_start3A_265 = tpu.memref_squeeze %dma_start3A_264 : memref<1x26x64xf32, #tpu.memory_space<hbm>> -> memref<26x64xf32, #tpu.memory_space<hbm>>
      %dma_start3A_266 = arith.constant 0 : i32
      %dma_start3A_267 = arith.constant 0 : i32
      %dma_start3A_268 = tpu.memref_slice %arg4[%add3A_234, %dma_start3A_266, %dma_start3A_267] : memref<16384x32x128xf32, #tpu.memory_space<hbm>> -> memref<1x26x64xf32, #tpu.memory_space<hbm>>
      %dma_start3A_269 = tpu.memref_squeeze %dma_start3A_268 : memref<1x26x64xf32, #tpu.memory_space<hbm>> -> memref<26x64xf32, #tpu.memory_space<hbm>>
      tpu.enqueue_dma source(%arg18 : memref<26x64xf32, #tpu.memory_space<vmem>>) target(%dma_start3A_269 : memref<26x64xf32, #tpu.memory_space<hbm>>) target_semaphore(%run_scoped3A : memref<!tpu.dma_semaphore, #tpu.memory_space<semaphore_mem>>)
      %dma_wait3A_270 = arith.constant 0 : i32
      %dma_wait3A_271 = arith.constant 0 : i32
      %dma_wait3A_272 = tpu.memref_slice %arg4[%add3A_234, %dma_wait3A_270, %dma_wait3A_271] : memref<16384x32x128xf32, #tpu.memory_space<hbm>> -> memref<1x26x64xf32, #tpu.memory_space<hbm>>
      %dma_wait3A_273 = tpu.memref_squeeze %dma_wait3A_272 : memref<1x26x64xf32, #tpu.memory_space<hbm>> -> memref<26x64xf32, #tpu.memory_space<hbm>>
      %dma_wait3A_274 = arith.constant 0 : i32
      %dma_wait3A_275 = arith.constant 0 : i32
      %dma_wait3A_276 = tpu.memref_slice %arg4[%add3A_234, %dma_wait3A_274, %dma_wait3A_275] : memref<16384x32x128xf32, #tpu.memory_space<hbm>> -> memref<1x26x64xf32, #tpu.memory_space<hbm>>
      %dma_wait3A_277 = tpu.memref_squeeze %dma_wait3A_276 : memref<1x26x64xf32, #tpu.memory_space<hbm>> -> memref<26x64xf32, #tpu.memory_space<hbm>>
      tpu.wait_dma2 semaphore(%run_scoped3A : memref<!tpu.dma_semaphore, #tpu.memory_space<semaphore_mem>>) src(%arg18 : memref<26x64xf32, #tpu.memory_space<vmem>>) dst(%dma_wait3A_277 : memref<26x64xf32, #tpu.memory_space<hbm>>)
      tpu.yield
    }) : () -> ()
    %dma_wait3A_235 = arith.constant 509 : i32
    %dma_wait3A_236 = arith.constant 0 : i32
    %dma_wait3A_237 = tpu.memref_slice %arg5[%dma_wait3A_235, %dma_wait3A_236] : memref<512x26xi32, #tpu.memory_space<vmem>> -> memref<1x26xi32, #tpu.memory_space<vmem>>
    %dma_wait3A_238 = tpu.memref_squeeze %dma_wait3A_237 : memref<1x26xi32, #tpu.memory_space<vmem>> -> memref<26xi32, #tpu.memory_space<vmem>>
    %dma_wait3A_239 = arith.constant 0 : i32
    %dma_wait3A_240 = arith.constant 0 : i32
    %dma_wait3A_241 = tpu.memref_slice %arg2[%dma_wait3A_239, %dma_wait3A_240] : memref<1000000x64xf32, #tpu.memory_space<hbm>> -> memref<1000000x64xf32, #tpu.memory_space<hbm>>
    tpu.wait_indirect_dma semaphore(%arg35 : memref<!tpu.dma_semaphore, #tpu.memory_space<semaphore_mem>>) src(%dma_wait3A_241 : memref<1000000x64xf32, #tpu.memory_space<hbm>>) dst(%arg19 : memref<26x64xf32, #tpu.memory_space<vmem>>)
    %add3A_242 = arith.constant 509 : i32
    %add3A_243 = arith.addi %mul3A_2, %add3A_242 : i32
    "tpu.region"() ({
      %run_scoped3A = tpu.sem_alloc : memref<!tpu.dma_semaphore, #tpu.memory_space<semaphore_mem>>
      %dma_start3A_262 = arith.constant 0 : i32
      %dma_start3A_263 = arith.constant 0 : i32
      %dma_start3A_264 = tpu.memref_slice %arg4[%add3A_243, %dma_start3A_262, %dma_start3A_263] : memref<16384x32x128xf32, #tpu.memory_space<hbm>> -> memref<1x26x64xf32, #tpu.memory_space<hbm>>
      %dma_start3A_265 = tpu.memref_squeeze %dma_start3A_264 : memref<1x26x64xf32, #tpu.memory_space<hbm>> -> memref<26x64xf32, #tpu.memory_space<hbm>>
      %dma_start3A_266 = arith.constant 0 : i32
      %dma_start3A_267 = arith.constant 0 : i32
      %dma_start3A_268 = tpu.memref_slice %arg4[%add3A_243, %dma_start3A_266, %dma_start3A_267] : memref<16384x32x128xf32, #tpu.memory_space<hbm>> -> memref<1x26x64xf32, #tpu.memory_space<hbm>>
      %dma_start3A_269 = tpu.memref_squeeze %dma_start3A_268 : memref<1x26x64xf32, #tpu.memory_space<hbm>> -> memref<26x64xf32, #tpu.memory_space<hbm>>
      tpu.enqueue_dma source(%arg19 : memref<26x64xf32, #tpu.memory_space<vmem>>) target(%dma_start3A_269 : memref<26x64xf32, #tpu.memory_space<hbm>>) target_semaphore(%run_scoped3A : memref<!tpu.dma_semaphore, #tpu.memory_space<semaphore_mem>>)
      %dma_wait3A_270 = arith.constant 0 : i32
      %dma_wait3A_271 = arith.constant 0 : i32
      %dma_wait3A_272 = tpu.memref_slice %arg4[%add3A_243, %dma_wait3A_270, %dma_wait3A_271] : memref<16384x32x128xf32, #tpu.memory_space<hbm>> -> memref<1x26x64xf32, #tpu.memory_space<hbm>>
      %dma_wait3A_273 = tpu.memref_squeeze %dma_wait3A_272 : memref<1x26x64xf32, #tpu.memory_space<hbm>> -> memref<26x64xf32, #tpu.memory_space<hbm>>
      %dma_wait3A_274 = arith.constant 0 : i32
      %dma_wait3A_275 = arith.constant 0 : i32
      %dma_wait3A_276 = tpu.memref_slice %arg4[%add3A_243, %dma_wait3A_274, %dma_wait3A_275] : memref<16384x32x128xf32, #tpu.memory_space<hbm>> -> memref<1x26x64xf32, #tpu.memory_space<hbm>>
      %dma_wait3A_277 = tpu.memref_squeeze %dma_wait3A_276 : memref<1x26x64xf32, #tpu.memory_space<hbm>> -> memref<26x64xf32, #tpu.memory_space<hbm>>
      tpu.wait_dma2 semaphore(%run_scoped3A : memref<!tpu.dma_semaphore, #tpu.memory_space<semaphore_mem>>) src(%arg19 : memref<26x64xf32, #tpu.memory_space<vmem>>) dst(%dma_wait3A_277 : memref<26x64xf32, #tpu.memory_space<hbm>>)
      tpu.yield
    }) : () -> ()
    %dma_wait3A_244 = arith.constant 510 : i32
    %dma_wait3A_245 = arith.constant 0 : i32
    %dma_wait3A_246 = tpu.memref_slice %arg5[%dma_wait3A_244, %dma_wait3A_245] : memref<512x26xi32, #tpu.memory_space<vmem>> -> memref<1x26xi32, #tpu.memory_space<vmem>>
    %dma_wait3A_247 = tpu.memref_squeeze %dma_wait3A_246 : memref<1x26xi32, #tpu.memory_space<vmem>> -> memref<26xi32, #tpu.memory_space<vmem>>
    %dma_wait3A_248 = arith.constant 0 : i32
    %dma_wait3A_249 = arith.constant 0 : i32
    %dma_wait3A_250 = tpu.memref_slice %arg2[%dma_wait3A_248, %dma_wait3A_249] : memref<1000000x64xf32, #tpu.memory_space<hbm>> -> memref<1000000x64xf32, #tpu.memory_space<hbm>>
    tpu.wait_indirect_dma semaphore(%arg36 : memref<!tpu.dma_semaphore, #tpu.memory_space<semaphore_mem>>) src(%dma_wait3A_250 : memref<1000000x64xf32, #tpu.memory_space<hbm>>) dst(%arg20 : memref<26x64xf32, #tpu.memory_space<vmem>>)
    %add3A_251 = arith.constant 510 : i32
    %add3A_252 = arith.addi %mul3A_2, %add3A_251 : i32
    "tpu.region"() ({
      %run_scoped3A = tpu.sem_alloc : memref<!tpu.dma_semaphore, #tpu.memory_space<semaphore_mem>>
      %dma_start3A_262 = arith.constant 0 : i32
      %dma_start3A_263 = arith.constant 0 : i32
      %dma_start3A_264 = tpu.memref_slice %arg4[%add3A_252, %dma_start3A_262, %dma_start3A_263] : memref<16384x32x128xf32, #tpu.memory_space<hbm>> -> memref<1x26x64xf32, #tpu.memory_space<hbm>>
      %dma_start3A_265 = tpu.memref_squeeze %dma_start3A_264 : memref<1x26x64xf32, #tpu.memory_space<hbm>> -> memref<26x64xf32, #tpu.memory_space<hbm>>
      %dma_start3A_266 = arith.constant 0 : i32
      %dma_start3A_267 = arith.constant 0 : i32
      %dma_start3A_268 = tpu.memref_slice %arg4[%add3A_252, %dma_start3A_266, %dma_start3A_267] : memref<16384x32x128xf32, #tpu.memory_space<hbm>> -> memref<1x26x64xf32, #tpu.memory_space<hbm>>
      %dma_start3A_269 = tpu.memref_squeeze %dma_start3A_268 : memref<1x26x64xf32, #tpu.memory_space<hbm>> -> memref<26x64xf32, #tpu.memory_space<hbm>>
      tpu.enqueue_dma source(%arg20 : memref<26x64xf32, #tpu.memory_space<vmem>>) target(%dma_start3A_269 : memref<26x64xf32, #tpu.memory_space<hbm>>) target_semaphore(%run_scoped3A : memref<!tpu.dma_semaphore, #tpu.memory_space<semaphore_mem>>)
      %dma_wait3A_270 = arith.constant 0 : i32
      %dma_wait3A_271 = arith.constant 0 : i32
      %dma_wait3A_272 = tpu.memref_slice %arg4[%add3A_252, %dma_wait3A_270, %dma_wait3A_271] : memref<16384x32x128xf32, #tpu.memory_space<hbm>> -> memref<1x26x64xf32, #tpu.memory_space<hbm>>
      %dma_wait3A_273 = tpu.memref_squeeze %dma_wait3A_272 : memref<1x26x64xf32, #tpu.memory_space<hbm>> -> memref<26x64xf32, #tpu.memory_space<hbm>>
      %dma_wait3A_274 = arith.constant 0 : i32
      %dma_wait3A_275 = arith.constant 0 : i32
      %dma_wait3A_276 = tpu.memref_slice %arg4[%add3A_252, %dma_wait3A_274, %dma_wait3A_275] : memref<16384x32x128xf32, #tpu.memory_space<hbm>> -> memref<1x26x64xf32, #tpu.memory_space<hbm>>
      %dma_wait3A_277 = tpu.memref_squeeze %dma_wait3A_276 : memref<1x26x64xf32, #tpu.memory_space<hbm>> -> memref<26x64xf32, #tpu.memory_space<hbm>>
      tpu.wait_dma2 semaphore(%run_scoped3A : memref<!tpu.dma_semaphore, #tpu.memory_space<semaphore_mem>>) src(%arg20 : memref<26x64xf32, #tpu.memory_space<vmem>>) dst(%dma_wait3A_277 : memref<26x64xf32, #tpu.memory_space<hbm>>)
      tpu.yield
    }) : () -> ()
    %dma_wait3A_253 = arith.constant 511 : i32
    %dma_wait3A_254 = arith.constant 0 : i32
    %dma_wait3A_255 = tpu.memref_slice %arg5[%dma_wait3A_253, %dma_wait3A_254] : memref<512x26xi32, #tpu.memory_space<vmem>> -> memref<1x26xi32, #tpu.memory_space<vmem>>
    %dma_wait3A_256 = tpu.memref_squeeze %dma_wait3A_255 : memref<1x26xi32, #tpu.memory_space<vmem>> -> memref<26xi32, #tpu.memory_space<vmem>>
    %dma_wait3A_257 = arith.constant 0 : i32
    %dma_wait3A_258 = arith.constant 0 : i32
    %dma_wait3A_259 = tpu.memref_slice %arg2[%dma_wait3A_257, %dma_wait3A_258] : memref<1000000x64xf32, #tpu.memory_space<hbm>> -> memref<1000000x64xf32, #tpu.memory_space<hbm>>
    tpu.wait_indirect_dma semaphore(%arg37 : memref<!tpu.dma_semaphore, #tpu.memory_space<semaphore_mem>>) src(%dma_wait3A_259 : memref<1000000x64xf32, #tpu.memory_space<hbm>>) dst(%arg21 : memref<26x64xf32, #tpu.memory_space<vmem>>)
    %add3A_260 = arith.constant 511 : i32
    %add3A_261 = arith.addi %mul3A_2, %add3A_260 : i32
    "tpu.region"() ({
      %run_scoped3A = tpu.sem_alloc : memref<!tpu.dma_semaphore, #tpu.memory_space<semaphore_mem>>
      %dma_start3A_262 = arith.constant 0 : i32
      %dma_start3A_263 = arith.constant 0 : i32
      %dma_start3A_264 = tpu.memref_slice %arg4[%add3A_261, %dma_start3A_262, %dma_start3A_263] : memref<16384x32x128xf32, #tpu.memory_space<hbm>> -> memref<1x26x64xf32, #tpu.memory_space<hbm>>
      %dma_start3A_265 = tpu.memref_squeeze %dma_start3A_264 : memref<1x26x64xf32, #tpu.memory_space<hbm>> -> memref<26x64xf32, #tpu.memory_space<hbm>>
      %dma_start3A_266 = arith.constant 0 : i32
      %dma_start3A_267 = arith.constant 0 : i32
      %dma_start3A_268 = tpu.memref_slice %arg4[%add3A_261, %dma_start3A_266, %dma_start3A_267] : memref<16384x32x128xf32, #tpu.memory_space<hbm>> -> memref<1x26x64xf32, #tpu.memory_space<hbm>>
      %dma_start3A_269 = tpu.memref_squeeze %dma_start3A_268 : memref<1x26x64xf32, #tpu.memory_space<hbm>> -> memref<26x64xf32, #tpu.memory_space<hbm>>
      tpu.enqueue_dma source(%arg21 : memref<26x64xf32, #tpu.memory_space<vmem>>) target(%dma_start3A_269 : memref<26x64xf32, #tpu.memory_space<hbm>>) target_semaphore(%run_scoped3A : memref<!tpu.dma_semaphore, #tpu.memory_space<semaphore_mem>>)
      %dma_wait3A_270 = arith.constant 0 : i32
      %dma_wait3A_271 = arith.constant 0 : i32
      %dma_wait3A_272 = tpu.memref_slice %arg4[%add3A_261, %dma_wait3A_270, %dma_wait3A_271] : memref<16384x32x128xf32, #tpu.memory_space<hbm>> -> memref<1x26x64xf32, #tpu.memory_space<hbm>>
      %dma_wait3A_273 = tpu.memref_squeeze %dma_wait3A_272 : memref<1x26x64xf32, #tpu.memory_space<hbm>> -> memref<26x64xf32, #tpu.memory_space<hbm>>
      %dma_wait3A_274 = arith.constant 0 : i32
      %dma_wait3A_275 = arith.constant 0 : i32
      %dma_wait3A_276 = tpu.memref_slice %arg4[%add3A_261, %dma_wait3A_274, %dma_wait3A_275] : memref<16384x32x128xf32, #tpu.memory_space<hbm>> -> memref<1x26x64xf32, #tpu.memory_space<hbm>>
      %dma_wait3A_277 = tpu.memref_squeeze %dma_wait3A_276 : memref<1x26x64xf32, #tpu.memory_space<hbm>> -> memref<26x64xf32, #tpu.memory_space<hbm>>
      tpu.wait_dma2 semaphore(%run_scoped3A : memref<!tpu.dma_semaphore, #tpu.memory_space<semaphore_mem>>) src(%arg21 : memref<26x64xf32, #tpu.memory_space<vmem>>) dst(%dma_wait3A_277 : memref<26x64xf32, #tpu.memory_space<hbm>>)
      tpu.yield
    }) : () -> ()
    return
  }
}

</mosaic_0001>

<sc_bundles>
// kernel: kernel.3.cloned.1.call-start
scs
__scs_entry_jumppad:
0x0: {  	(pc) =	sbr.rel $0x88, $3  }
0x1: {  	(tag) =	ssettag $0x0;
	lr =	simm.s32 $0x1  }
0x2: {  	[smem:$0x3F9F] =	sst lr;
	_ =	strace $0xD0000000  }
0x3: {  	_ = 	snop  }
0x4: {  	_ = 	snop  }
0x5: {  	_ = 	snop  }
0x6: {  	_ = 	snop  }
0x7: {  	_ = 	snop  }
__scs_overlays_trampoline_lowered:
0x8: {  	[smem:$0x3FAE] =	sst s0  }
0x9: {  	[smem:$0x3FAF] =	sst s1  }
0xa: {  	[smem:$0x3FB0] =	sst s2  }
0xb: {  	[smem:$0x3FB1] =	sst s3  }
0xc: {  	[smem:$0x3FB2] =	sst s4  }
0xd: {  	[smem:$0x3FB3] =	sst s5  }
0xe: {  	[smem:$0x3FB4] =	sst s6  }
0xf: {  	[smem:$0x3FB5] =	sst s7  }
0x10: {  	[smem:$0x3FB6] =	sst s8  }
0x11: {  	[smem:$0x3FB7] =	sst s9;
	s0 =	simm.s32 @!p0 $0x0  }
0x12: {  	s1 =	sld [smem:$0x3F9D];
	s0 =	simm.s32 @p0 $0x1  }
0x13: {  	[smem:$0x3FB8] =	sst s0;
	s0 =	simm.s32 @!p1 $0x0  }
0x14: {  	s2 =	sld [smem:$0x3F9C];
	s0 =	simm.s32 @p1 $0x1  }
0x15: {  	[smem:$0x3FB9] =	sst s0;
	s0 =	simm.s32 @!p2 $0x0  }
0x16: {  	s3 =	sld [smem:$0x3FDB];
	s0 =	simm.s32 @p2 $0x1  }
0x17: {  	s4 =	simm.s32 $0x1BF5;
	[smem:$0x3FBB] =	sst s0  }
0x18: {  	s0 =	sld [smem:$0x3F9E];
	_ =	swait.ge [sflag:s4], $0x0  }
0x19: {  	s7 =	sld [smem:$0x3F9F]  }
0x1a: {  	s8 =	sadd.s32 $0xFFFFE003, lr  }
0x1b: {  	s9 =	sadd.s32 $0xFFFFFEF7, lr;
	s5 =	simm.s32 $0xFFFFFFFF;
	p2 =	slt.u32 s8, $0xFFFFF086  }
0x1c: {  	p1 =	slt.u32 s9, $0xF7A;
	s5 =	simm.s32 @!p2 $0x0  }
0x1d: {  	s5 =	simm.s32 @p1 $0x1;
	p0 =	seq.s32 s7, s2  }
0x1e: {  	s7 =	smul.u32 @!p0 $0xF7A, s2;
	p2 =	seq.s32 @!p0 s5, $0x0  }
0x1f: {  	s9 =	smul.u32 $0xF7A, s1;
	s8 =	simm.s32 @!p0 $0x1BF5;
	p2 =	por !p2, p0  }
0x20: {  	[sflag:s8] =	ssyncset.s32 @!p0 $0xFFFFF086;
	s6 =	sadd.s32 @!p0 s3, s7;
	s7 =	simm.s32 @!p0 $0x108  }
0x21: {  	s3 =	sadd.s32 s3, s9;
	s6 =	sadd.s32 @!p0 $0x88, s6;
	s7 =	simm.s32 @p2 $0x1082  }
0x22: {  	[simem:s7], [sflag:s8] =	dma.local @!p0 [hbm:s6], $0xF7A  }
0x23: {  	s9 =	sor.u32 $0xD0000000, s2;
	s6 =	simm.s32 $0x108;
	_ =	swait.ge @!p0 [sflag:s8], $0x0  }
0x24: {  	s3 =	sadd.s32 $0x88, s3;
	s6 =	simm.s32 @!p1 $0x1082;
	[sflag:s4] =	ssyncset.s32 $0xFFFFF086  }
0x25: {  	[simem:s6], [sflag:s4] =	dma.local [hbm:s3], $0xF7A  }
0x26: {  	[smem:$0x3F9F] =	sst s1;
	(tag) =	ssettag s2;
	_ =	strace s9  }
0x27: {  	s1 =	sld [smem:$0x3FAF]  }
0x28: {  	s2 =	sld [smem:$0x3FB0]  }
0x29: {  	s4 =	sld [smem:$0x3FB2]  }
0x2a: {  	p0 =	seq.s32 s5, $0x0;
	s5 =	sld [smem:$0x3FB3]  }
0x2b: {  	s6 =	sld [smem:$0x3FB4]  }
0x2c: {  	s7 =	sld [smem:$0x3FB5]  }
0x2d: {  	s3 =	simm.s32 $0x108;
	s8 =	sld [smem:$0x3FB6]  }
0x2e: {  	s3 =	simm.s32 @!p0 $0x1082;
	s9 =	sld [smem:$0x3FB7]  }
0x2f: {  	lr =	sadd.s32 s0, s3;
	s0 =	sld [smem:$0x3FAE]  }
0x30: {  	s3 =	sld [smem:$0x3FB1]  }
0x31: {  	[smem:$0x3FBA] =	sst s10  }
0x32: {  	s10 =	sld [smem:$0x3FB8];
	_ =	sdelay $0x3  }
0x33: {  	p0 =	seq.s32 s10, $0x1;
	s10 =	sld [smem:$0x3FBA];
	_ =	sdelay $0x3  }
0x34: {  	[smem:$0x3FBA] =	sst s10  }
0x35: {  	s10 =	sld [smem:$0x3FB9];
	_ =	sdelay $0x3  }
0x36: {  	p1 =	seq.s32 s10, $0x1;
	s10 =	sld [smem:$0x3FBA];
	_ =	sdelay $0x3  }
0x37: {  	[smem:$0x3FBA] =	sst s10  }
0x38: {  	s10 =	sld [smem:$0x3FBB]  }
0x39: {  	_ = 	snop;
	(pc) =	sbr.ind lr, $3  }
0x3a: {  	_ = 	snop  }
0x3b: {  	_ = 	snop  }
0x3c: {  	p2 =	seq.s32 s10, $0x1;
	s10 =	sld [smem:$0x3FBA]  }
0x3d: {  	_ =	shalt  }
0x3e: {  	_ =	shalt  }
0x3f: {  	_ =	shalt  }
0x40: {  	_ =	shalt  }
0x41: {  	_ =	shalt  }
0x42: {  	_ =	shalt  }
0x43: {  	_ =	shalt  }
0x44: {  	_ =	shalt  }
0x45: {  	_ =	shalt  }
0x46: {  	_ =	shalt  }
0x47: {  	_ =	shalt  }
0x48: {  	_ =	shalt  }
0x49: {  	_ =	shalt  }
0x4a: {  	_ =	shalt  }
0x4b: {  	_ =	shalt  }
0x4c: {  	_ =	shalt  }
0x4d: {  	_ =	shalt  }
0x4e: {  	_ =	shalt  }
0x4f: {  	_ =	shalt  }
0x50: {  	_ =	shalt  }
0x51: {  	_ =	shalt  }
0x52: {  	_ =	shalt  }
0x53: {  	_ =	shalt  }
0x54: {  	_ =	shalt  }
0x55: {  	_ =	shalt  }
0x56: {  	_ =	shalt  }
0x57: {  	_ =	shalt  }
0x58: {  	_ =	shalt  }
0x59: {  	_ =	shalt  }
0x5a: {  	_ =	shalt  }
0x5b: {  	_ =	shalt  }
0x5c: {  	_ =	shalt  }
0x5d: {  	_ =	shalt  }
0x5e: {  	_ =	shalt  }
0x5f: {  	_ =	shalt  }
0x60: {  	_ =	shalt  }
0x61: {  	_ =	shalt  }
0x62: {  	_ =	shalt  }
0x63: {  	_ =	shalt  }
0x64: {  	_ =	shalt  }
0x65: {  	_ =	shalt  }
0x66: {  	_ =	shalt  }
0x67: {  	_ =	shalt  }
0x68: {  	_ =	shalt  }
0x69: {  	_ =	shalt  }
0x6a: {  	_ =	shalt  }
0x6b: {  	_ =	shalt  }
0x6c: {  	_ =	shalt  }
0x6d: {  	_ =	shalt  }
0x6e: {  	_ =	shalt  }
0x6f: {  	_ =	shalt  }
0x70: {  	_ =	shalt  }
0x71: {  	_ =	shalt  }
0x72: {  	_ =	shalt  }
0x73: {  	_ =	shalt  }
0x74: {  	_ =	shalt  }
0x75: {  	_ =	shalt  }
0x76: {  	_ =	shalt  }
0x77: {  	_ =	shalt  }
0x78: {  	_ =	shalt  }
0x79: {  	_ =	shalt  }
0x7a: {  	_ =	shalt  }
0x7b: {  	_ =	shalt  }
0x7c: {  	_ =	shalt  }
0x7d: {  	_ =	shalt  }
0x7e: {  	_ =	shalt  }
0x7f: {  	_ =	shalt  }
0x80: {  	_ =	shalt  }
0x81: {  	_ =	shalt  }
0x82: {  	_ =	shalt  }
0x83: {  	_ =	shalt  }
0x84: {  	_ =	shalt  }
0x85: {  	_ =	shalt  }
0x86: {  	_ =	shalt  }
0x87: {  	_ =	shalt  }
.Lfunc_end0:
.L_simem_size_0:
called_computation.1_lowered:
.L_overlay_start_0:
0x88: {  	s2 =	sld [smem:$0x3FD9]  }
0x89: {  	s3 =	sld [smem:$0x3FFE];
	_ =	sdelay $0x1  }
0x8a: {  	s1 =	srdreg.scid  }
0x8b: {  	s0 =	sand.u32 $0x1, s1  }
0x8c: {  	s17 =	sshll.u32 s0, $0xA;
	s2 =	sadd.s32 s3, s2  }
0x8d: {  	s2 =	sadd.s32 s2, s17  }
0x8e: {  	[smem:$0x3FC6] =	sst s2  }
0x8f: {  	_ = 	snop  }
0x90: {  	s2 =	sld [smem:$0x3FD0];
	(tm) =	ssettm $0x1  }
0x91: {  	s18 =	sld [smem:$0x3FFB];
	_ =	sdelay $0x3  }
0x92: {  	_ =	strace s18  }
0x93: {  	s3 =	sld [smem:$0x3FFC];
	_ =	sdelay $0x3  }
0x94: {  	_ =	strace s3  }
0x95: {  	s3 =	sld [smem:$0x3FFD];
	_ =	sdelay $0x3  }
0x96: {  	_ =	strace s3  }
0x97: {  	_ =	strace $0x8FFFFFFF  }
0x98: {  	s19 =	sld [smem:$0x3FDB];
	_ =	sdelay $0x1  }
0x99: {  	s4 =	simm.s32 $_scs_section_size  }
0x9a: {  	s5 =	simm.s32 $_size__tile_overlayer_lowered;
	s6 =	simm.s32 $_tile_overlayer_lowered  }
0x9b: {  	s22 =	simm.s32 $0x1BFF;
	s21 =	sshll.u32 s6, $0x1;
	s3 =	sadd.s32 s4, s19  }
0x9c: {  	s7 =	simm.s32 $0x0;
	s20 =	sshll.u32 s5, $0x1;
	s5 =	sadd.s32 s21, s3  }
0x9d: {  	[timem:s7], [sflag:s22] =	dma.local [hbm:s5], s20  }
0x9e: {  	_ =	swait.ge [sflag:s22], s20  }
0x9f: {  	s4 =	ssub.s32 $0x0, s20;
	[sflag:s22] =	ssyncset.done $0x0  }
0xa0: {  	[sflag:s22] =	ssyncadd.s32 s4;
	_ =	sdelay $0x1  }
0xa1: {  	s23 =	simm.s32 $0x1B8B  }
0xa2: {  	_ =	swait.ge [sflag:s23], $0x1  }
0xa3: {  	[sflag:s23] =	ssyncset.done $0x0  }
0xa4: {  	s25 =	simm.s32 $0x1B8E;
	s24 =	sld [smem:$0x3FFE];
	[sflag:s23] =	ssyncadd.s32 $0xFFFFFFFF  }
0xa5: {  	s26 =	simm.s32 $execute0_lowered;
	[smem:$0x3FD2] =	sst s25  }
0xa6: {  	s5 =	sshll.u32 s26, $0x1;
	_ =	strace $0x80000046;
	[dreg:$0x1] =	wrdreg $0xFFFFFFFF  }
0xa7: {  	s28 =	simm.s32 $_size_execute0_lowered;
	s3 =	sadd.s32 s3, s5;
	[dreg:$0x0] =	wrdreg $0x0  }
0xa8: {  	s5 =	sshll.u32 s28, $0x1;
	[dreg:$0x2] =	wrdreg s3  }
0xa9: {  	[dreg:$0x3] =	wrdreg s5  }
0xaa: {  	[dreg:$0x4] =	wrdreg $0xC0  }
0xab: {  	_ =	task [dreg:s7], $0x5FFFF  }
0xac: {  	[dreg:$0x1] =	wrdreg $0xFFFFFFFF  }
0xad: {  	[dreg:$0x0] =	wrdreg $0x60  }
0xae: {  	[dreg:$0x2] =	wrdreg s24  }
0xaf: {  	[dreg:$0x3] =	wrdreg s2  }
0xb0: {  	[dreg:$0x4] =	wrdreg $0x9  }
0xb1: {  	_ =	task.clear_ibuf [dreg:s7], $0x5FFFF;
	_ =	strace $0x90000046  }
0xb2: {  	s29 =	simm.s32 $0x9;
	_ =	strace $0x80000048  }
0xb3: {  	_ =	swait.ge [sflag:s29], $0x1  }
0xb4: {  	[sflag:s29] =	ssyncadd.s32 $0xFFFFFFFF  }
0xb5: {  	_ =	strace $0x90000048  }
0xb6: {  	_ =	sfence  }
0xb7: {  	s30 =	sld [smem:$0x0];
	_ =	sdelay $0x2  }
0xb8: {  	s31 =	sshll.u32 s1, $0xD;
	s1 =	sshrl.u32 s1, $0x2  }
0xb9: {  	s3 =	sand.u32 $0x4000, s31;
	s1 =	sadd.s32 s1, s30  }
0xba: {  	s0 =	sor.u32 s3, s0;
	s1 =	sshll.u32 s1, $0x11  }
0xbb: {  	s0 =	sor.u32 s1, s0  }
0xbc: {  	s0 =	sadd.s32 $0x8F2B, s0  }
0xbd: {  	[sflag:s0] =	ssyncadd.remote.s32 $0x1  }
0xbe: {  	_ =	sfence.sel $0xFFFF  }
0xbf: {  	[dreg:$0x0] =	wrdreg $0xFFFFFFFF;
	(pc) =	sbr.abs _section_cstart, $3  }
0xc0: {  	[dreg:$0x1] =	wrdreg $0xFFFFFFFF  }
0xc1: {  	_ =	task.clear_ibuf [dreg:s7], $0x2FFFF;
	_ =	strace $0x9FFFFFFF  }
0xc2: {  	(tm) =	ssettm $0x7FFFFFFF  }
0xc3: {  	_ =	shalt  }
tec
execute0_lowered:
.L_overlay_start_1:
0x0: {  	(tag) =	ssettag $0x1  }
0x1: {  	s0 =	rddreg [dreg:$0x0]  }
0x2: {  	s1 =	rddreg [dreg:$0x1];
	s3 =	simm.s32 $0x0;
	s2 =	srdreg.scid  }
0x3: {  	s8 =	stileid.u32;
	[smem:$0x7FF] =	sst s3;
	s2 =	sand.u32 $0x1, s2  }
0x4: {  	s4 =	sshll.u32 s8, $0xA;
	s3 =	sadd.s32 $0xF42E00, s0;
	s5 =	sshll.u32 s2, $0x9  }
0x5: {  	s0 =	sadd.s32 $0xA00, s0;
	s6 =	ssub.s32 $0x2, s2;
	s4 =	sor.u32 s5, s4  }
0x6: {  	s25 =	sshrl.u32 s6, $0x1;
	s7 =	sshll.u32 s4, $0x9;
	s4 =	sshll.u32 s4, $0x2  }
0x7: {  	_ =	strace $0x80000047;
	s5 =	ssub.s32 s6, s25;
	s1 =	sadd.s32 s1, s4  }
0x8: {  	s26 =	sadd.s32 s7, s0;
	s25 =	smax.u32 s5, $0x1;
	[dreg:$0x3] =	wrdreg s1  }
0x9: {  	s7 =	sadd.s32 $0x3E000, s26;
	[dreg:$0x14] =	wrdreg s25  }
0xa: {  	s9 =	sadd.s32 $0x3E200, s26;
	[dreg:$0x4] =	wrdreg s7  }
0xb: {  	s10 =	sadd.s32 $0x3E400, s26;
	[dreg:$0x5] =	wrdreg s9  }
0xc: {  	s11 =	sadd.s32 $0x3E600, s26;
	[dreg:$0x6] =	wrdreg s10  }
0xd: {  	s12 =	sadd.s32 $0x3E800, s26;
	[dreg:$0x7] =	wrdreg s11  }
0xe: {  	s13 =	sadd.s32 $0x3EA00, s26;
	[dreg:$0x8] =	wrdreg s12  }
0xf: {  	s14 =	sadd.s32 $0x3EC00, s26;
	[dreg:$0x9] =	wrdreg s13  }
0x10: {  	s29 =	simm.s32 $0x40;
	s15 =	sadd.s32 $0x3EE00, s26;
	[dreg:$0xa] =	wrdreg s14  }
0x11: {  	s28 =	simm.s32 $0xC;
	s16 =	sadd.s32 $0x3F000, s26;
	[dreg:$0xb] =	wrdreg s15  }
0x12: {  	s30 =	simm.s32 $0xD;
	s17 =	sadd.s32 $0x3F200, s26;
	[dreg:$0xc] =	wrdreg s16  }
0x13: {  	s31 =	simm.s32 $0x10;
	s18 =	sadd.s32 $0x3F400, s26;
	[dreg:$0xd] =	wrdreg s17  }
0x14: {  	s24 =	sshll.u32 s8, $0x13;
	s19 =	sadd.s32 $0x3F600, s26;
	[dreg:$0xe] =	wrdreg s18  }
0x15: {  	s0 =	sadd.s32 s24, s0;
	s20 =	sadd.s32 $0x3F800, s26;
	[dreg:$0xf] =	wrdreg s19  }
0x16: {  	s24 =	simm.s32 $0x1A;
	s21 =	sadd.s32 $0x3FA00, s26;
	[dreg:$0x10] =	wrdreg s20  }
0x17: {  	s4 =	simm.s32 $0x0;
	s22 =	sadd.s32 $0x3FC00, s26;
	[dreg:$0x11] =	wrdreg s21  }
0x18: {  	s23 =	sadd.s32 $0x3FE00, s26;
	s26 =	sshll.u32 s2, $0x12;
	[dreg:$0x12] =	wrdreg s22  }
0x19: {  	s1 =	simm.s32 $0x80;
	s25 =	simm.s32 $0xA180;
	[dreg:$0x13] =	wrdreg s23  }
0x1a: {  	s0 =	sadd.s32 s26, s0;
	s23 =	simm.s32 $0x11;
	s26 =	simm.s32 $0xF  }
0x1b: {  	s22 =	simm.s32 $0x9B00;
	[dreg:$0x15] =	wrdreg s0;
	s0 =	simm.s32 $0xE  }
.LBB2_1:
0x1c: {  	[dreg:$0x16] =	wrdreg s4  }
0x1d: {  	s2 =	simm.s32 $0x0;
	s8 =	rddreg [dreg:$0x3]  }
0x1e: {  	[tilespmem:s2], [sflag:$0x11] =	stream.linear.gather [hbm4b:s8+s2], $0x4000, $0x38;
	[tilespmem:$0xA800] =	vst v63  }
0x1f: {  	_ =	swait.ge [sflag:s23], $0x4000  }
0x20: {  	[sflag:s23] =	ssyncset.done $0x0  }
0x21: {  	s5 =	simm.s32 $0x4000;
	[sflag:s23] =	ssyncadd.s32 $0xFFFFC000  }
0x22: {  	[tilespmem:s5], [sflag:$0x1] =	stream.indirect.gather [hbm4b:s3+s24], $0x40, s2, s24, $0xb8;
	[tilespmem:$0xA800] =	vst v63  }
0x23: {  	s9 =	simm.s32 $0x20;
	s6 =	simm.s32 $0x4680  }
0x24: {  	[tilespmem:s6], [sflag:$0x2] =	stream.indirect.gather [hbm4b:s3+s24], $0x40, s9, s24, $0xb8;
	[tilespmem:$0xA800] =	vst v63  }
0x25: {  	s7 =	simm.s32 $0x4D00  }
0x26: {  	[tilespmem:s7], [sflag:$0x3] =	stream.indirect.gather [hbm4b:s3+s24], $0x40, s29, s24, $0xb8;
	[tilespmem:$0xA800] =	vst v63  }
0x27: {  	s10 =	simm.s32 $0x60;
	s8 =	simm.s32 $0x5380  }
0x28: {  	[tilespmem:s8], [sflag:$0x4] =	stream.indirect.gather [hbm4b:s3+s24], $0x40, s10, s24, $0xb8;
	[tilespmem:$0xA800] =	vst v63  }
0x29: {  	s9 =	simm.s32 $0x5A00  }
0x2a: {  	[tilespmem:s9], [sflag:$0x5] =	stream.indirect.gather [hbm4b:s3+s24], $0x40, s1, s24, $0xb8;
	[tilespmem:$0xA800] =	vst v63  }
0x2b: {  	s11 =	simm.s32 $0xA0;
	s10 =	simm.s32 $0x6080  }
0x2c: {  	[tilespmem:s10], [sflag:$0x6] =	stream.indirect.gather [hbm4b:s3+s24], $0x40, s11, s24, $0xb8;
	[tilespmem:$0xA800] =	vst v63  }
0x2d: {  	s12 =	simm.s32 $0xC0;
	s11 =	simm.s32 $0x6700  }
0x2e: {  	[tilespmem:s11], [sflag:$0x7] =	stream.indirect.gather [hbm4b:s3+s24], $0x40, s12, s24, $0xb8;
	[tilespmem:$0xA800] =	vst v63  }
0x2f: {  	s13 =	simm.s32 $0xE0;
	s12 =	simm.s32 $0x6D80  }
0x30: {  	[tilespmem:s12], [sflag:$0x8] =	stream.indirect.gather [hbm4b:s3+s24], $0x40, s13, s24, $0xb8;
	[tilespmem:$0xA800] =	vst v63  }
0x31: {  	s14 =	simm.s32 $0x100;
	s13 =	simm.s32 $0x7400  }
0x32: {  	[tilespmem:s13], [sflag:$0x9] =	stream.indirect.gather [hbm4b:s3+s24], $0x40, s14, s24, $0xb8;
	[tilespmem:$0xA800] =	vst v63  }
0x33: {  	s15 =	simm.s32 $0x120;
	s14 =	simm.s32 $0x7A80  }
0x34: {  	[tilespmem:s14], [sflag:$0xA] =	stream.indirect.gather [hbm4b:s3+s24], $0x40, s15, s24, $0xb8;
	[tilespmem:$0xA800] =	vst v63  }
0x35: {  	s16 =	simm.s32 $0x140;
	s15 =	simm.s32 $0x8100  }
0x36: {  	[tilespmem:s15], [sflag:$0xB] =	stream.indirect.gather [hbm4b:s3+s24], $0x40, s16, s24, $0xb8;
	[tilespmem:$0xA800] =	vst v63  }
0x37: {  	s17 =	simm.s32 $0x160;
	s16 =	simm.s32 $0x8780  }
0x38: {  	[tilespmem:s16], [sflag:$0xC] =	stream.indirect.gather [hbm4b:s3+s24], $0x40, s17, s24, $0xb8;
	[tilespmem:$0xA800] =	vst v63  }
0x39: {  	s18 =	simm.s32 $0x180;
	s17 =	simm.s32 $0x8E00  }
0x3a: {  	[tilespmem:s17], [sflag:$0xD] =	stream.indirect.gather [hbm4b:s3+s24], $0x40, s18, s24, $0xb8;
	[tilespmem:$0xA800] =	vst v63  }
0x3b: {  	s19 =	simm.s32 $0x1A0;
	s18 =	simm.s32 $0x9480  }
0x3c: {  	[tilespmem:s18], [sflag:$0xE] =	stream.indirect.gather [hbm4b:s3+s24], $0x40, s19, s24, $0xb8;
	[tilespmem:$0xA800] =	vst v63  }
0x3d: {  	s20 =	simm.s32 $0x1C0;
	s19 =	simm.s32 $0x9B00  }
0x3e: {  	[tilespmem:s19], [sflag:$0xF] =	stream.indirect.gather [hbm4b:s3+s24], $0x40, s20, s24, $0xb8;
	[tilespmem:$0xA800] =	vst v63  }
0x3f: {  	s21 =	simm.s32 $0x1E0;
	s4 =	simm.s32 $0x1;
	s20 =	simm.s32 $0xA180  }
0x40: {  	[tilespmem:s20], [sflag:$0x10] =	stream.indirect.gather [hbm4b:s3+s24], $0x40, s21, s24, $0xb8;
	[tilespmem:$0xA800] =	vst v63  }
0x41: {  	_ =	swait.ge [sflag:s4], $0x680  }
0x42: {  	[sflag:s4] =	ssyncset.done $0x0  }
0x43: {  	[sflag:s4] =	ssyncadd.s32 $0xFFFFF980;
	s4 =	rddreg [dreg:$0x15]  }
0x44: {  	[hbm4b:s4+s29] =	stream.strided.scatter [tilespmem:s5], [sflag:$0x11], $0x680, s1, s29, $0x38;
	[tilespmem:$0xA800] =	vst v63  }
0x45: {  	_ =	swait.ge [sflag:s23], $0x680  }
0x46: {  	[sflag:s23] =	ssyncset.done $0x0  }
0x47: {  	s21 =	simm.s32 $0x200;
	[sflag:s23] =	ssyncadd.s32 $0xFFFFF980  }
0x48: {  	[tilespmem:s5], [sflag:$0x1] =	stream.indirect.gather [hbm4b:s3+s24], $0x40, s21, s24, $0xb8;
	[tilespmem:$0xA800] =	vst v63  }
0x49: {  	s5 =	simm.s32 $0x2  }
0x4a: {  	_ =	swait.ge [sflag:s5], $0x680  }
0x4b: {  	[sflag:s5] =	ssyncset.done $0x0  }
0x4c: {  	s21 =	sadd.s32 $0x200, s4;
	[sflag:s5] =	ssyncadd.s32 $0xFFFFF980  }
0x4d: {  	[hbm4b:s21+s29] =	stream.strided.scatter [tilespmem:s6], [sflag:$0x11], $0x680, s1, s29, $0x38;
	[tilespmem:$0xA800] =	vst v63  }
0x4e: {  	_ =	swait.ge [sflag:s23], $0x680  }
0x4f: {  	[sflag:s23] =	ssyncset.done $0x0  }
0x50: {  	s5 =	simm.s32 $0x220;
	[sflag:s23] =	ssyncadd.s32 $0xFFFFF980  }
0x51: {  	[tilespmem:s6], [sflag:$0x2] =	stream.indirect.gather [hbm4b:s3+s24], $0x40, s5, s24, $0xb8;
	[tilespmem:$0xA800] =	vst v63  }
0x52: {  	s6 =	simm.s32 $0x3  }
0x53: {  	_ =	swait.ge [sflag:s6], $0x680  }
0x54: {  	[sflag:s6] =	ssyncset.done $0x0  }
0x55: {  	s21 =	sadd.s32 $0x400, s4;
	[sflag:s6] =	ssyncadd.s32 $0xFFFFF980  }
0x56: {  	[hbm4b:s21+s29] =	stream.strided.scatter [tilespmem:s7], [sflag:$0x11], $0x680, s1, s29, $0x38;
	[tilespmem:$0xA800] =	vst v63  }
0x57: {  	_ =	swait.ge [sflag:s23], $0x680  }
0x58: {  	[sflag:s23] =	ssyncset.done $0x0  }
0x59: {  	s5 =	simm.s32 $0x240;
	s6 =	simm.s32 $0x4;
	[sflag:s23] =	ssyncadd.s32 $0xFFFFF980  }
0x5a: {  	[tilespmem:s7], [sflag:$0x3] =	stream.indirect.gather [hbm4b:s3+s24], $0x40, s5, s24, $0xb8;
	[tilespmem:$0xA800] =	vst v63  }
0x5b: {  	_ =	swait.ge [sflag:s6], $0x680  }
0x5c: {  	[sflag:s6] =	ssyncset.done $0x0  }
0x5d: {  	s7 =	sadd.s32 $0x600, s4;
	[sflag:s6] =	ssyncadd.s32 $0xFFFFF980  }
0x5e: {  	[hbm4b:s7+s29] =	stream.strided.scatter [tilespmem:s8], [sflag:$0x11], $0x680, s1, s29, $0x38;
	[tilespmem:$0xA800] =	vst v63  }
0x5f: {  	_ =	swait.ge [sflag:s23], $0x680  }
0x60: {  	[sflag:s23] =	ssyncset.done $0x0  }
0x61: {  	s21 =	simm.s32 $0x260;
	s5 =	simm.s32 $0x5;
	[sflag:s23] =	ssyncadd.s32 $0xFFFFF980  }
0x62: {  	[tilespmem:s8], [sflag:$0x4] =	stream.indirect.gather [hbm4b:s3+s24], $0x40, s21, s24, $0xb8;
	[tilespmem:$0xA800] =	vst v63  }
0x63: {  	_ =	swait.ge [sflag:s5], $0x680  }
0x64: {  	[sflag:s5] =	ssyncset.done $0x0  }
0x65: {  	s6 =	sadd.s32 $0x800, s4;
	[sflag:s5] =	ssyncadd.s32 $0xFFFFF980  }
0x66: {  	[hbm4b:s6+s29] =	stream.strided.scatter [tilespmem:s9], [sflag:$0x11], $0x680, s1, s29, $0x38;
	[tilespmem:$0xA800] =	vst v63  }
0x67: {  	_ =	swait.ge [sflag:s23], $0x680  }
0x68: {  	[sflag:s23] =	ssyncset.done $0x0  }
0x69: {  	s7 =	simm.s32 $0x280;
	s8 =	simm.s32 $0x6;
	[sflag:s23] =	ssyncadd.s32 $0xFFFFF980  }
0x6a: {  	[tilespmem:s9], [sflag:$0x5] =	stream.indirect.gather [hbm4b:s3+s24], $0x40, s7, s24, $0xb8;
	[tilespmem:$0xA800] =	vst v63  }
0x6b: {  	_ =	swait.ge [sflag:s8], $0x680  }
0x6c: {  	[sflag:s8] =	ssyncset.done $0x0  }
0x6d: {  	s9 =	sadd.s32 $0xA00, s4;
	[sflag:s8] =	ssyncadd.s32 $0xFFFFF980  }
0x6e: {  	[hbm4b:s9+s29] =	stream.strided.scatter [tilespmem:s10], [sflag:$0x11], $0x680, s1, s29, $0x38;
	[tilespmem:$0xA800] =	vst v63  }
0x6f: {  	_ =	swait.ge [sflag:s23], $0x680  }
0x70: {  	[sflag:s23] =	ssyncset.done $0x0  }
0x71: {  	s21 =	simm.s32 $0x2A0;
	s5 =	simm.s32 $0x7;
	[sflag:s23] =	ssyncadd.s32 $0xFFFFF980  }
0x72: {  	[tilespmem:s10], [sflag:$0x6] =	stream.indirect.gather [hbm4b:s3+s24], $0x40, s21, s24, $0xb8;
	[tilespmem:$0xA800] =	vst v63  }
0x73: {  	_ =	swait.ge [sflag:s5], $0x680  }
0x74: {  	[sflag:s5] =	ssyncset.done $0x0  }
0x75: {  	s6 =	sadd.s32 $0xC00, s4;
	[sflag:s5] =	ssyncadd.s32 $0xFFFFF980  }
0x76: {  	[hbm4b:s6+s29] =	stream.strided.scatter [tilespmem:s11], [sflag:$0x11], $0x680, s1, s29, $0x38;
	[tilespmem:$0xA800] =	vst v63  }
0x77: {  	_ =	swait.ge [sflag:s23], $0x680  }
0x78: {  	[sflag:s23] =	ssyncset.done $0x0  }
0x79: {  	s7 =	simm.s32 $0x2C0;
	s8 =	simm.s32 $0x8;
	[sflag:s23] =	ssyncadd.s32 $0xFFFFF980  }
0x7a: {  	[tilespmem:s11], [sflag:$0x7] =	stream.indirect.gather [hbm4b:s3+s24], $0x40, s7, s24, $0xb8;
	[tilespmem:$0xA800] =	vst v63  }
0x7b: {  	_ =	swait.ge [sflag:s8], $0x680  }
0x7c: {  	[sflag:s8] =	ssyncset.done $0x0  }
0x7d: {  	s9 =	sadd.s32 $0xE00, s4;
	[sflag:s8] =	ssyncadd.s32 $0xFFFFF980  }
0x7e: {  	[hbm4b:s9+s29] =	stream.strided.scatter [tilespmem:s12], [sflag:$0x11], $0x680, s1, s29, $0x38;
	[tilespmem:$0xA800] =	vst v63  }
0x7f: {  	_ =	swait.ge [sflag:s23], $0x680  }
0x80: {  	[sflag:s23] =	ssyncset.done $0x0  }
0x81: {  	s10 =	simm.s32 $0x2E0;
	s11 =	simm.s32 $0x9;
	[sflag:s23] =	ssyncadd.s32 $0xFFFFF980  }
0x82: {  	[tilespmem:s12], [sflag:$0x8] =	stream.indirect.gather [hbm4b:s3+s24], $0x40, s10, s24, $0xb8;
	[tilespmem:$0xA800] =	vst v63  }
0x83: {  	_ =	swait.ge [sflag:s11], $0x680  }
0x84: {  	[sflag:s11] =	ssyncset.done $0x0  }
0x85: {  	s12 =	sadd.s32 $0x1000, s4;
	[sflag:s11] =	ssyncadd.s32 $0xFFFFF980  }
0x86: {  	[hbm4b:s12+s29] =	stream.strided.scatter [tilespmem:s13], [sflag:$0x11], $0x680, s1, s29, $0x38;
	[tilespmem:$0xA800] =	vst v63  }
0x87: {  	_ =	swait.ge [sflag:s23], $0x680  }
0x88: {  	[sflag:s23] =	ssyncset.done $0x0  }
0x89: {  	s21 =	simm.s32 $0x300;
	s5 =	simm.s32 $0xA;
	[sflag:s23] =	ssyncadd.s32 $0xFFFFF980  }
0x8a: {  	[tilespmem:s13], [sflag:$0x9] =	stream.indirect.gather [hbm4b:s3+s24], $0x40, s21, s24, $0xb8;
	[tilespmem:$0xA800] =	vst v63  }
0x8b: {  	_ =	swait.ge [sflag:s5], $0x680  }
0x8c: {  	[sflag:s5] =	ssyncset.done $0x0  }
0x8d: {  	s6 =	sadd.s32 $0x1200, s4;
	[sflag:s5] =	ssyncadd.s32 $0xFFFFF980  }
0x8e: {  	[hbm4b:s6+s29] =	stream.strided.scatter [tilespmem:s14], [sflag:$0x11], $0x680, s1, s29, $0x38;
	[tilespmem:$0xA800] =	vst v63  }
0x8f: {  	_ =	swait.ge [sflag:s23], $0x680  }
0x90: {  	[sflag:s23] =	ssyncset.done $0x0  }
0x91: {  	s7 =	simm.s32 $0x320;
	s8 =	simm.s32 $0xB;
	[sflag:s23] =	ssyncadd.s32 $0xFFFFF980  }
0x92: {  	[tilespmem:s14], [sflag:$0xA] =	stream.indirect.gather [hbm4b:s3+s24], $0x40, s7, s24, $0xb8;
	[tilespmem:$0xA800] =	vst v63  }
0x93: {  	_ =	swait.ge [sflag:s8], $0x680  }
0x94: {  	[sflag:s8] =	ssyncset.done $0x0  }
0x95: {  	s9 =	sadd.s32 $0x1400, s4;
	[sflag:s8] =	ssyncadd.s32 $0xFFFFF980  }
0x96: {  	[hbm4b:s9+s29] =	stream.strided.scatter [tilespmem:s15], [sflag:$0x11], $0x680, s1, s29, $0x38;
	[tilespmem:$0xA800] =	vst v63  }
0x97: {  	_ =	swait.ge [sflag:s23], $0x680  }
0x98: {  	[sflag:s23] =	ssyncset.done $0x0  }
0x99: {  	s10 =	simm.s32 $0x340;
	[sflag:s23] =	ssyncadd.s32 $0xFFFFF980  }
0x9a: {  	[tilespmem:s15], [sflag:$0xB] =	stream.indirect.gather [hbm4b:s3+s24], $0x40, s10, s24, $0xb8;
	[tilespmem:$0xA800] =	vst v63  }
0x9b: {  	_ =	swait.ge [sflag:s28], $0x680  }
0x9c: {  	[sflag:s28] =	ssyncset.done $0x0  }
0x9d: {  	s11 =	sadd.s32 $0x1600, s4;
	[sflag:s28] =	ssyncadd.s32 $0xFFFFF980  }
0x9e: {  	[hbm4b:s11+s29] =	stream.strided.scatter [tilespmem:s16], [sflag:$0x11], $0x680, s1, s29, $0x38;
	[tilespmem:$0xA800] =	vst v63  }
0x9f: {  	_ =	swait.ge [sflag:s23], $0x680  }
0xa0: {  	[sflag:s23] =	ssyncset.done $0x0  }
0xa1: {  	s12 =	simm.s32 $0x360;
	[sflag:s23] =	ssyncadd.s32 $0xFFFFF980  }
0xa2: {  	[tilespmem:s16], [sflag:$0xC] =	stream.indirect.gather [hbm4b:s3+s24], $0x40, s12, s24, $0xb8;
	[tilespmem:$0xA800] =	vst v63  }
0xa3: {  	_ =	swait.ge [sflag:s30], $0x680  }
0xa4: {  	[sflag:s30] =	ssyncset.done $0x0  }
0xa5: {  	s13 =	sadd.s32 $0x1800, s4;
	[sflag:s30] =	ssyncadd.s32 $0xFFFFF980  }
0xa6: {  	[hbm4b:s13+s29] =	stream.strided.scatter [tilespmem:s17], [sflag:$0x11], $0x680, s1, s29, $0x38;
	[tilespmem:$0xA800] =	vst v63  }
0xa7: {  	_ =	swait.ge [sflag:s23], $0x680  }
0xa8: {  	[sflag:s23] =	ssyncset.done $0x0  }
0xa9: {  	s14 =	simm.s32 $0x380;
	[sflag:s23] =	ssyncadd.s32 $0xFFFFF980  }
0xaa: {  	[tilespmem:s17], [sflag:$0xD] =	stream.indirect.gather [hbm4b:s3+s24], $0x40, s14, s24, $0xb8;
	[tilespmem:$0xA800] =	vst v63  }
0xab: {  	_ =	swait.ge [sflag:s0], $0x680  }
0xac: {  	[sflag:s0] =	ssyncset.done $0x0  }
0xad: {  	s15 =	sadd.s32 $0x1A00, s4;
	[sflag:s0] =	ssyncadd.s32 $0xFFFFF980  }
0xae: {  	[hbm4b:s15+s29] =	stream.strided.scatter [tilespmem:s18], [sflag:$0x11], $0x680, s1, s29, $0x38;
	[tilespmem:$0xA800] =	vst v63  }
0xaf: {  	_ =	swait.ge [sflag:s23], $0x680  }
0xb0: {  	[sflag:s23] =	ssyncset.done $0x0  }
0xb1: {  	s16 =	simm.s32 $0x3A0;
	[sflag:s23] =	ssyncadd.s32 $0xFFFFF980  }
0xb2: {  	[tilespmem:s18], [sflag:$0xE] =	stream.indirect.gather [hbm4b:s3+s24], $0x40, s16, s24, $0xb8;
	[tilespmem:$0xA800] =	vst v63  }
0xb3: {  	_ =	swait.ge [sflag:s26], $0x680  }
0xb4: {  	[sflag:s26] =	ssyncset.done $0x0  }
0xb5: {  	s17 =	sadd.s32 $0x1C00, s4;
	[sflag:s26] =	ssyncadd.s32 $0xFFFFF980  }
0xb6: {  	[hbm4b:s17+s29] =	stream.strided.scatter [tilespmem:s19], [sflag:$0x11], $0x680, s1, s29, $0x38;
	[tilespmem:$0xA800] =	vst v63  }
0xb7: {  	_ =	swait.ge [sflag:s23], $0x680  }
0xb8: {  	[sflag:s23] =	ssyncset.done $0x0  }
0xb9: {  	s18 =	simm.s32 $0x3C0;
	[sflag:s23] =	ssyncadd.s32 $0xFFFFF980  }
0xba: {  	[tilespmem:s19], [sflag:$0xF] =	stream.indirect.gather [hbm4b:s3+s24], $0x40, s18, s24, $0xb8;
	[tilespmem:$0xA800] =	vst v63  }
0xbb: {  	_ =	swait.ge [sflag:s31], $0x680  }
0xbc: {  	[sflag:s31] =	ssyncset.done $0x0  }
0xbd: {  	s21 =	sadd.s32 $0x1E00, s4;
	[sflag:s31] =	ssyncadd.s32 $0xFFFFF980  }
0xbe: {  	[hbm4b:s21+s29] =	stream.strided.scatter [tilespmem:s20], [sflag:$0x11], $0x680, s1, s29, $0x38;
	[tilespmem:$0xA800] =	vst v63  }
0xbf: {  	_ =	swait.ge [sflag:s23], $0x680  }
0xc0: {  	s2 =	simm.s32 $0x800;
	[sflag:s23] =	ssyncset.done $0x0  }
0xc1: {  	s5 =	simm.s32 $0x3E0;
	s4 =	sadd.s32 $0x2000, s4;
	[sflag:s23] =	ssyncadd.s32 $0xFFFFF980  }
.LBB2_2:
0xc2: {  	[tilespmem:s25], [sflag:$0x10] =	stream.indirect.gather [hbm4b:s3+s24], $0x40, s5, s24, $0xb8;
	[tilespmem:$0xA800] =	vst v63  }
0xc3: {  	s5 =	smov.u32 s2;
	s6 =	simm.s32 $0x1  }
0xc4: {  	p0 =	sne.s32 s2, $0xF000;
	s2 =	sadd.s32 $0x800, s2;
	_ =	swait.ge [sflag:s6], $0x680  }
0xc5: {  	[sflag:s6] =	ssyncset.done $0x0  }
0xc6: {  	s8 =	simm.s32 $0x4000;
	[sflag:s6] =	ssyncadd.s32 $0xFFFFF980  }
0xc7: {  	[hbm4b:s4+s29] =	stream.strided.scatter [tilespmem:s8], [sflag:$0x11], $0x680, s1, s29, $0x38;
	[tilespmem:$0xA800] =	vst v63  }
0xc8: {  	_ =	swait.ge [sflag:s23], $0x680  }
0xc9: {  	s5 =	sshra.s32 s5, $0x2;
	[sflag:s23] =	ssyncset.done $0x0  }
0xca: {  	s6 =	sadd.s32 $0x200, s5;
	[sflag:s23] =	ssyncadd.s32 $0xFFFFF980  }
0xcb: {  	[tilespmem:s8], [sflag:$0x1] =	stream.indirect.gather [hbm4b:s3+s24], $0x40, s6, s24, $0xb8;
	[tilespmem:$0xA800] =	vst v63  }
0xcc: {  	s7 =	simm.s32 $0x4000;
	s6 =	simm.s32 $0x2  }
0xcd: {  	_ =	swait.ge [sflag:s6], $0x680  }
0xce: {  	[sflag:s6] =	ssyncset.done $0x0  }
0xcf: {  	s9 =	simm.s32 $0x4680;
	[sflag:s6] =	ssyncadd.s32 $0xFFFFF980;
	s6 =	sadd.s32 $0x200, s4  }
0xd0: {  	[hbm4b:s6+s29] =	stream.strided.scatter [tilespmem:s9], [sflag:$0x11], $0x680, s1, s29, $0x38;
	[tilespmem:$0xA800] =	vst v63  }
0xd1: {  	_ =	swait.ge [sflag:s23], $0x680  }
0xd2: {  	[sflag:s23] =	ssyncset.done $0x0  }
0xd3: {  	s6 =	sadd.s32 $0x220, s5;
	[sflag:s23] =	ssyncadd.s32 $0xFFFFF980  }
0xd4: {  	[tilespmem:s9], [sflag:$0x2] =	stream.indirect.gather [hbm4b:s3+s24], $0x40, s6, s24, $0xb8;
	[tilespmem:$0xA800] =	vst v63  }
0xd5: {  	s8 =	simm.s32 $0x4680;
	s6 =	simm.s32 $0x3  }
0xd6: {  	_ =	swait.ge [sflag:s6], $0x680  }
0xd7: {  	[sflag:s6] =	ssyncset.done $0x0  }
0xd8: {  	s10 =	simm.s32 $0x4D00;
	[sflag:s6] =	ssyncadd.s32 $0xFFFFF980;
	s6 =	sadd.s32 $0x400, s4  }
0xd9: {  	[hbm4b:s6+s29] =	stream.strided.scatter [tilespmem:s10], [sflag:$0x11], $0x680, s1, s29, $0x38;
	[tilespmem:$0xA800] =	vst v63  }
0xda: {  	_ =	swait.ge [sflag:s23], $0x680  }
0xdb: {  	[sflag:s23] =	ssyncset.done $0x0  }
0xdc: {  	s6 =	sadd.s32 $0x240, s5;
	[sflag:s23] =	ssyncadd.s32 $0xFFFFF980  }
0xdd: {  	[tilespmem:s10], [sflag:$0x3] =	stream.indirect.gather [hbm4b:s3+s24], $0x40, s6, s24, $0xb8;
	[tilespmem:$0xA800] =	vst v63  }
0xde: {  	s9 =	simm.s32 $0x4D00;
	s6 =	simm.s32 $0x4  }
0xdf: {  	_ =	swait.ge [sflag:s6], $0x680  }
0xe0: {  	[sflag:s6] =	ssyncset.done $0x0  }
0xe1: {  	s11 =	simm.s32 $0x5380;
	[sflag:s6] =	ssyncadd.s32 $0xFFFFF980;
	s6 =	sadd.s32 $0x600, s4  }
0xe2: {  	[hbm4b:s6+s29] =	stream.strided.scatter [tilespmem:s11], [sflag:$0x11], $0x680, s1, s29, $0x38;
	[tilespmem:$0xA800] =	vst v63  }
0xe3: {  	_ =	swait.ge [sflag:s23], $0x680  }
0xe4: {  	[sflag:s23] =	ssyncset.done $0x0  }
0xe5: {  	s6 =	sadd.s32 $0x260, s5;
	[sflag:s23] =	ssyncadd.s32 $0xFFFFF980  }
0xe6: {  	[tilespmem:s11], [sflag:$0x4] =	stream.indirect.gather [hbm4b:s3+s24], $0x40, s6, s24, $0xb8;
	[tilespmem:$0xA800] =	vst v63  }
0xe7: {  	s10 =	simm.s32 $0x5380;
	s6 =	simm.s32 $0x5  }
0xe8: {  	_ =	swait.ge [sflag:s6], $0x680  }
0xe9: {  	[sflag:s6] =	ssyncset.done $0x0  }
0xea: {  	s12 =	simm.s32 $0x5A00;
	[sflag:s6] =	ssyncadd.s32 $0xFFFFF980;
	s6 =	sadd.s32 $0x800, s4  }
0xeb: {  	[hbm4b:s6+s29] =	stream.strided.scatter [tilespmem:s12], [sflag:$0x11], $0x680, s1, s29, $0x38;
	[tilespmem:$0xA800] =	vst v63  }
0xec: {  	_ =	swait.ge [sflag:s23], $0x680  }
0xed: {  	[sflag:s23] =	ssyncset.done $0x0  }
0xee: {  	s6 =	sadd.s32 $0x280, s5;
	[sflag:s23] =	ssyncadd.s32 $0xFFFFF980  }
0xef: {  	[tilespmem:s12], [sflag:$0x5] =	stream.indirect.gather [hbm4b:s3+s24], $0x40, s6, s24, $0xb8;
	[tilespmem:$0xA800] =	vst v63  }
0xf0: {  	s11 =	simm.s32 $0x5A00;
	s6 =	simm.s32 $0x6  }
0xf1: {  	_ =	swait.ge [sflag:s6], $0x680  }
0xf2: {  	[sflag:s6] =	ssyncset.done $0x0  }
0xf3: {  	s13 =	simm.s32 $0x6080;
	[sflag:s6] =	ssyncadd.s32 $0xFFFFF980;
	s6 =	sadd.s32 $0xA00, s4  }
0xf4: {  	[hbm4b:s6+s29] =	stream.strided.scatter [tilespmem:s13], [sflag:$0x11], $0x680, s1, s29, $0x38;
	[tilespmem:$0xA800] =	vst v63  }
0xf5: {  	_ =	swait.ge [sflag:s23], $0x680  }
0xf6: {  	[sflag:s23] =	ssyncset.done $0x0  }
0xf7: {  	s6 =	sadd.s32 $0x2A0, s5;
	[sflag:s23] =	ssyncadd.s32 $0xFFFFF980  }
0xf8: {  	[tilespmem:s13], [sflag:$0x6] =	stream.indirect.gather [hbm4b:s3+s24], $0x40, s6, s24, $0xb8;
	[tilespmem:$0xA800] =	vst v63  }
0xf9: {  	s12 =	simm.s32 $0x6080;
	s6 =	simm.s32 $0x7  }
0xfa: {  	_ =	swait.ge [sflag:s6], $0x680  }
0xfb: {  	[sflag:s6] =	ssyncset.done $0x0  }
0xfc: {  	s14 =	simm.s32 $0x6700;
	[sflag:s6] =	ssyncadd.s32 $0xFFFFF980;
	s6 =	sadd.s32 $0xC00, s4  }
0xfd: {  	[hbm4b:s6+s29] =	stream.strided.scatter [tilespmem:s14], [sflag:$0x11], $0x680, s1, s29, $0x38;
	[tilespmem:$0xA800] =	vst v63  }
0xfe: {  	_ =	swait.ge [sflag:s23], $0x680  }
0xff: {  	[sflag:s23] =	ssyncset.done $0x0  }
0x100: {  	s6 =	sadd.s32 $0x2C0, s5;
	[sflag:s23] =	ssyncadd.s32 $0xFFFFF980  }
0x101: {  	[tilespmem:s14], [sflag:$0x7] =	stream.indirect.gather [hbm4b:s3+s24], $0x40, s6, s24, $0xb8;
	[tilespmem:$0xA800] =	vst v63  }
0x102: {  	s13 =	simm.s32 $0x6700;
	s6 =	simm.s32 $0x8  }
0x103: {  	_ =	swait.ge [sflag:s6], $0x680  }
0x104: {  	[sflag:s6] =	ssyncset.done $0x0  }
0x105: {  	s15 =	simm.s32 $0x6D80;
	[sflag:s6] =	ssyncadd.s32 $0xFFFFF980;
	s6 =	sadd.s32 $0xE00, s4  }
0x106: {  	[hbm4b:s6+s29] =	stream.strided.scatter [tilespmem:s15], [sflag:$0x11], $0x680, s1, s29, $0x38;
	[tilespmem:$0xA800] =	vst v63  }
0x107: {  	_ =	swait.ge [sflag:s23], $0x680  }
0x108: {  	[sflag:s23] =	ssyncset.done $0x0  }
0x109: {  	s6 =	sadd.s32 $0x2E0, s5;
	[sflag:s23] =	ssyncadd.s32 $0xFFFFF980  }
0x10a: {  	[tilespmem:s15], [sflag:$0x8] =	stream.indirect.gather [hbm4b:s3+s24], $0x40, s6, s24, $0xb8;
	[tilespmem:$0xA800] =	vst v63  }
0x10b: {  	s14 =	simm.s32 $0x6D80;
	s6 =	simm.s32 $0x9  }
0x10c: {  	_ =	swait.ge [sflag:s6], $0x680  }
0x10d: {  	[sflag:s6] =	ssyncset.done $0x0  }
0x10e: {  	s16 =	simm.s32 $0x7400;
	[sflag:s6] =	ssyncadd.s32 $0xFFFFF980;
	s6 =	sadd.s32 $0x1000, s4  }
0x10f: {  	[hbm4b:s6+s29] =	stream.strided.scatter [tilespmem:s16], [sflag:$0x11], $0x680, s1, s29, $0x38;
	[tilespmem:$0xA800] =	vst v63  }
0x110: {  	_ =	swait.ge [sflag:s23], $0x680  }
0x111: {  	[sflag:s23] =	ssyncset.done $0x0  }
0x112: {  	s6 =	sadd.s32 $0x300, s5;
	[sflag:s23] =	ssyncadd.s32 $0xFFFFF980  }
0x113: {  	[tilespmem:s16], [sflag:$0x9] =	stream.indirect.gather [hbm4b:s3+s24], $0x40, s6, s24, $0xb8;
	[tilespmem:$0xA800] =	vst v63  }
0x114: {  	s15 =	simm.s32 $0x7400;
	s6 =	simm.s32 $0xA  }
0x115: {  	_ =	swait.ge [sflag:s6], $0x680  }
0x116: {  	[sflag:s6] =	ssyncset.done $0x0  }
0x117: {  	s17 =	simm.s32 $0x7A80;
	[sflag:s6] =	ssyncadd.s32 $0xFFFFF980;
	s6 =	sadd.s32 $0x1200, s4  }
0x118: {  	[hbm4b:s6+s29] =	stream.strided.scatter [tilespmem:s17], [sflag:$0x11], $0x680, s1, s29, $0x38;
	[tilespmem:$0xA800] =	vst v63  }
0x119: {  	_ =	swait.ge [sflag:s23], $0x680  }
0x11a: {  	[sflag:s23] =	ssyncset.done $0x0  }
0x11b: {  	s6 =	sadd.s32 $0x320, s5;
	[sflag:s23] =	ssyncadd.s32 $0xFFFFF980  }
0x11c: {  	[tilespmem:s17], [sflag:$0xA] =	stream.indirect.gather [hbm4b:s3+s24], $0x40, s6, s24, $0xb8;
	[tilespmem:$0xA800] =	vst v63  }
0x11d: {  	s16 =	simm.s32 $0x7A80;
	s6 =	simm.s32 $0xB  }
0x11e: {  	_ =	swait.ge [sflag:s6], $0x680  }
0x11f: {  	[sflag:s6] =	ssyncset.done $0x0  }
0x120: {  	s18 =	simm.s32 $0x8100;
	[sflag:s6] =	ssyncadd.s32 $0xFFFFF980;
	s6 =	sadd.s32 $0x1400, s4  }
0x121: {  	[hbm4b:s6+s29] =	stream.strided.scatter [tilespmem:s18], [sflag:$0x11], $0x680, s1, s29, $0x38;
	[tilespmem:$0xA800] =	vst v63  }
0x122: {  	_ =	swait.ge [sflag:s23], $0x680  }
0x123: {  	[sflag:s23] =	ssyncset.done $0x0  }
0x124: {  	s17 =	simm.s32 $0x8100;
	s6 =	sadd.s32 $0x340, s5;
	[sflag:s23] =	ssyncadd.s32 $0xFFFFF980  }
0x125: {  	[tilespmem:s18], [sflag:$0xB] =	stream.indirect.gather [hbm4b:s3+s24], $0x40, s6, s24, $0xb8;
	[tilespmem:$0xA800] =	vst v63  }
0x126: {  	_ =	swait.ge [sflag:s28], $0x680  }
0x127: {  	[sflag:s28] =	ssyncset.done $0x0  }
0x128: {  	s19 =	simm.s32 $0x8780;
	s6 =	sadd.s32 $0x1600, s4;
	[sflag:s28] =	ssyncadd.s32 $0xFFFFF980  }
0x129: {  	[hbm4b:s6+s29] =	stream.strided.scatter [tilespmem:s19], [sflag:$0x11], $0x680, s1, s29, $0x38;
	[tilespmem:$0xA800] =	vst v63  }
0x12a: {  	_ =	swait.ge [sflag:s23], $0x680  }
0x12b: {  	[sflag:s23] =	ssyncset.done $0x0  }
0x12c: {  	s18 =	simm.s32 $0x8780;
	s6 =	sadd.s32 $0x360, s5;
	[sflag:s23] =	ssyncadd.s32 $0xFFFFF980  }
0x12d: {  	[tilespmem:s19], [sflag:$0xC] =	stream.indirect.gather [hbm4b:s3+s24], $0x40, s6, s24, $0xb8;
	[tilespmem:$0xA800] =	vst v63  }
0x12e: {  	_ =	swait.ge [sflag:s30], $0x680  }
0x12f: {  	[sflag:s30] =	ssyncset.done $0x0  }
0x130: {  	s20 =	simm.s32 $0x8E00;
	s6 =	sadd.s32 $0x1800, s4;
	[sflag:s30] =	ssyncadd.s32 $0xFFFFF980  }
0x131: {  	[hbm4b:s6+s29] =	stream.strided.scatter [tilespmem:s20], [sflag:$0x11], $0x680, s1, s29, $0x38;
	[tilespmem:$0xA800] =	vst v63  }
0x132: {  	_ =	swait.ge [sflag:s23], $0x680  }
0x133: {  	[sflag:s23] =	ssyncset.done $0x0  }
0x134: {  	s19 =	simm.s32 $0x8E00;
	s6 =	sadd.s32 $0x380, s5;
	[sflag:s23] =	ssyncadd.s32 $0xFFFFF980  }
0x135: {  	[tilespmem:s20], [sflag:$0xD] =	stream.indirect.gather [hbm4b:s3+s24], $0x40, s6, s24, $0xb8;
	[tilespmem:$0xA800] =	vst v63  }
0x136: {  	_ =	swait.ge [sflag:s0], $0x680  }
0x137: {  	[sflag:s0] =	ssyncset.done $0x0  }
0x138: {  	s21 =	simm.s32 $0x9480;
	s6 =	sadd.s32 $0x1A00, s4;
	[sflag:s0] =	ssyncadd.s32 $0xFFFFF980  }
0x139: {  	[hbm4b:s6+s29] =	stream.strided.scatter [tilespmem:s21], [sflag:$0x11], $0x680, s1, s29, $0x38;
	[tilespmem:$0xA800] =	vst v63  }
0x13a: {  	_ =	swait.ge [sflag:s23], $0x680  }
0x13b: {  	[sflag:s23] =	ssyncset.done $0x0  }
0x13c: {  	s20 =	simm.s32 $0x9480;
	s6 =	sadd.s32 $0x3A0, s5;
	[sflag:s23] =	ssyncadd.s32 $0xFFFFF980  }
0x13d: {  	[tilespmem:s21], [sflag:$0xE] =	stream.indirect.gather [hbm4b:s3+s24], $0x40, s6, s24, $0xb8;
	[tilespmem:$0xA800] =	vst v63  }
0x13e: {  	_ =	swait.ge [sflag:s26], $0x680  }
0x13f: {  	[sflag:s26] =	ssyncset.done $0x0  }
0x140: {  	s6 =	sadd.s32 $0x1C00, s4;
	[sflag:s26] =	ssyncadd.s32 $0xFFFFF980  }
0x141: {  	[hbm4b:s6+s29] =	stream.strided.scatter [tilespmem:s22], [sflag:$0x11], $0x680, s1, s29, $0x38;
	[tilespmem:$0xA800] =	vst v63  }
0x142: {  	_ =	swait.ge [sflag:s23], $0x680  }
0x143: {  	[sflag:s23] =	ssyncset.done $0x0  }
0x144: {  	s21 =	simm.s32 $0x9B00;
	s6 =	sadd.s32 $0x3C0, s5;
	[sflag:s23] =	ssyncadd.s32 $0xFFFFF980  }
0x145: {  	[tilespmem:s22], [sflag:$0xF] =	stream.indirect.gather [hbm4b:s3+s24], $0x40, s6, s24, $0xb8;
	[tilespmem:$0xA800] =	vst v63  }
0x146: {  	_ =	swait.ge [sflag:s31], $0x680  }
0x147: {  	[sflag:s31] =	ssyncset.done $0x0  }
.Ltmp0:
0x148: {  	s6 =	sadd.s32 $0x1E00, s4;
	[sflag:s31] =	ssyncadd.s32 $0xFFFFF980;
	(pc) =	sbr.rel @p0 .LBB2_2-.Ltmp0, $4  }
0x149: {  	[hbm4b:s6+s29] =	stream.strided.scatter [tilespmem:s25], [sflag:$0x11], $0x680, s1, s29, $0x38;
	[tilespmem:$0xA800] =	vst v63  }
0x14a: {  	_ =	swait.ge [sflag:s23], $0x680  }
0x14b: {  	[sflag:s23] =	ssyncset.done $0x0  }
0x14c: {  	s5 =	sadd.s32 $0x3E0, s5;
	s4 =	sadd.s32 $0x2000, s4;
	[sflag:s23] =	ssyncadd.s32 $0xFFFFF980  }
0x14d: {  	s4 =	simm.s32 $0xA180;
	s2 =	simm.s32 $0x1  }
0x14e: {  	[tilespmem:s4], [sflag:$0x10] =	stream.indirect.gather [hbm4b:s3+s24], $0x40, s5, s24, $0xb8;
	[tilespmem:$0xA800] =	vst v63  }
0x14f: {  	_ =	swait.ge [sflag:s2], $0x680  }
0x150: {  	[sflag:s2] =	ssyncset.done $0x0  }
0x151: {  	s5 =	rddreg [dreg:$0x4];
	[sflag:s2] =	ssyncadd.s32 $0xFFFFF980  }
0x152: {  	[hbm4b:s5+s29] =	stream.strided.scatter [tilespmem:s7], [sflag:$0x11], $0x680, s1, s29, $0x38;
	[tilespmem:$0xA800] =	vst v63  }
0x153: {  	_ =	swait.ge [sflag:s23], $0x680  }
0x154: {  	[sflag:s23] =	ssyncset.done $0x0  }
0x155: {  	s6 =	simm.s32 $0x2;
	[sflag:s23] =	ssyncadd.s32 $0xFFFFF980  }
0x156: {  	_ =	swait.ge [sflag:s6], $0x680  }
0x157: {  	[sflag:s6] =	ssyncset.done $0x0  }
0x158: {  	s7 =	rddreg [dreg:$0x5];
	[sflag:s6] =	ssyncadd.s32 $0xFFFFF980  }
0x159: {  	[hbm4b:s7+s29] =	stream.strided.scatter [tilespmem:s8], [sflag:$0x11], $0x680, s1, s29, $0x38;
	[tilespmem:$0xA800] =	vst v63  }
0x15a: {  	_ =	swait.ge [sflag:s23], $0x680  }
0x15b: {  	[sflag:s23] =	ssyncset.done $0x0  }
0x15c: {  	s8 =	simm.s32 $0x3;
	[sflag:s23] =	ssyncadd.s32 $0xFFFFF980  }
0x15d: {  	_ =	swait.ge [sflag:s8], $0x680  }
0x15e: {  	[sflag:s8] =	ssyncset.done $0x0  }
0x15f: {  	s5 =	rddreg [dreg:$0x6];
	[sflag:s8] =	ssyncadd.s32 $0xFFFFF980  }
0x160: {  	[hbm4b:s5+s29] =	stream.strided.scatter [tilespmem:s9], [sflag:$0x11], $0x680, s1, s29, $0x38;
	[tilespmem:$0xA800] =	vst v63  }
0x161: {  	_ =	swait.ge [sflag:s23], $0x680  }
0x162: {  	[sflag:s23] =	ssyncset.done $0x0  }
0x163: {  	s6 =	simm.s32 $0x4;
	[sflag:s23] =	ssyncadd.s32 $0xFFFFF980  }
0x164: {  	_ =	swait.ge [sflag:s6], $0x680  }
0x165: {  	[sflag:s6] =	ssyncset.done $0x0  }
0x166: {  	s7 =	rddreg [dreg:$0x7];
	[sflag:s6] =	ssyncadd.s32 $0xFFFFF980  }
0x167: {  	[hbm4b:s7+s29] =	stream.strided.scatter [tilespmem:s10], [sflag:$0x11], $0x680, s1, s29, $0x38;
	[tilespmem:$0xA800] =	vst v63  }
0x168: {  	_ =	swait.ge [sflag:s23], $0x680  }
0x169: {  	[sflag:s23] =	ssyncset.done $0x0  }
0x16a: {  	s8 =	simm.s32 $0x5;
	[sflag:s23] =	ssyncadd.s32 $0xFFFFF980  }
0x16b: {  	_ =	swait.ge [sflag:s8], $0x680  }
0x16c: {  	[sflag:s8] =	ssyncset.done $0x0  }
0x16d: {  	s9 =	rddreg [dreg:$0x8];
	[sflag:s8] =	ssyncadd.s32 $0xFFFFF980  }
0x16e: {  	[hbm4b:s9+s29] =	stream.strided.scatter [tilespmem:s11], [sflag:$0x11], $0x680, s1, s29, $0x38;
	[tilespmem:$0xA800] =	vst v63  }
0x16f: {  	_ =	swait.ge [sflag:s23], $0x680  }
0x170: {  	[sflag:s23] =	ssyncset.done $0x0  }
0x171: {  	s10 =	simm.s32 $0x6;
	[sflag:s23] =	ssyncadd.s32 $0xFFFFF980  }
0x172: {  	_ =	swait.ge [sflag:s10], $0x680  }
0x173: {  	[sflag:s10] =	ssyncset.done $0x0  }
0x174: {  	s11 =	rddreg [dreg:$0x9];
	[sflag:s10] =	ssyncadd.s32 $0xFFFFF980  }
0x175: {  	[hbm4b:s11+s29] =	stream.strided.scatter [tilespmem:s12], [sflag:$0x11], $0x680, s1, s29, $0x38;
	[tilespmem:$0xA800] =	vst v63  }
0x176: {  	_ =	swait.ge [sflag:s23], $0x680  }
0x177: {  	[sflag:s23] =	ssyncset.done $0x0  }
0x178: {  	s5 =	simm.s32 $0x7;
	[sflag:s23] =	ssyncadd.s32 $0xFFFFF980  }
0x179: {  	_ =	swait.ge [sflag:s5], $0x680  }
0x17a: {  	[sflag:s5] =	ssyncset.done $0x0  }
0x17b: {  	s6 =	rddreg [dreg:$0xa];
	[sflag:s5] =	ssyncadd.s32 $0xFFFFF980  }
0x17c: {  	[hbm4b:s6+s29] =	stream.strided.scatter [tilespmem:s13], [sflag:$0x11], $0x680, s1, s29, $0x38;
	[tilespmem:$0xA800] =	vst v63  }
0x17d: {  	_ =	swait.ge [sflag:s23], $0x680  }
0x17e: {  	[sflag:s23] =	ssyncset.done $0x0  }
0x17f: {  	s7 =	simm.s32 $0x8;
	[sflag:s23] =	ssyncadd.s32 $0xFFFFF980  }
0x180: {  	_ =	swait.ge [sflag:s7], $0x680  }
0x181: {  	[sflag:s7] =	ssyncset.done $0x0  }
0x182: {  	s8 =	rddreg [dreg:$0xb];
	[sflag:s7] =	ssyncadd.s32 $0xFFFFF980  }
0x183: {  	[hbm4b:s8+s29] =	stream.strided.scatter [tilespmem:s14], [sflag:$0x11], $0x680, s1, s29, $0x38;
	[tilespmem:$0xA800] =	vst v63  }
0x184: {  	_ =	swait.ge [sflag:s23], $0x680  }
0x185: {  	[sflag:s23] =	ssyncset.done $0x0  }
0x186: {  	s9 =	simm.s32 $0x9;
	[sflag:s23] =	ssyncadd.s32 $0xFFFFF980  }
0x187: {  	_ =	swait.ge [sflag:s9], $0x680  }
0x188: {  	[sflag:s9] =	ssyncset.done $0x0  }
0x189: {  	s10 =	rddreg [dreg:$0xc];
	[sflag:s9] =	ssyncadd.s32 $0xFFFFF980  }
0x18a: {  	[hbm4b:s10+s29] =	stream.strided.scatter [tilespmem:s15], [sflag:$0x11], $0x680, s1, s29, $0x38;
	[tilespmem:$0xA800] =	vst v63  }
0x18b: {  	_ =	swait.ge [sflag:s23], $0x680  }
0x18c: {  	[sflag:s23] =	ssyncset.done $0x0  }
0x18d: {  	s11 =	simm.s32 $0xA;
	[sflag:s23] =	ssyncadd.s32 $0xFFFFF980  }
0x18e: {  	_ =	swait.ge [sflag:s11], $0x680  }
0x18f: {  	[sflag:s11] =	ssyncset.done $0x0  }
0x190: {  	s12 =	rddreg [dreg:$0xd];
	[sflag:s11] =	ssyncadd.s32 $0xFFFFF980  }
0x191: {  	[hbm4b:s12+s29] =	stream.strided.scatter [tilespmem:s16], [sflag:$0x11], $0x680, s1, s29, $0x38;
	[tilespmem:$0xA800] =	vst v63  }
0x192: {  	_ =	swait.ge [sflag:s23], $0x680  }
0x193: {  	[sflag:s23] =	ssyncset.done $0x0  }
0x194: {  	s13 =	simm.s32 $0xB;
	[sflag:s23] =	ssyncadd.s32 $0xFFFFF980  }
0x195: {  	_ =	swait.ge [sflag:s13], $0x680  }
0x196: {  	[sflag:s13] =	ssyncset.done $0x0  }
0x197: {  	s14 =	rddreg [dreg:$0xe];
	[sflag:s13] =	ssyncadd.s32 $0xFFFFF980  }
0x198: {  	[hbm4b:s14+s29] =	stream.strided.scatter [tilespmem:s17], [sflag:$0x11], $0x680, s1, s29, $0x38;
	[tilespmem:$0xA800] =	vst v63  }
0x199: {  	_ =	swait.ge [sflag:s23], $0x680  }
0x19a: {  	[sflag:s23] =	ssyncset.done $0x0  }
0x19b: {  	[sflag:s23] =	ssyncadd.s32 $0xFFFFF980  }
0x19c: {  	_ =	swait.ge [sflag:s28], $0x680  }
0x19d: {  	[sflag:s28] =	ssyncset.done $0x0  }
0x19e: {  	s15 =	rddreg [dreg:$0xf];
	[sflag:s28] =	ssyncadd.s32 $0xFFFFF980  }
0x19f: {  	[hbm4b:s15+s29] =	stream.strided.scatter [tilespmem:s18], [sflag:$0x11], $0x680, s1, s29, $0x38;
	[tilespmem:$0xA800] =	vst v63  }
0x1a0: {  	_ =	swait.ge [sflag:s23], $0x680  }
0x1a1: {  	[sflag:s23] =	ssyncset.done $0x0  }
0x1a2: {  	[sflag:s23] =	ssyncadd.s32 $0xFFFFF980  }
0x1a3: {  	_ =	swait.ge [sflag:s30], $0x680  }
0x1a4: {  	[sflag:s30] =	ssyncset.done $0x0  }
0x1a5: {  	s16 =	rddreg [dreg:$0x10];
	[sflag:s30] =	ssyncadd.s32 $0xFFFFF980  }
0x1a6: {  	[hbm4b:s16+s29] =	stream.strided.scatter [tilespmem:s19], [sflag:$0x11], $0x680, s1, s29, $0x38;
	[tilespmem:$0xA800] =	vst v63  }
0x1a7: {  	_ =	swait.ge [sflag:s23], $0x680  }
0x1a8: {  	[sflag:s23] =	ssyncset.done $0x0  }
0x1a9: {  	[sflag:s23] =	ssyncadd.s32 $0xFFFFF980  }
0x1aa: {  	_ =	swait.ge [sflag:s0], $0x680  }
0x1ab: {  	[sflag:s0] =	ssyncset.done $0x0  }
0x1ac: {  	s17 =	rddreg [dreg:$0x11];
	[sflag:s0] =	ssyncadd.s32 $0xFFFFF980  }
0x1ad: {  	[hbm4b:s17+s29] =	stream.strided.scatter [tilespmem:s20], [sflag:$0x11], $0x680, s1, s29, $0x38;
	[tilespmem:$0xA800] =	vst v63  }
0x1ae: {  	_ =	swait.ge [sflag:s23], $0x680  }
0x1af: {  	[sflag:s23] =	ssyncset.done $0x0  }
0x1b0: {  	[sflag:s23] =	ssyncadd.s32 $0xFFFFF980  }
0x1b1: {  	_ =	swait.ge [sflag:s26], $0x680  }
0x1b2: {  	[sflag:s26] =	ssyncset.done $0x0  }
0x1b3: {  	s18 =	rddreg [dreg:$0x12];
	[sflag:s26] =	ssyncadd.s32 $0xFFFFF980  }
0x1b4: {  	[hbm4b:s18+s29] =	stream.strided.scatter [tilespmem:s21], [sflag:$0x11], $0x680, s1, s29, $0x38;
	[tilespmem:$0xA800] =	vst v63  }
0x1b5: {  	_ =	swait.ge [sflag:s23], $0x680  }
0x1b6: {  	[sflag:s23] =	ssyncset.done $0x0  }
0x1b7: {  	[sflag:s23] =	ssyncadd.s32 $0xFFFFF980  }
0x1b8: {  	_ =	swait.ge [sflag:s31], $0x680  }
0x1b9: {  	[sflag:s31] =	ssyncset.done $0x0  }
0x1ba: {  	s19 =	rddreg [dreg:$0x13];
	[sflag:s31] =	ssyncadd.s32 $0xFFFFF980  }
0x1bb: {  	[hbm4b:s19+s29] =	stream.strided.scatter [tilespmem:s4], [sflag:$0x11], $0x680, s1, s29, $0x38;
	[tilespmem:$0xA800] =	vst v63  }
0x1bc: {  	_ =	swait.ge [sflag:s23], $0x680  }
0x1bd: {  	s20 =	rddreg [dreg:$0x16]  }
0x1be: {  	s21 =	rddreg [dreg:$0x14];
	s4 =	sadd.s32 $0x1, s20  }
0x1bf: {  	p0 =	sne.s32 s4, s21  }
.Ltmp1:
0x1c0: {  	_ = 	snop;
	(pc) =	sbr.rel @p0 .LBB2_1-.Ltmp1, $3  }
0x1c1: {  	_ =	sdelay $0x1  }
0x1c2: {  	[sflag:s23] =	ssyncset.done $0x0  }
0x1c3: {  	[sflag:s23] =	ssyncadd.s32 $0xFFFFF980  }
0x1c4: {  	_ =	sfence.sel $0x180000  }
0x1c5: {  	[bflag:$0x0] =	sbarrier.arrive $0xFFFF  }
0x1c6: {  	_ =	strace $0x90000047  }
0x1c7: {  	s0 =	stileid.u32;
	[bflag:$0x2] =	sbarrier.arrive $0xFFFF  }
0x1c8: {  	p0 =	sne.s32 s0, $0x0;
	s0 =	rddreg [dreg:$0x2]  }
0x1c9: {  	s0 =	sadd.s32 @!p0 $0x100000, s0  }
0x1ca: {  	[sflag:s0] =	ssyncadd.tile.s32 @!p0 $0x1;
	_ =	shalt  }
.Lfunc_end2:
_tile_overlayer_lowered:
.L_overlay_start_2:
0x1cb: {  	(tag) =	ssettag $0x2  }
0x1cc: {  	s0 =	rddreg [dreg:$0x0];
	s2 =	stileid.u32  }
0x1cd: {  	s1 =	rddreg [dreg:$0x1];
	p0 =	sne.s32 s2, $0x0  }
0x1ce: {  	s3 =	rddreg [dreg:$0x2];
	[bflag:$0x3] =	sbarrier.arrive $0xFFFF;
	s2 =	simm.s32 @!p0 $0x1C11  }
0x1cf: {  	[timem:s3], [sflag:s2] =	dma.local @!p0 [hbm:s0], s1  }
0x1d0: {  	s0 =	simm.s32 @!p0 $0x11  }
0x1d1: {  	_ =	swait.ge @!p0 [sflag:s0], s1  }
0x1d2: {  	s1 =	ssub.s32 @!p0 $0x0, s1;
	[sflag:s0] =	ssyncset.done @!p0 $0x0  }
0x1d3: {  	[sflag:s0] =	ssyncadd.s32 @!p0 s1  }
0x1d4: {  	[bflag:$0x3] =	sbarrier.arrive $0xFFFF  }
0x1d5: {  	_ =	shalt  }

// kernel: sparse-core-data-format-call.cloned.1.call-start
scs
called_computation_lowered:
.L_overlay_start_0:
0x0: {  	s2 =	sld [smem:$0x3FD9]  }
0x1: {  	s3 =	sld [smem:$0x3FFE];
	_ =	sdelay $0x1  }
0x2: {  	s1 =	srdreg.scid  }
0x3: {  	s0 =	sand.u32 $0x1, s1  }
0x4: {  	s18 =	sshll.u32 s0, $0xA;
	s2 =	sadd.s32 s3, s2  }
0x5: {  	s2 =	sadd.s32 s2, s18  }
0x6: {  	[smem:$0x3FC6] =	sst s2  }
0x7: {  	_ = 	snop  }
0x8: {  	s2 =	sld [smem:$0x3FD0];
	(tm) =	ssettm $0x1  }
0x9: {  	s19 =	sld [smem:$0x3FFB];
	_ =	sdelay $0x3  }
0xa: {  	_ =	strace s19  }
0xb: {  	s3 =	sld [smem:$0x3FFC];
	_ =	sdelay $0x3  }
0xc: {  	_ =	strace s3  }
0xd: {  	s3 =	sld [smem:$0x3FFD];
	_ =	sdelay $0x3  }
0xe: {  	_ =	strace s3  }
0xf: {  	_ =	strace $0x8FFFFFFF  }
0x10: {  	s20 =	sld [smem:$0x3FDB];
	_ =	sdelay $0x1  }
0x11: {  	s4 =	simm.s32 $_scs_section_size  }
0x12: {  	s5 =	simm.s32 $_size__tile_overlayer_lowered;
	s6 =	simm.s32 $_tile_overlayer_lowered  }
0x13: {  	s23 =	simm.s32 $0x1BFF;
	s22 =	sshll.u32 s6, $0x1;
	s3 =	sadd.s32 s4, s20  }
0x14: {  	s7 =	simm.s32 $0x0;
	s21 =	sshll.u32 s5, $0x1;
	s5 =	sadd.s32 s22, s3  }
0x15: {  	[timem:s7], [sflag:s23] =	dma.local [hbm:s5], s21  }
0x16: {  	_ =	swait.ge [sflag:s23], s21  }
0x17: {  	s4 =	ssub.s32 $0x0, s21;
	[sflag:s23] =	ssyncset.done $0x0  }
0x18: {  	[sflag:s23] =	ssyncadd.s32 s4;
	_ =	sdelay $0x1  }
0x19: {  	s24 =	simm.s32 $0x1B8B  }
0x1a: {  	_ =	swait.ge [sflag:s24], $0x1  }
0x1b: {  	[sflag:s24] =	ssyncset.done $0x0  }
0x1c: {  	s26 =	simm.s32 $0x1B8E;
	s25 =	sld [smem:$0x3FFE];
	[sflag:s24] =	ssyncadd.s32 $0xFFFFFFFF  }
0x1d: {  	s27 =	simm.s32 $execute0_lowered;
	[smem:$0x3FD2] =	sst s26  }
0x1e: {  	s5 =	sshll.u32 s27, $0x1;
	_ =	strace $0x80000049;
	[dreg:$0x1] =	wrdreg $0xFFFFFFFF  }
0x1f: {  	s28 =	simm.s32 $_size_execute0_lowered;
	s3 =	sadd.s32 s3, s5;
	[dreg:$0x0] =	wrdreg $0x0  }
0x20: {  	s5 =	sshll.u32 s28, $0x1;
	[dreg:$0x2] =	wrdreg s3  }
0x21: {  	[dreg:$0x3] =	wrdreg s5  }
0x22: {  	[dreg:$0x4] =	wrdreg $0xC0  }
0x23: {  	_ =	task [dreg:s7], $0x5FFFF  }
0x24: {  	[dreg:$0x1] =	wrdreg $0xFFFFFFFF  }
0x25: {  	[dreg:$0x0] =	wrdreg $0x60  }
0x26: {  	[dreg:$0x2] =	wrdreg s25  }
0x27: {  	[dreg:$0x3] =	wrdreg s2  }
0x28: {  	[dreg:$0x4] =	wrdreg $0x9  }
0x29: {  	_ =	task.clear_ibuf [dreg:s7], $0x5FFFF;
	_ =	strace $0x90000049  }
0x2a: {  	s29 =	simm.s32 $0x9;
	_ =	strace $0x8000004B  }
0x2b: {  	_ =	swait.ge [sflag:s29], $0x1  }
0x2c: {  	[sflag:s29] =	ssyncadd.s32 $0xFFFFFFFF  }
0x2d: {  	_ =	strace $0x9000004B  }
0x2e: {  	_ =	sfence  }
0x2f: {  	s30 =	sld [smem:$0x0];
	_ =	sdelay $0x2  }
0x30: {  	s31 =	sshll.u32 s1, $0xD;
	s1 =	sshrl.u32 s1, $0x2  }
0x31: {  	s3 =	sand.u32 $0x4000, s31;
	s1 =	sadd.s32 s1, s30  }
0x32: {  	s0 =	sor.u32 s3, s0;
	s1 =	sshll.u32 s1, $0x11  }
0x33: {  	s0 =	sor.u32 s1, s0  }
0x34: {  	s0 =	sadd.s32 $0x8F2B, s0  }
0x35: {  	[sflag:s0] =	ssyncadd.remote.s32 $0x1  }
0x36: {  	_ =	sfence.sel $0xFFFF  }
0x37: {  	[dreg:$0x0] =	wrdreg $0xFFFFFFFF;
	(pc) =	sbr.abs _section_cstart, $3  }
0x38: {  	[dreg:$0x1] =	wrdreg $0xFFFFFFFF  }
0x39: {  	_ =	task.clear_ibuf [dreg:s7], $0x2FFFF;
	_ =	strace $0x9FFFFFFF  }
0x3a: {  	(tm) =	ssettm $0x7FFFFFFF  }
0x3b: {  	_ =	shalt  }
tec
execute0_lowered:
.L_overlay_start_1:
0x0: {  	(tag) =	ssettag $0x1  }
0x1: {  	s0 =	srdreg.scid  }
0x2: {  	s1 =	sshll.u32 s0, $0x4  }
0x3: {  	s0 =	stileid.u32;
	s1 =	sand.u32 $0x10, s1  }
0x4: {  	s1 =	sor.u32 s0, s1  }
0x5: {  	s6 =	rddreg [dreg:$0x0];
	s4 =	simm.s32 $0x1;
	s2 =	sshll.u32 s1, $0x7  }
0x6: {  	s7 =	simm.s32 $0x2;
	s12 =	simm.s32 $0x0;
	s1 =	ssub.s32 $0x4000, s2  }
0x7: {  	s8 =	simm.s32 $0x20000;
	s13 =	simm.s32 $0x0;
	s3 =	sand.u32 $0xF80, s1  }
0x8: {  	s9 =	simm.s32 $0x0;
	s5 =	sshrl.u32 s1, $0xC;
	p0 =	sne.s32 s3, $0x0  }
.Ltmp0:
0x9: {  	s1 =	rddreg [dreg:$0x2];
	s4 =	simm.s32 @!p0 $0x0;
	(pc) =	sbr.rel .LBB1_1-.Ltmp0, $4  }
0xa: {  	s11 =	simm.s32 $0x0;
	s3 =	rddreg [dreg:$0x1];
	s5 =	sadd.s32 s4, s5  }
0xb: {  	_ =	strace $0x8000004A;
	s4 =	simm.s32 $0x1;
	s5 =	smul.u32 $0x1A, s5  }
0xc: {  	s6 =	sadd.s32 $0xA00, s6;
	s10 =	smov.u32 s2;
	[sflag:s4] =	ssyncpa.u1 $0x0  }
0xd: {  	p0 =	por $0x0, $0x0;
	[sflag:s7] =	ssyncpa.u1 $0x0;
	s7 =	sor.u32 $0x1, s5  }
.LBB1_4:
0xe: {  	s16 =	sshll.u32 s13, $0x3;
	s17 =	sand.u32 $0x78, s13  }
0xf: {  	s30 =	sand.u32 $0x1F800, s13;
	s12 =	sshll.u32 s12, $0x11;
	s16 =	sand.u32 $0x3C00, s16  }
0x10: {  	[tilespmem:s15+$0x810 ss:$0x81] =	vst.msk $0xffff, v2;
	s31 =	sand.u32 $0x7, s13;
	s16 =	sor.u32 s17, s16;
	s17 =	sadd.s32 s3, s30  }
0x11: {  	[tilespmem:s15+$0x1020 ss:$0x81] =	vst.msk $0xffff, v0;
	s13 =	sshll.u32 s31, $0x12;
	s12 =	sadd.s32 s12, s17;
	s16 =	sshrl.u32 s16, $0x3  }
0x12: {  	[tilespmem:s15+$0x0 ss:$0x81] =	vst.msk $0xffff, v1;
	s13 =	sor.u32 $0x400, s13;
	s12 =	sadd.s32 s16, s12  }
0x13: {  	[hbm4b:s12+s13] =	stream.strided.scatter [tilespmem:s14], [sflag:$0x2], $0x2000, s8, s13, $0x20;
	[tilespmem:$0x8080] =	vst v63  }
.LBB1_5:
0x14: {  	s14 =	sadd.s32 $0x1, s9  }
0x15: {  	s12 =	sadd.s32 $0x1000, s10;
	s16 =	smov.u32 s10;
	p2 =	sgt.s32 s14, $0x19  }
0x16: {  	s16 =	smov.u32 @p2 s12  }
0x17: {  	s14 =	simm.s32 @p2 $0x0;
	p2 =	sgt.s32 s16, $0x3FFF  }
0x18: {  	s16 =	smov.u32 @p2 s2;
	p2 =	sne.s32 s11, s7  }
.Ltmp1:
0x19: {  	p1 =	slt.u32 s11, $0x2;
	(pc) =	sbr.rel @!p2 .LBB1_6-.Ltmp1, $4  }
0x1a: {  	s15 =	simm.s32 @!p1 $0x2  }
0x1b: {  	s13 =	smov.u32 s10;
	p0 =	por !p0, !p0;
	_ =	swait.ge @!p1 [sflag:s15], $0x2000  }
0x1c: {  	s12 =	smov.u32 s9;
	[sflag:s15] =	ssyncset.done @!p1 $0x0;
	s9 =	smov.u32 s14  }
0x1d: {  	s11 =	sadd.s32 $0x1, s11;
	[sflag:s15] =	ssyncadd.s32 @!p1 $0xFFFFE000;
	s10 =	smov.u32 s16  }
.LBB1_1:
0x1e: {  	p1 =	sge.u32 s11, s5  }
0x1f: {  	s31 =	sadd.s32 $0xFFFFFFFF, s11;
	s14 =	sxor.u32 @!p1 $0xFFFFFFFF, s11  }
0x20: {  	s15 =	sshll.u32 @!p1 s10, $0x9;
	s16 =	sshll.u32 @!p1 s9, $0x4;
	s17 =	simm.s32 @!p1 $0x1000  }
0x21: {  	s14 =	sshll.u32 @!p1 s14, $0xD;
	s16 =	sand.u32 @!p1 $0x1F0, s16;
	s15 =	sadd.s32 @!p1 s6, s15  }
0x22: {  	s14 =	sand.u32 @!p1 $0x2000, s14;
	s15 =	sadd.s32 @!p1 s16, s15;
	s16 =	simm.s32 @!p1 $0x40  }
0x23: {  	[tilespmem:s14], [sflag:$0x1] =	stream.strided.gather @!p1 [hbm4b:s15+s16], $0x2000, s17, s16, $0x38;
	[tilespmem:$0x8080] =	vst v63  }
0x24: {  	p1 =	sge.u32 s31, s5  }
.Ltmp2:
0x25: {  	_ = 	snop;
	(pc) =	sbr.rel @p1 .LBB1_5-.Ltmp2, $1  }
0x26: {  	_ =	sdelay $0x3  }
0x27: {  	s14 =	simm.s32 $0x1  }
0x28: {  	_ =	swait.ge [sflag:s4], $0x2000;
	s14 =	simm.s32 @!p0 $0x0  }
0x29: {  	[sflag:s4] =	ssyncset.done $0x0;
	s15 =	sshll.u32 s14, $0xD  }
0x2a: {  	[sflag:s4] =	ssyncadd.s32 $0xFFFFE000;
	s18 =	sor.u32 $0x20, s15  }
0x2b: {  	s14 =	smul.u32 $0x8100, s14;
	v3 =	vld [tilespmem:s18+$0x10]  }
0x2c: {  	s30 =	sand.u32 $0x1, s11;
	v2 =	vld [tilespmem:s18+$0xFFFFFFF0]  }
0x2d: {  	s15 =	smul.u32 $0x8100, s30;
	s14 =	sshrl.u32 s14, $0x2;
	v0 =	vld [tilespmem:s18+$0x0]  }
0x2e: {  	v1 =	vld [tilespmem:s18+$0xFFFFFFE0];
	s16 =	sor.u32 $0x4000, s14  }
0x2f: {  	s31 =	sshrl.u32 s15, $0x2;
	s15 =	sadd.s32 $0x0, s16  }
0x30: {  	s17 =	simm.s32 $0x4;
	s18 =	sadd.s32 $0x40, s18;
	s14 =	sor.u32 $0x4000, s31;
	[tilespmem:s15+$0x1830 ss:$0x81] =	vst.msk $0xffff, v3  }
.LBB1_3:
0x31: {  	v3 =	vld [tilespmem:s18+$0x10];
	p1 =	sne.s32 s17, $0x1FC;
	[tilespmem:s15+$0x810 ss:$0x81] =	vst.msk $0xffff, v2;
	s19 =	smov.u32 s17;
	s17 =	sadd.s32 $0x4, s17  }
.Ltmp3:
0x32: {  	v2 =	vld [tilespmem:s18+$0xFFFFFFF0];
	[tilespmem:s15+$0x1020 ss:$0x81] =	vst.msk $0xffff, v0;
	(pc) =	sbr.rel @p1 .LBB1_3-.Ltmp3, $4  }
0x33: {  	v0 =	vld [tilespmem:s18+$0x0];
	[tilespmem:s15+$0x0 ss:$0x81] =	vst.msk $0xffff, v1  }
0x34: {  	s15 =	sshra.s32 s19, $0x2;
	v1 =	vld [tilespmem:s18+$0xFFFFFFE0]  }
0x35: {  	s15 =	sadd.s32 s15, s16  }
0x36: {  	s18 =	sadd.s32 $0x40, s18;
	[tilespmem:s15+$0x1830 ss:$0x81] =	vst.msk $0xffff, v3  }
.Ltmp4:
0x37: {  	_ = 	snop;
	(pc) =	sbr.rel .LBB1_4-.Ltmp4, $1  }
0x38: {  	_ =	sdelay $0x3  }
.LBB1_6:
0x39: {  	_ =	sfence.sel $0x180000  }
0x3a: {  	s2 =	simm.s32 $0x1;
	[bflag:$0x0] =	sbarrier.arrive $0xFFFF  }
0x3b: {  	s31 =	simm.s32 $0x2;
	[sflag:s2] =	ssyncpa.u1 $0x1  }
0x3c: {  	[sflag:s31] =	ssyncpa.u1 $0x1  }
0x3d: {  	p0 =	sne.s32 s0, $0x0;
	_ =	strace $0x9000004A  }
0x3e: {  	s0 =	sadd.s32 @!p0 $0x100000, s1;
	[bflag:$0x2] =	sbarrier.arrive $0xFFFF  }
0x3f: {  	[sflag:s0] =	ssyncadd.tile.s32 @!p0 $0x1;
	_ =	shalt  }
.Lfunc_end1:
_tile_overlayer_lowered:
.L_overlay_start_2:
0x40: {  	(tag) =	ssettag $0x2  }
0x41: {  	s0 =	rddreg [dreg:$0x0];
	s2 =	stileid.u32  }
0x42: {  	s1 =	rddreg [dreg:$0x1];
	p0 =	sne.s32 s2, $0x0  }
0x43: {  	s3 =	rddreg [dreg:$0x2];
	[bflag:$0x3] =	sbarrier.arrive $0xFFFF;
	s2 =	simm.s32 @!p0 $0x1C01  }
0x44: {  	[timem:s3], [sflag:s2] =	dma.local @!p0 [hbm:s0], s1  }
0x45: {  	s0 =	simm.s32 @!p0 $0x1  }
0x46: {  	_ =	swait.ge @!p0 [sflag:s0], s1  }
0x47: {  	s1 =	ssub.s32 @!p0 $0x0, s1;
	[sflag:s0] =	ssyncset.done @!p0 $0x0  }
0x48: {  	[sflag:s0] =	ssyncadd.s32 @!p0 s1  }
0x49: {  	[bflag:$0x3] =	sbarrier.arrive $0xFFFF  }
0x4a: {  	_ =	shalt  }

</sc_bundles>
